<compile_context>
chip_gen: v7x
topology: tpu7x:2x2x1
jax: 0.10.2.dev20260603
libtpu: 0.0.44.dev20260713+nightly
codegen_flags: <defaults>
</compile_context>

<pallas_src>
import functools

import jax
import jax.numpy as jnp
from jax import lax
from jax.experimental import pallas as pl
from jax.experimental.pallas import tpu as pltpu
from jax.experimental.pallas import tpu_sc as plsc

N = 10000
F = 128
C = 10
NB = 8
NC, NS = 2, 16
NW = NC * NS
CHUNK = 128
NPAD1 = 10240
ZCH1 = NPAD1 // NS
NPAD2 = 10112
ZROWS = NPAD2 // NS
E1, E2 = 320000, 160000
_GRAN = NW * CHUNK
E1P = ((E1 + _GRAN - 1) // _GRAN) * _GRAN
E2P = ((E2 + _GRAN - 1) // _GRAN) * _GRAN
N1 = E1P // (NW * CHUNK)
N2 = E2P // (NW * CHUNK)

_mesh = plsc.VectorSubcoreMesh(core_axis_name="c", subcore_axis_name="s",
                               num_cores=NC, num_subcores=NS)


def _deg_body(dst1, dst2, zflat, degp, acc1, acc2, idx_v, ones_v, ztmp):
    c = lax.axis_index("c")
    s = lax.axis_index("s")
    w = c * NS + s
    pltpu.sync_copy(zflat, ztmp)
    pltpu.sync_copy(ztmp, acc1.at[pl.ds(s * ZCH1, ZCH1)])
    pltpu.sync_copy(ztmp, acc2.at[pl.ds(s * ZCH1, ZCH1)])
    for j in range(CHUNK // 16):
        ones_v[pl.ds(j * 16, 16)] = jnp.ones((16,), jnp.float32)
    plsc.subcore_barrier()

    def body1(i, carry):
        base = pl.multiple_of((w * N1 + i) * CHUNK, CHUNK)
        pltpu.sync_copy(dst1.at[pl.ds(base, CHUNK)], idx_v)
        pltpu.sync_copy(ones_v, acc1.at[idx_v], add=True)
        return carry

    def body2(i, carry):
        base = pl.multiple_of((w * N2 + i) * CHUNK, CHUNK)
        pltpu.sync_copy(dst2.at[pl.ds(base, CHUNK)], idx_v)
        pltpu.sync_copy(ones_v, acc2.at[idx_v], add=True)
        return carry

    lax.fori_loop(0, N1, body1, 0)
    lax.fori_loop(0, N2, body2, 0)
    plsc.subcore_barrier()
    pltpu.sync_copy(acc1.at[pl.ds(s * ZCH1, ZCH1)], ztmp)
    pltpu.sync_copy(ztmp, degp.at[pl.ds((c * 2 + 0) * NPAD1 + s * ZCH1, ZCH1)])
    pltpu.sync_copy(acc2.at[pl.ds(s * ZCH1, ZCH1)], ztmp)
    pltpu.sync_copy(ztmp, degp.at[pl.ds((c * 2 + 1) * NPAD1 + s * ZCH1, ZCH1)])


_deg_kernel = pl.kernel(
    _deg_body,
    out_type=jax.ShapeDtypeStruct((NC * 2 * NPAD1,), jnp.float32),
    mesh=_mesh,
    scratch_types=[
        pltpu.VMEM_SHARED((NPAD1,), jnp.float32),
        pltpu.VMEM_SHARED((NPAD1,), jnp.float32),
        pltpu.VMEM((CHUNK,), jnp.int32),
        pltpu.VMEM((CHUNK,), jnp.float32),
        pltpu.VMEM((ZCH1,), jnp.float32),
    ],
)


def _agg_body(ni0, ni1, u_hbm, src_hbm, dst_hbm, zrows, part, acc, src_v,
              dst_v, rows_v, gsem):
    c = lax.axis_index("c")
    s = lax.axis_index("s")
    cbase = jnp.where(c == 0, s * ni0, NS * ni0 + s * ni1)
    ni = jnp.where(c == 0, ni0, ni1)

    pltpu.sync_copy(zrows, rows_v)
    for j in range(4):
        pltpu.sync_copy(rows_v, acc.at[pl.ds(s * ZROWS + j * CHUNK, CHUNK)])
    tail = ZROWS - 4 * CHUNK
    pltpu.sync_copy(rows_v.at[pl.ds(0, tail)],
                    acc.at[pl.ds(s * ZROWS + 4 * CHUNK, tail)])
    plsc.subcore_barrier()

    def body(i, carry):
        base = pl.multiple_of((cbase + i) * CHUNK, CHUNK)
        pltpu.sync_copy(src_hbm.at[pl.ds(base, CHUNK)], src_v)
        pltpu.sync_copy(dst_hbm.at[pl.ds(base, CHUNK)], dst_v)
        pltpu.async_copy(u_hbm.at[src_v], rows_v, gsem).wait()
        pltpu.sync_copy(rows_v, acc.at[dst_v], add=True)
        return carry

    lax.fori_loop(0, ni, body, 0)
    plsc.subcore_barrier()
    for j in range(4):
        pltpu.sync_copy(acc.at[pl.ds(s * ZROWS + j * CHUNK, CHUNK)], rows_v)
        pltpu.sync_copy(rows_v, part.at[c, pl.ds(s * ZROWS + j * CHUNK, CHUNK)])
    pltpu.sync_copy(acc.at[pl.ds(s * ZROWS + 4 * CHUNK, tail)],
                    rows_v.at[pl.ds(0, tail)])
    pltpu.sync_copy(rows_v.at[pl.ds(0, tail)],
                    part.at[c, pl.ds(s * ZROWS + 4 * CHUNK, tail)])


def _make_agg(ni0, ni1):
    return pl.kernel(
        functools.partial(_agg_body, ni0, ni1),
        out_type=jax.ShapeDtypeStruct((NC, NPAD2, F), jnp.float32),
        mesh=_mesh,
        scratch_types=[
            pltpu.VMEM_SHARED((NPAD2, F), jnp.float32),
            pltpu.VMEM((CHUNK,), jnp.int32),
            pltpu.VMEM((CHUNK,), jnp.int32),
            pltpu.VMEM((CHUNK, F), jnp.float32),
            pltpu.SemaphoreType.DMA,
        ],
    )


NT1 = E1P // (NS * CHUNK)
NT2 = E2P // (NS * CHUNK)
NI1_0, NI1_1 = 112, NT1 - 112
NI2_0, NI2_1 = 57, NT2 - 57
_agg1 = _make_agg(NI1_0, NI1_1)
_agg2 = _make_agg(NI2_0, NI2_1)


def _bn(x, g, b, eps=1e-5):
    mu = jnp.mean(x, axis=0, keepdims=True)
    var = jnp.mean((x - mu) ** 2, axis=0, keepdims=True)
    return (x - mu) / jnp.sqrt(var + eps) * g + b


def _lrelu(x):
    return jnp.where(x >= 0, x, 0.1 * x)


def _dis_cols(degp):
    degsum = degp[0] + degp[1]
    dis1 = lax.rsqrt(degsum[0, :N] + 1.0)[:, None]
    dis2 = lax.rsqrt(degsum[1, :N] + 1.0)[:, None]
    return dis1, dis2


def _tcmm_body(x_ref, w1_ref, h1_ref):
    h1_ref[...] = jnp.dot(x_ref[...], w1_ref[...],
                          preferred_element_type=jnp.float32)


_tcmm = pl.pallas_call(
    _tcmm_body,
    out_shape=jax.ShapeDtypeStruct((N, F), jnp.float32),
)


def _tc1_body(h1_ref, degp_ref, u1_ref, u2_ref):
    h1 = h1_ref[...]
    dis1, dis2 = _dis_cols(degp_ref[...])
    u1_ref[...] = h1 * dis1
    u2_ref[...] = h1 * dis2


_tc1 = pl.pallas_call(
    _tc1_body,
    out_shape=[jax.ShapeDtypeStruct((N, F), jnp.float32),
               jax.ShapeDtypeStruct((N, F), jnp.float32)],
)


def _tc2a_body(part2_ref, u2_ref, degp_ref, b1_ref, wt_ref, bt_ref, gz_ref,
               bz_ref, z_ref):
    _, dis2 = _dis_cols(degp_ref[...])
    a2 = part2_ref[0, :N] + part2_ref[1, :N] + u2_ref[...]
    z0 = a2 * dis2 + b1_ref[...]
    z_ref[...] = _bn(jnp.dot(z0, wt_ref[...], preferred_element_type=jnp.float32)
                     + bt_ref[...], gz_ref[...], bz_ref[...])


_tc2a = pl.pallas_call(
    _tc2a_body,
    out_shape=jax.ShapeDtypeStruct((N, F), jnp.float32),
)


def _tc2b_body(part1_ref, u1_ref, z_ref, degp_ref, b1_ref, g1_ref, bb1_ref,
               w2_ref, v_ref):
    dis1, _ = _dis_cols(degp_ref[...])
    a1 = part1_ref[0, :N] + part1_ref[1, :N] + u1_ref[...]
    g = a1 * dis1 + b1_ref[...]
    h = _lrelu(_bn(g + z_ref[...], g1_ref[...], bb1_ref[...]))
    v_ref[...] = jnp.dot(h, w2_ref[...], preferred_element_type=jnp.float32) * dis1


_tc2b = pl.pallas_call(
    _tc2b_body,
    out_shape=jax.ShapeDtypeStruct((N, F), jnp.float32),
)


def _tc3_body(part3_ref, v_ref, degp_ref, b2_ref, g2_ref, bb2_ref, p_ref,
              bd_ref, wg_ref, bg_ref, out_ref, yp_ref):
    dis1, _ = _dis_cols(degp_ref[...])
    a3 = part3_ref[0, :N] + part3_ref[1, :N] + v_ref[...]
    hh = a3 * dis1 + b2_ref[...]
    hh = _lrelu(_bn(hh, g2_ref[...], bb2_ref[...])) + bd_ref[0, 0]
    p = p_ref[0, 0]
    seg = N // NB
    rows = []
    for b in range(NB):
        blk = hh[b * seg:(b + 1) * seg]
        base = jnp.clip(blk, 0.0, 100.0) + 1e-12
        xc = jnp.exp(p * jnp.log(base))
        rows.append(jnp.mean(xc, axis=0, keepdims=True))
    m = jnp.concatenate(rows, axis=0)
    aggv = jnp.exp(jnp.log(jnp.clip(m, 0.0, 100.0) + 1e-12) / p)
    outv = jnp.dot(aggv, wg_ref[...], preferred_element_type=jnp.float32) \
        + bg_ref[...]
    out_ref[...] = outv
    mx = jnp.max(outv, axis=1, keepdims=True)
    ii = lax.broadcasted_iota(jnp.int32, (NB, C), 1)
    yp_ref[...] = jnp.min(jnp.where(outv >= mx, ii, C), axis=1)[None, :]


_tc3 = pl.pallas_call(
    _tc3_body,
    out_shape=[jax.ShapeDtypeStruct((NB, C), jnp.float32),
               jax.ShapeDtypeStruct((1, NB), jnp.int32)],
)


def _pad_edges(ei, epad):
    e = ei.shape[1]
    padn = epad - e
    src = jnp.concatenate([ei[0], jnp.zeros((padn,), jnp.int32)])
    dst = jnp.concatenate(
        [ei[1], N + (jnp.arange(padn, dtype=jnp.int32) % (NPAD2 - N))])
    return src, dst


def kernel(x, edge_index, internal_edge_index, ppi_edge_index, batch_size,
           W1, b1, Wt, bt, W2, b2, gz, bz, g1, bb1, g2, bb2, p, Wg, bg):
    src1, dst1 = _pad_edges(edge_index, E1P)
    src2, dst2 = _pad_edges(internal_edge_index, E2P)
    zflat = jnp.zeros((ZCH1,), jnp.float32)
    zrows = jnp.zeros((CHUNK, F), jnp.float32)

    h1 = _tcmm(x, W1)
    degp = _deg_kernel(dst1, dst2, zflat).reshape(NC, 2, NPAD1)
    u1, u2 = _tc1(h1, degp)
    part2 = _agg2(u2, src2, dst2, zrows)
    part1 = _agg1(u1, src1, dst1, zrows)
    z = _tc2a(part2, u2, degp, b1, Wt, bt, gz, bz)
    v = _tc2b(part1, u1, z, degp, b1, g1, bb1, W2)
    part3 = _agg1(v, src1, dst1, zrows)

    pexp = p.reshape(1, 1)
    bd = (jnp.asarray(batch_size, jnp.float32) - jnp.float32(NB)).reshape(1, 1)
    out, yp = _tc3(part3, v, degp, b2, g2, bb2, pexp, bd, Wg, bg)
    return (out, yp.reshape(NB))

# --- scband reference (transcript-rebuilt; emitter-appended) ---
"""Pipeline reference for scband-graph-decoder-30253749633324 (READ-ONLY COPY).

The authoritative reference and input builder live on the scoring server;
editing this copy changes nothing except your own understanding.
"""

import jax, jax.numpy as jnp
import numpy as np

N = 10000
D = 128
H = 128
EMB = 128
C = 10
E1 = 320000
E2 = 160000
E3 = 10000
B = 8

def setup_inputs(seed: int = 0):
    key = jax.random.key(seed)
    ks = jax.random.split(key, 16)
    inp = {}
    inp["x"] = jax.random.normal(ks[0], (N, D), dtype=jnp.float32)
    inp["edge_index"] = jax.random.randint(ks[1], (2, E1), 0, N, dtype=jnp.int32)
    inp["internal_edge_index"] = jax.random.randint(ks[2], (2, E2), 0, N, dtype=jnp.int32)
    inp["ppi_edge_index"] = jax.random.randint(ks[3], (2, E3), 0, N, dtype=jnp.int32)
    inp["batch_size"] = B
    s1 = (1.0 / D) ** 0.5
    s2 = (1.0 / H) ** 0.5
    inp["W1"] = jax.random.uniform(ks[4], (D, H), jnp.float32, -s1, s1)
    inp["b1"] = jnp.zeros((H,), jnp.float32)
    inp["Wt"] = jax.random.uniform(ks[5], (H, H), jnp.float32, -s2, s2)
    inp["bt"] = jnp.zeros((H,), jnp.float32)
    inp["W2"] = jax.random.uniform(ks[6], (H, EMB), jnp.float32, -s2, s2)
    inp["b2"] = jnp.zeros((EMB,), jnp.float32)
    inp["gz"] = jnp.ones((H,), jnp.float32)
    inp["bz"] = jnp.zeros((H,), jnp.float32)
    inp["g1"] = jnp.ones((H,), jnp.float32)
    inp["bb1"] = jnp.zeros((H,), jnp.float32)
    inp["g2"] = jnp.ones((EMB,), jnp.float32)
    inp["bb2"] = jnp.zeros((EMB,), jnp.float32)
    inp["p"] = jnp.ones((1,), jnp.float32)
    inp["Wg"] = jax.random.uniform(ks[7], (EMB, C), jnp.float32, -s2, s2)
    inp["bg"] = jnp.zeros((C,), jnp.float32)
    return inp

def _gcn(x, src, dst, W, b, num_nodes):
    loop = jnp.arange(num_nodes, dtype=src.dtype)
    s = jnp.concatenate([src, loop])
    d = jnp.concatenate([dst, loop])
    deg = jnp.zeros((num_nodes,), jnp.float32).at[d].add(1.0)
    dis = jnp.where(deg > 0, deg ** -0.5, 0.0)
    norm = dis[s] * dis[d]
    h = x @ W
    msg = h[s] * norm[:, None]
    out = jnp.zeros((num_nodes, W.shape[1]), jnp.float32).at[d].add(msg)
    return out + b

def _bn(x, g, b, eps=1e-5):
    mu = jnp.mean(x, axis=0)
    var = jnp.mean((x - mu) ** 2, axis=0)
    return (x - mu) / jnp.sqrt(var + eps) * g + b

def _lrelu(x):
    return jnp.where(x >= 0, x, 0.1 * x)

def reference(x, edge_index, internal_edge_index, ppi_edge_index, batch_size, W1, b1, Wt, bt, W2, b2, gz, bz, g1, bb1, g2, bb2, p, Wg, bg):
    n = x.shape[0]
    z = _gcn(x, internal_edge_index[0], internal_edge_index[1], W1, b1, n)
    z = z @ Wt + bt
    z = _bn(z, gz, bz)
    h = _gcn(x, edge_index[0], edge_index[1], W1, b1, n) + z
    h = _bn(h, g1, bb1)
    h = _lrelu(h)
    h = _gcn(h, edge_index[0], edge_index[1], W2, b2, n)
    h = _bn(h, g2, bb2)
    h = _lrelu(h)
    h = h + (jnp.asarray(batch_size) - B).astype(h.dtype)
    hr = h.reshape(B, n // B, EMB)
    base = jnp.clip(hr, 0.0, 100.0) + 1e-12
    xc = jnp.power(base, p)
    m = jnp.mean(xc, axis=1)
    agg = jnp.power(jnp.clip(m, 0.0, 100.0) + 1e-12, 1.0 / p)
    output = agg @ Wg + bg
    ypred = jnp.argmax(output, axis=1)
    return (output, ypred)

if __name__ == "__main__":
    import jax
    _d = setup_inputs()
    print(jax.jit(kernel)(*tuple(_d.values())))

</pallas_src>

<mosaic_0001>
#map = affine_map<(d0, d1) -> (0, 0)>
#map1 = affine_map<(d0, d1) -> (0)>
#map2 = affine_map<(d0, d1) -> (0, 0, 0)>
module attributes {stable_mosaic.version = 14 : i64} {
  func.func @_agg_body(%arg0: i32, %arg1: i32, %arg2: memref<10000x128xf32, #tpu.memory_space<hbm>>, %arg3: memref<323584xi32, #tpu.memory_space<hbm>>, %arg4: memref<323584xi32, #tpu.memory_space<hbm>>, %arg5: memref<128x128xf32, #tpu.memory_space<hbm>>, %arg6: memref<2x10112x128xf32, #tpu.memory_space<hbm>>, %arg7: memref<10112x128xf32, #tpu.memory_space<vmem_shared>>, %arg8: memref<128xi32, #tpu.memory_space<vmem>>, %arg9: memref<128xi32, #tpu.memory_space<vmem>>, %arg10: memref<128x128xf32, #tpu.memory_space<vmem>>, %arg11: memref<!tpu.dma_semaphore, #tpu.memory_space<semaphore_mem>>) attributes {dimension_semantics = [#tpu.dimension_semantics<core_parallel>, #tpu.dimension_semantics<subcore_parallel>], iteration_bounds = array<i64: 2, 16>, scalar_prefetch = 0 : i64, scratch_operands = 5 : i64, tpu.core_type = #tpu.core_type<sc_vector_subcore>, window_params = [{transform_indices = #map}, {transform_indices = #map1}, {transform_indices = #map1}, {transform_indices = #map}, {transform_indices = #map2}]} {
    %eq3A = arith.constant 0 : i32
    %eq3A_0 = arith.cmpi eq, %arg0, %eq3A : i32
    %mul3A = arith.constant 112 : i32
    %mul3A_1 = arith.muli %arg1, %mul3A : i32
    %mul3A_2 = arith.constant 46 : i32
    %mul3A_3 = arith.muli %arg1, %mul3A_2 : i32
    %add3A = arith.constant 1792 : i32
    %add3A_4 = arith.addi %add3A, %mul3A_3 : i32
    %select_n3A = arith.select %eq3A_0, %mul3A_1, %add3A_4 : i32
    %eq3A_5 = arith.constant 0 : i32
    %eq3A_6 = arith.cmpi eq, %arg0, %eq3A_5 : i32
    %jit3A = arith.constant 112 : i32
    %jit3A_7 = arith.constant 46 : i32
    %select_n3A_8 = arith.select %eq3A_6, %jit3A, %jit3A_7 : i32
    "tpu.region"() ({
      %run_scoped3A = tpu.sem_alloc : memref<!tpu.dma_semaphore, #tpu.memory_space<semaphore_mem>>
      tpu.enqueue_dma source(%arg5 : memref<128x128xf32, #tpu.memory_space<hbm>>) target(%arg10 : memref<128x128xf32, #tpu.memory_space<vmem>>) target_semaphore(%run_scoped3A : memref<!tpu.dma_semaphore, #tpu.memory_space<semaphore_mem>>)
      tpu.wait_dma2 semaphore(%run_scoped3A : memref<!tpu.dma_semaphore, #tpu.memory_space<semaphore_mem>>) src(%arg5 : memref<128x128xf32, #tpu.memory_space<hbm>>) dst(%arg10 : memref<128x128xf32, #tpu.memory_space<vmem>>)
      tpu.yield
    }) : () -> ()
    %mul3A_9 = arith.constant 632 : i32
    %mul3A_10 = arith.muli %arg1, %mul3A_9 : i32
    %add3A_11 = arith.constant 0 : i32
    %add3A_12 = arith.addi %mul3A_10, %add3A_11 : i32
    "tpu.region"() ({
      %run_scoped3A = tpu.sem_alloc : memref<!tpu.dma_semaphore, #tpu.memory_space<semaphore_mem>>
      %dma_start3A = arith.constant 0 : i32
      %dma_start3A_79 = tpu.memref_slice %arg7[%add3A_12, %dma_start3A] : memref<10112x128xf32, #tpu.memory_space<vmem_shared>> -> memref<128x128xf32, #tpu.memory_space<vmem_shared>>
      %dma_start3A_80 = arith.constant 0 : i32
      %dma_start3A_81 = tpu.memref_slice %arg7[%add3A_12, %dma_start3A_80] : memref<10112x128xf32, #tpu.memory_space<vmem_shared>> -> memref<128x128xf32, #tpu.memory_space<vmem_shared>>
      tpu.enqueue_dma source(%arg10 : memref<128x128xf32, #tpu.memory_space<vmem>>) target(%dma_start3A_81 : memref<128x128xf32, #tpu.memory_space<vmem_shared>>) target_semaphore(%run_scoped3A : memref<!tpu.dma_semaphore, #tpu.memory_space<semaphore_mem>>)
      %dma_wait3A = arith.constant 0 : i32
      %dma_wait3A_82 = tpu.memref_slice %arg7[%add3A_12, %dma_wait3A] : memref<10112x128xf32, #tpu.memory_space<vmem_shared>> -> memref<128x128xf32, #tpu.memory_space<vmem_shared>>
      %dma_wait3A_83 = arith.constant 0 : i32
      %dma_wait3A_84 = tpu.memref_slice %arg7[%add3A_12, %dma_wait3A_83] : memref<10112x128xf32, #tpu.memory_space<vmem_shared>> -> memref<128x128xf32, #tpu.memory_space<vmem_shared>>
      tpu.wait_dma2 semaphore(%run_scoped3A : memref<!tpu.dma_semaphore, #tpu.memory_space<semaphore_mem>>) src(%arg10 : memref<128x128xf32, #tpu.memory_space<vmem>>) dst(%dma_wait3A_84 : memref<128x128xf32, #tpu.memory_space<vmem_shared>>)
      tpu.yield
    }) : () -> ()
    %mul3A_13 = arith.constant 632 : i32
    %mul3A_14 = arith.muli %arg1, %mul3A_13 : i32
    %add3A_15 = arith.constant 128 : i32
    %add3A_16 = arith.addi %mul3A_14, %add3A_15 : i32
    "tpu.region"() ({
      %run_scoped3A = tpu.sem_alloc : memref<!tpu.dma_semaphore, #tpu.memory_space<semaphore_mem>>
      %dma_start3A = arith.constant 0 : i32
      %dma_start3A_79 = tpu.memref_slice %arg7[%add3A_16, %dma_start3A] : memref<10112x128xf32, #tpu.memory_space<vmem_shared>> -> memref<128x128xf32, #tpu.memory_space<vmem_shared>>
      %dma_start3A_80 = arith.constant 0 : i32
      %dma_start3A_81 = tpu.memref_slice %arg7[%add3A_16, %dma_start3A_80] : memref<10112x128xf32, #tpu.memory_space<vmem_shared>> -> memref<128x128xf32, #tpu.memory_space<vmem_shared>>
      tpu.enqueue_dma source(%arg10 : memref<128x128xf32, #tpu.memory_space<vmem>>) target(%dma_start3A_81 : memref<128x128xf32, #tpu.memory_space<vmem_shared>>) target_semaphore(%run_scoped3A : memref<!tpu.dma_semaphore, #tpu.memory_space<semaphore_mem>>)
      %dma_wait3A = arith.constant 0 : i32
      %dma_wait3A_82 = tpu.memref_slice %arg7[%add3A_16, %dma_wait3A] : memref<10112x128xf32, #tpu.memory_space<vmem_shared>> -> memref<128x128xf32, #tpu.memory_space<vmem_shared>>
      %dma_wait3A_83 = arith.constant 0 : i32
      %dma_wait3A_84 = tpu.memref_slice %arg7[%add3A_16, %dma_wait3A_83] : memref<10112x128xf32, #tpu.memory_space<vmem_shared>> -> memref<128x128xf32, #tpu.memory_space<vmem_shared>>
      tpu.wait_dma2 semaphore(%run_scoped3A : memref<!tpu.dma_semaphore, #tpu.memory_space<semaphore_mem>>) src(%arg10 : memref<128x128xf32, #tpu.memory_space<vmem>>) dst(%dma_wait3A_84 : memref<128x128xf32, #tpu.memory_space<vmem_shared>>)
      tpu.yield
    }) : () -> ()
    %mul3A_17 = arith.constant 632 : i32
    %mul3A_18 = arith.muli %arg1, %mul3A_17 : i32
    %add3A_19 = arith.constant 256 : i32
    %add3A_20 = arith.addi %mul3A_18, %add3A_19 : i32
    "tpu.region"() ({
      %run_scoped3A = tpu.sem_alloc : memref<!tpu.dma_semaphore, #tpu.memory_space<semaphore_mem>>
      %dma_start3A = arith.constant 0 : i32
      %dma_start3A_79 = tpu.memref_slice %arg7[%add3A_20, %dma_start3A] : memref<10112x128xf32, #tpu.memory_space<vmem_shared>> -> memref<128x128xf32, #tpu.memory_space<vmem_shared>>
      %dma_start3A_80 = arith.constant 0 : i32
      %dma_start3A_81 = tpu.memref_slice %arg7[%add3A_20, %dma_start3A_80] : memref<10112x128xf32, #tpu.memory_space<vmem_shared>> -> memref<128x128xf32, #tpu.memory_space<vmem_shared>>
      tpu.enqueue_dma source(%arg10 : memref<128x128xf32, #tpu.memory_space<vmem>>) target(%dma_start3A_81 : memref<128x128xf32, #tpu.memory_space<vmem_shared>>) target_semaphore(%run_scoped3A : memref<!tpu.dma_semaphore, #tpu.memory_space<semaphore_mem>>)
      %dma_wait3A = arith.constant 0 : i32
      %dma_wait3A_82 = tpu.memref_slice %arg7[%add3A_20, %dma_wait3A] : memref<10112x128xf32, #tpu.memory_space<vmem_shared>> -> memref<128x128xf32, #tpu.memory_space<vmem_shared>>
      %dma_wait3A_83 = arith.constant 0 : i32
      %dma_wait3A_84 = tpu.memref_slice %arg7[%add3A_20, %dma_wait3A_83] : memref<10112x128xf32, #tpu.memory_space<vmem_shared>> -> memref<128x128xf32, #tpu.memory_space<vmem_shared>>
      tpu.wait_dma2 semaphore(%run_scoped3A : memref<!tpu.dma_semaphore, #tpu.memory_space<semaphore_mem>>) src(%arg10 : memref<128x128xf32, #tpu.memory_space<vmem>>) dst(%dma_wait3A_84 : memref<128x128xf32, #tpu.memory_space<vmem_shared>>)
      tpu.yield
    }) : () -> ()
    %mul3A_21 = arith.constant 632 : i32
    %mul3A_22 = arith.muli %arg1, %mul3A_21 : i32
    %add3A_23 = arith.constant 384 : i32
    %add3A_24 = arith.addi %mul3A_22, %add3A_23 : i32
    "tpu.region"() ({
      %run_scoped3A = tpu.sem_alloc : memref<!tpu.dma_semaphore, #tpu.memory_space<semaphore_mem>>
      %dma_start3A = arith.constant 0 : i32
      %dma_start3A_79 = tpu.memref_slice %arg7[%add3A_24, %dma_start3A] : memref<10112x128xf32, #tpu.memory_space<vmem_shared>> -> memref<128x128xf32, #tpu.memory_space<vmem_shared>>
      %dma_start3A_80 = arith.constant 0 : i32
      %dma_start3A_81 = tpu.memref_slice %arg7[%add3A_24, %dma_start3A_80] : memref<10112x128xf32, #tpu.memory_space<vmem_shared>> -> memref<128x128xf32, #tpu.memory_space<vmem_shared>>
      tpu.enqueue_dma source(%arg10 : memref<128x128xf32, #tpu.memory_space<vmem>>) target(%dma_start3A_81 : memref<128x128xf32, #tpu.memory_space<vmem_shared>>) target_semaphore(%run_scoped3A : memref<!tpu.dma_semaphore, #tpu.memory_space<semaphore_mem>>)
      %dma_wait3A = arith.constant 0 : i32
      %dma_wait3A_82 = tpu.memref_slice %arg7[%add3A_24, %dma_wait3A] : memref<10112x128xf32, #tpu.memory_space<vmem_shared>> -> memref<128x128xf32, #tpu.memory_space<vmem_shared>>
      %dma_wait3A_83 = arith.constant 0 : i32
      %dma_wait3A_84 = tpu.memref_slice %arg7[%add3A_24, %dma_wait3A_83] : memref<10112x128xf32, #tpu.memory_space<vmem_shared>> -> memref<128x128xf32, #tpu.memory_space<vmem_shared>>
      tpu.wait_dma2 semaphore(%run_scoped3A : memref<!tpu.dma_semaphore, #tpu.memory_space<semaphore_mem>>) src(%arg10 : memref<128x128xf32, #tpu.memory_space<vmem>>) dst(%dma_wait3A_84 : memref<128x128xf32, #tpu.memory_space<vmem_shared>>)
      tpu.yield
    }) : () -> ()
    %mul3A_25 = arith.constant 632 : i32
    %mul3A_26 = arith.muli %arg1, %mul3A_25 : i32
    %add3A_27 = arith.constant 512 : i32
    %add3A_28 = arith.addi %mul3A_26, %add3A_27 : i32
    "tpu.region"() ({
      %run_scoped3A = tpu.sem_alloc : memref<!tpu.dma_semaphore, #tpu.memory_space<semaphore_mem>>
      %dma_start3A = arith.constant 0 : i32
      %dma_start3A_79 = arith.constant 0 : i32
      %dma_start3A_80 = tpu.memref_slice %arg10[%dma_start3A, %dma_start3A_79] : memref<128x128xf32, #tpu.memory_space<vmem>> -> memref<120x128xf32, #tpu.memory_space<vmem>>
      %dma_start3A_81 = arith.constant 0 : i32
      %dma_start3A_82 = tpu.memref_slice %arg7[%add3A_28, %dma_start3A_81] : memref<10112x128xf32, #tpu.memory_space<vmem_shared>> -> memref<120x128xf32, #tpu.memory_space<vmem_shared>>
      %dma_start3A_83 = arith.constant 0 : i32
      %dma_start3A_84 = tpu.memref_slice %arg7[%add3A_28, %dma_start3A_83] : memref<10112x128xf32, #tpu.memory_space<vmem_shared>> -> memref<120x128xf32, #tpu.memory_space<vmem_shared>>
      %dma_start3A_85 = arith.constant 0 : i32
      %dma_start3A_86 = arith.constant 0 : i32
      %dma_start3A_87 = tpu.memref_slice %arg10[%dma_start3A_85, %dma_start3A_86] : memref<128x128xf32, #tpu.memory_space<vmem>> -> memref<120x128xf32, #tpu.memory_space<vmem>>
      tpu.enqueue_dma source(%dma_start3A_87 : memref<120x128xf32, #tpu.memory_space<vmem>>) target(%dma_start3A_84 : memref<120x128xf32, #tpu.memory_space<vmem_shared>>) target_semaphore(%run_scoped3A : memref<!tpu.dma_semaphore, #tpu.memory_space<semaphore_mem>>)
      %dma_wait3A = arith.constant 0 : i32
      %dma_wait3A_88 = arith.constant 0 : i32
      %dma_wait3A_89 = tpu.memref_slice %arg10[%dma_wait3A, %dma_wait3A_88] : memref<128x128xf32, #tpu.memory_space<vmem>> -> memref<120x128xf32, #tpu.memory_space<vmem>>
      %dma_wait3A_90 = arith.constant 0 : i32
      %dma_wait3A_91 = tpu.memref_slice %arg7[%add3A_28, %dma_wait3A_90] : memref<10112x128xf32, #tpu.memory_space<vmem_shared>> -> memref<120x128xf32, #tpu.memory_space<vmem_shared>>
      %dma_wait3A_92 = arith.constant 0 : i32
      %dma_wait3A_93 = tpu.memref_slice %arg7[%add3A_28, %dma_wait3A_92] : memref<10112x128xf32, #tpu.memory_space<vmem_shared>> -> memref<120x128xf32, #tpu.memory_space<vmem_shared>>
      %dma_wait3A_94 = arith.constant 0 : i32
      %dma_wait3A_95 = arith.constant 0 : i32
      %dma_wait3A_96 = tpu.memref_slice %arg10[%dma_wait3A_94, %dma_wait3A_95] : memref<128x128xf32, #tpu.memory_space<vmem>> -> memref<120x128xf32, #tpu.memory_space<vmem>>
      tpu.wait_dma2 semaphore(%run_scoped3A : memref<!tpu.dma_semaphore, #tpu.memory_space<semaphore_mem>>) src(%dma_wait3A_96 : memref<120x128xf32, #tpu.memory_space<vmem>>) dst(%dma_wait3A_93 : memref<120x128xf32, #tpu.memory_space<vmem_shared>>)
      tpu.yield
    }) : () -> ()
    %barrier3A = arith.constant 0 : index
    tpu.barrier barrier_id(%barrier3A)
    %while3A = arith.constant 0 : i32
    %while3A_29 = arith.constant 0 : i32
    %while3A_30 = arith.subi %select_n3A_8, %while3A_29 : i32
    %while3A_31 = arith.addi %while3A_29, %while3A_30 : i32
    %while3A_32 = arith.constant 1 : i32
    %while3A_33 = arith.divsi %while3A_30, %while3A_32 : i32
    %while3A_34 = arith.muli %while3A_33, %while3A_32 : i32
    %while3A_35 = arith.addi %while3A_29, %while3A_34 : i32
    %while3A_36 = arith.constant 1 : i32
    scf.for %while3A_79 = %while3A_29 to %while3A_35 step %while3A_36  : i32 {
      %add3A_80 = arith.addi %select_n3A, %while3A_79 : i32
      %mul3A_81 = arith.constant 128 : i32
      %mul3A_82 = arith.muli %add3A_80, %mul3A_81 : i32
      %multiple_of3A = tpu.assume_multiple %mul3A_82, 128 : i32
      "tpu.region"() ({
        %run_scoped3A = tpu.sem_alloc : memref<!tpu.dma_semaphore, #tpu.memory_space<semaphore_mem>>
        %dma_start3A_87 = tpu.memref_slice %arg3[%multiple_of3A] : memref<323584xi32, #tpu.memory_space<hbm>> -> memref<128xi32, #tpu.memory_space<hbm>>
        %dma_start3A_88 = tpu.memref_slice %arg3[%multiple_of3A] : memref<323584xi32, #tpu.memory_space<hbm>> -> memref<128xi32, #tpu.memory_space<hbm>>
        tpu.enqueue_dma source(%dma_start3A_88 : memref<128xi32, #tpu.memory_space<hbm>>) target(%arg8 : memref<128xi32, #tpu.memory_space<vmem>>) target_semaphore(%run_scoped3A : memref<!tpu.dma_semaphore, #tpu.memory_space<semaphore_mem>>)
        %dma_wait3A_89 = tpu.memref_slice %arg3[%multiple_of3A] : memref<323584xi32, #tpu.memory_space<hbm>> -> memref<128xi32, #tpu.memory_space<hbm>>
        %dma_wait3A_90 = tpu.memref_slice %arg3[%multiple_of3A] : memref<323584xi32, #tpu.memory_space<hbm>> -> memref<128xi32, #tpu.memory_space<hbm>>
        tpu.wait_dma2 semaphore(%run_scoped3A : memref<!tpu.dma_semaphore, #tpu.memory_space<semaphore_mem>>) src(%dma_wait3A_90 : memref<128xi32, #tpu.memory_space<hbm>>) dst(%arg8 : memref<128xi32, #tpu.memory_space<vmem>>)
        tpu.yield
      }) : () -> ()
      "tpu.region"() ({
        %run_scoped3A = tpu.sem_alloc : memref<!tpu.dma_semaphore, #tpu.memory_space<semaphore_mem>>
        %dma_start3A_87 = tpu.memref_slice %arg4[%multiple_of3A] : memref<323584xi32, #tpu.memory_space<hbm>> -> memref<128xi32, #tpu.memory_space<hbm>>
        %dma_start3A_88 = tpu.memref_slice %arg4[%multiple_of3A] : memref<323584xi32, #tpu.memory_space<hbm>> -> memref<128xi32, #tpu.memory_space<hbm>>
        tpu.enqueue_dma source(%dma_start3A_88 : memref<128xi32, #tpu.memory_space<hbm>>) target(%arg9 : memref<128xi32, #tpu.memory_space<vmem>>) target_semaphore(%run_scoped3A : memref<!tpu.dma_semaphore, #tpu.memory_space<semaphore_mem>>)
        %dma_wait3A_89 = tpu.memref_slice %arg4[%multiple_of3A] : memref<323584xi32, #tpu.memory_space<hbm>> -> memref<128xi32, #tpu.memory_space<hbm>>
        %dma_wait3A_90 = tpu.memref_slice %arg4[%multiple_of3A] : memref<323584xi32, #tpu.memory_space<hbm>> -> memref<128xi32, #tpu.memory_space<hbm>>
        tpu.wait_dma2 semaphore(%run_scoped3A : memref<!tpu.dma_semaphore, #tpu.memory_space<semaphore_mem>>) src(%dma_wait3A_90 : memref<128xi32, #tpu.memory_space<hbm>>) dst(%arg9 : memref<128xi32, #tpu.memory_space<vmem>>)
        tpu.yield
      }) : () -> ()
      %dma_start3A = arith.constant 0 : i32
      %dma_start3A_83 = arith.constant 0 : i32
      %dma_start3A_84 = tpu.memref_slice %arg2[%dma_start3A, %dma_start3A_83] : memref<10000x128xf32, #tpu.memory_space<hbm>> -> memref<10000x128xf32, #tpu.memory_space<hbm>>
      tpu.enqueue_indirect_dma source(%dma_start3A_84 : memref<10000x128xf32, #tpu.memory_space<hbm>>) target(%arg10 : memref<128x128xf32, #tpu.memory_space<vmem>>) offsets(%arg8 : memref<128xi32, #tpu.memory_space<vmem>>) semaphore(%arg11 : memref<!tpu.dma_semaphore, #tpu.memory_space<semaphore_mem>>)
      %dma_wait3A = arith.constant 0 : i32
      %dma_wait3A_85 = arith.constant 0 : i32
      %dma_wait3A_86 = tpu.memref_slice %arg2[%dma_wait3A, %dma_wait3A_85] : memref<10000x128xf32, #tpu.memory_space<hbm>> -> memref<10000x128xf32, #tpu.memory_space<hbm>>
      tpu.wait_indirect_dma semaphore(%arg11 : memref<!tpu.dma_semaphore, #tpu.memory_space<semaphore_mem>>) src(%dma_wait3A_86 : memref<10000x128xf32, #tpu.memory_space<hbm>>) dst(%arg10 : memref<128x128xf32, #tpu.memory_space<vmem>>)
      "tpu.region"() ({
        %run_scoped3A = tpu.sem_alloc : memref<!tpu.dma_semaphore, #tpu.memory_space<semaphore_mem>>
        %dma_start3A_87 = arith.constant 0 : i32
        %dma_start3A_88 = arith.constant 0 : i32
        %dma_start3A_89 = tpu.memref_slice %arg7[%dma_start3A_87, %dma_start3A_88] : memref<10112x128xf32, #tpu.memory_space<vmem_shared>> -> memref<10112x128xf32, #tpu.memory_space<vmem_shared>>
        tpu.enqueue_indirect_dma source(%arg10 : memref<128x128xf32, #tpu.memory_space<vmem>>) target(%dma_start3A_89 : memref<10112x128xf32, #tpu.memory_space<vmem_shared>>) offsets(%arg9 : memref<128xi32, #tpu.memory_space<vmem>>) semaphore(%run_scoped3A : memref<!tpu.dma_semaphore, #tpu.memory_space<semaphore_mem>>) {add = true}
        %dma_wait3A_90 = arith.constant 0 : i32
        %dma_wait3A_91 = arith.constant 0 : i32
        %dma_wait3A_92 = tpu.memref_slice %arg7[%dma_wait3A_90, %dma_wait3A_91] : memref<10112x128xf32, #tpu.memory_space<vmem_shared>> -> memref<10112x128xf32, #tpu.memory_space<vmem_shared>>
        tpu.wait_indirect_dma semaphore(%run_scoped3A : memref<!tpu.dma_semaphore, #tpu.memory_space<semaphore_mem>>) src(%arg10 : memref<128x128xf32, #tpu.memory_space<vmem>>) dst(%dma_wait3A_92 : memref<10112x128xf32, #tpu.memory_space<vmem_shared>>)
        tpu.yield
      }) : () -> ()
    }
    %while3A_37 = arith.constant 1 : i32
    scf.for %while3A_79 = %while3A_35 to %while3A_31 step %while3A_37  : i32 {
      %add3A_80 = arith.addi %select_n3A, %while3A_79 : i32
      %mul3A_81 = arith.constant 128 : i32
      %mul3A_82 = arith.muli %add3A_80, %mul3A_81 : i32
      %multiple_of3A = tpu.assume_multiple %mul3A_82, 128 : i32
      "tpu.region"() ({
        %run_scoped3A = tpu.sem_alloc : memref<!tpu.dma_semaphore, #tpu.memory_space<semaphore_mem>>
        %dma_start3A_87 = tpu.memref_slice %arg3[%multiple_of3A] : memref<323584xi32, #tpu.memory_space<hbm>> -> memref<128xi32, #tpu.memory_space<hbm>>
        %dma_start3A_88 = tpu.memref_slice %arg3[%multiple_of3A] : memref<323584xi32, #tpu.memory_space<hbm>> -> memref<128xi32, #tpu.memory_space<hbm>>
        tpu.enqueue_dma source(%dma_start3A_88 : memref<128xi32, #tpu.memory_space<hbm>>) target(%arg8 : memref<128xi32, #tpu.memory_space<vmem>>) target_semaphore(%run_scoped3A : memref<!tpu.dma_semaphore, #tpu.memory_space<semaphore_mem>>)
        %dma_wait3A_89 = tpu.memref_slice %arg3[%multiple_of3A] : memref<323584xi32, #tpu.memory_space<hbm>> -> memref<128xi32, #tpu.memory_space<hbm>>
        %dma_wait3A_90 = tpu.memref_slice %arg3[%multiple_of3A] : memref<323584xi32, #tpu.memory_space<hbm>> -> memref<128xi32, #tpu.memory_space<hbm>>
        tpu.wait_dma2 semaphore(%run_scoped3A : memref<!tpu.dma_semaphore, #tpu.memory_space<semaphore_mem>>) src(%dma_wait3A_90 : memref<128xi32, #tpu.memory_space<hbm>>) dst(%arg8 : memref<128xi32, #tpu.memory_space<vmem>>)
        tpu.yield
      }) : () -> ()
      "tpu.region"() ({
        %run_scoped3A = tpu.sem_alloc : memref<!tpu.dma_semaphore, #tpu.memory_space<semaphore_mem>>
        %dma_start3A_87 = tpu.memref_slice %arg4[%multiple_of3A] : memref<323584xi32, #tpu.memory_space<hbm>> -> memref<128xi32, #tpu.memory_space<hbm>>
        %dma_start3A_88 = tpu.memref_slice %arg4[%multiple_of3A] : memref<323584xi32, #tpu.memory_space<hbm>> -> memref<128xi32, #tpu.memory_space<hbm>>
        tpu.enqueue_dma source(%dma_start3A_88 : memref<128xi32, #tpu.memory_space<hbm>>) target(%arg9 : memref<128xi32, #tpu.memory_space<vmem>>) target_semaphore(%run_scoped3A : memref<!tpu.dma_semaphore, #tpu.memory_space<semaphore_mem>>)
        %dma_wait3A_89 = tpu.memref_slice %arg4[%multiple_of3A] : memref<323584xi32, #tpu.memory_space<hbm>> -> memref<128xi32, #tpu.memory_space<hbm>>
        %dma_wait3A_90 = tpu.memref_slice %arg4[%multiple_of3A] : memref<323584xi32, #tpu.memory_space<hbm>> -> memref<128xi32, #tpu.memory_space<hbm>>
        tpu.wait_dma2 semaphore(%run_scoped3A : memref<!tpu.dma_semaphore, #tpu.memory_space<semaphore_mem>>) src(%dma_wait3A_90 : memref<128xi32, #tpu.memory_space<hbm>>) dst(%arg9 : memref<128xi32, #tpu.memory_space<vmem>>)
        tpu.yield
      }) : () -> ()
      %dma_start3A = arith.constant 0 : i32
      %dma_start3A_83 = arith.constant 0 : i32
      %dma_start3A_84 = tpu.memref_slice %arg2[%dma_start3A, %dma_start3A_83] : memref<10000x128xf32, #tpu.memory_space<hbm>> -> memref<10000x128xf32, #tpu.memory_space<hbm>>
      tpu.enqueue_indirect_dma source(%dma_start3A_84 : memref<10000x128xf32, #tpu.memory_space<hbm>>) target(%arg10 : memref<128x128xf32, #tpu.memory_space<vmem>>) offsets(%arg8 : memref<128xi32, #tpu.memory_space<vmem>>) semaphore(%arg11 : memref<!tpu.dma_semaphore, #tpu.memory_space<semaphore_mem>>)
      %dma_wait3A = arith.constant 0 : i32
      %dma_wait3A_85 = arith.constant 0 : i32
      %dma_wait3A_86 = tpu.memref_slice %arg2[%dma_wait3A, %dma_wait3A_85] : memref<10000x128xf32, #tpu.memory_space<hbm>> -> memref<10000x128xf32, #tpu.memory_space<hbm>>
      tpu.wait_indirect_dma semaphore(%arg11 : memref<!tpu.dma_semaphore, #tpu.memory_space<semaphore_mem>>) src(%dma_wait3A_86 : memref<10000x128xf32, #tpu.memory_space<hbm>>) dst(%arg10 : memref<128x128xf32, #tpu.memory_space<vmem>>)
      "tpu.region"() ({
        %run_scoped3A = tpu.sem_alloc : memref<!tpu.dma_semaphore, #tpu.memory_space<semaphore_mem>>
        %dma_start3A_87 = arith.constant 0 : i32
        %dma_start3A_88 = arith.constant 0 : i32
        %dma_start3A_89 = tpu.memref_slice %arg7[%dma_start3A_87, %dma_start3A_88] : memref<10112x128xf32, #tpu.memory_space<vmem_shared>> -> memref<10112x128xf32, #tpu.memory_space<vmem_shared>>
        tpu.enqueue_indirect_dma source(%arg10 : memref<128x128xf32, #tpu.memory_space<vmem>>) target(%dma_start3A_89 : memref<10112x128xf32, #tpu.memory_space<vmem_shared>>) offsets(%arg9 : memref<128xi32, #tpu.memory_space<vmem>>) semaphore(%run_scoped3A : memref<!tpu.dma_semaphore, #tpu.memory_space<semaphore_mem>>) {add = true}
        %dma_wait3A_90 = arith.constant 0 : i32
        %dma_wait3A_91 = arith.constant 0 : i32
        %dma_wait3A_92 = tpu.memref_slice %arg7[%dma_wait3A_90, %dma_wait3A_91] : memref<10112x128xf32, #tpu.memory_space<vmem_shared>> -> memref<10112x128xf32, #tpu.memory_space<vmem_shared>>
        tpu.wait_indirect_dma semaphore(%run_scoped3A : memref<!tpu.dma_semaphore, #tpu.memory_space<semaphore_mem>>) src(%arg10 : memref<128x128xf32, #tpu.memory_space<vmem>>) dst(%dma_wait3A_92 : memref<10112x128xf32, #tpu.memory_space<vmem_shared>>)
        tpu.yield
      }) : () -> ()
    }
    %barrier3A_38 = arith.constant 0 : index
    tpu.barrier barrier_id(%barrier3A_38)
    %mul3A_39 = arith.constant 632 : i32
    %mul3A_40 = arith.muli %arg1, %mul3A_39 : i32
    %add3A_41 = arith.constant 0 : i32
    %add3A_42 = arith.addi %mul3A_40, %add3A_41 : i32
    "tpu.region"() ({
      %run_scoped3A = tpu.sem_alloc : memref<!tpu.dma_semaphore, #tpu.memory_space<semaphore_mem>>
      %dma_start3A = arith.constant 0 : i32
      %dma_start3A_79 = tpu.memref_slice %arg7[%add3A_42, %dma_start3A] : memref<10112x128xf32, #tpu.memory_space<vmem_shared>> -> memref<128x128xf32, #tpu.memory_space<vmem_shared>>
      %dma_start3A_80 = arith.constant 0 : i32
      %dma_start3A_81 = tpu.memref_slice %arg7[%add3A_42, %dma_start3A_80] : memref<10112x128xf32, #tpu.memory_space<vmem_shared>> -> memref<128x128xf32, #tpu.memory_space<vmem_shared>>
      tpu.enqueue_dma source(%dma_start3A_81 : memref<128x128xf32, #tpu.memory_space<vmem_shared>>) target(%arg10 : memref<128x128xf32, #tpu.memory_space<vmem>>) target_semaphore(%run_scoped3A : memref<!tpu.dma_semaphore, #tpu.memory_space<semaphore_mem>>)
      %dma_wait3A = arith.constant 0 : i32
      %dma_wait3A_82 = tpu.memref_slice %arg7[%add3A_42, %dma_wait3A] : memref<10112x128xf32, #tpu.memory_space<vmem_shared>> -> memref<128x128xf32, #tpu.memory_space<vmem_shared>>
      %dma_wait3A_83 = arith.constant 0 : i32
      %dma_wait3A_84 = tpu.memref_slice %arg7[%add3A_42, %dma_wait3A_83] : memref<10112x128xf32, #tpu.memory_space<vmem_shared>> -> memref<128x128xf32, #tpu.memory_space<vmem_shared>>
      tpu.wait_dma2 semaphore(%run_scoped3A : memref<!tpu.dma_semaphore, #tpu.memory_space<semaphore_mem>>) src(%dma_wait3A_84 : memref<128x128xf32, #tpu.memory_space<vmem_shared>>) dst(%arg10 : memref<128x128xf32, #tpu.memory_space<vmem>>)
      tpu.yield
    }) : () -> ()
    %mul3A_43 = arith.constant 632 : i32
    %mul3A_44 = arith.muli %arg1, %mul3A_43 : i32
    %add3A_45 = arith.constant 0 : i32
    %add3A_46 = arith.addi %mul3A_44, %add3A_45 : i32
    "tpu.region"() ({
      %run_scoped3A = tpu.sem_alloc : memref<!tpu.dma_semaphore, #tpu.memory_space<semaphore_mem>>
      %dma_start3A = arith.constant 0 : i32
      %dma_start3A_79 = tpu.memref_slice %arg6[%arg0, %add3A_46, %dma_start3A] : memref<2x10112x128xf32, #tpu.memory_space<hbm>> -> memref<1x128x128xf32, #tpu.memory_space<hbm>>
      %dma_start3A_80 = tpu.memref_squeeze %dma_start3A_79 : memref<1x128x128xf32, #tpu.memory_space<hbm>> -> memref<128x128xf32, #tpu.memory_space<hbm>>
      %dma_start3A_81 = arith.constant 0 : i32
      %dma_start3A_82 = tpu.memref_slice %arg6[%arg0, %add3A_46, %dma_start3A_81] : memref<2x10112x128xf32, #tpu.memory_space<hbm>> -> memref<1x128x128xf32, #tpu.memory_space<hbm>>
      %dma_start3A_83 = tpu.memref_squeeze %dma_start3A_82 : memref<1x128x128xf32, #tpu.memory_space<hbm>> -> memref<128x128xf32, #tpu.memory_space<hbm>>
      tpu.enqueue_dma source(%arg10 : memref<128x128xf32, #tpu.memory_space<vmem>>) target(%dma_start3A_83 : memref<128x128xf32, #tpu.memory_space<hbm>>) target_semaphore(%run_scoped3A : memref<!tpu.dma_semaphore, #tpu.memory_space<semaphore_mem>>)
      %dma_wait3A = arith.constant 0 : i32
      %dma_wait3A_84 = tpu.memref_slice %arg6[%arg0, %add3A_46, %dma_wait3A] : memref<2x10112x128xf32, #tpu.memory_space<hbm>> -> memref<1x128x128xf32, #tpu.memory_space<hbm>>
      %dma_wait3A_85 = tpu.memref_squeeze %dma_wait3A_84 : memref<1x128x128xf32, #tpu.memory_space<hbm>> -> memref<128x128xf32, #tpu.memory_space<hbm>>
      %dma_wait3A_86 = arith.constant 0 : i32
      %dma_wait3A_87 = tpu.memref_slice %arg6[%arg0, %add3A_46, %dma_wait3A_86] : memref<2x10112x128xf32, #tpu.memory_space<hbm>> -> memref<1x128x128xf32, #tpu.memory_space<hbm>>
      %dma_wait3A_88 = tpu.memref_squeeze %dma_wait3A_87 : memref<1x128x128xf32, #tpu.memory_space<hbm>> -> memref<128x128xf32, #tpu.memory_space<hbm>>
      tpu.wait_dma2 semaphore(%run_scoped3A : memref<!tpu.dma_semaphore, #tpu.memory_space<semaphore_mem>>) src(%arg10 : memref<128x128xf32, #tpu.memory_space<vmem>>) dst(%dma_wait3A_88 : memref<128x128xf32, #tpu.memory_space<hbm>>)
      tpu.yield
    }) : () -> ()
    %mul3A_47 = arith.constant 632 : i32
    %mul3A_48 = arith.muli %arg1, %mul3A_47 : i32
    %add3A_49 = arith.constant 128 : i32
    %add3A_50 = arith.addi %mul3A_48, %add3A_49 : i32
    "tpu.region"() ({
      %run_scoped3A = tpu.sem_alloc : memref<!tpu.dma_semaphore, #tpu.memory_space<semaphore_mem>>
      %dma_start3A = arith.constant 0 : i32
      %dma_start3A_79 = tpu.memref_slice %arg7[%add3A_50, %dma_start3A] : memref<10112x128xf32, #tpu.memory_space<vmem_shared>> -> memref<128x128xf32, #tpu.memory_space<vmem_shared>>
      %dma_start3A_80 = arith.constant 0 : i32
      %dma_start3A_81 = tpu.memref_slice %arg7[%add3A_50, %dma_start3A_80] : memref<10112x128xf32, #tpu.memory_space<vmem_shared>> -> memref<128x128xf32, #tpu.memory_space<vmem_shared>>
      tpu.enqueue_dma source(%dma_start3A_81 : memref<128x128xf32, #tpu.memory_space<vmem_shared>>) target(%arg10 : memref<128x128xf32, #tpu.memory_space<vmem>>) target_semaphore(%run_scoped3A : memref<!tpu.dma_semaphore, #tpu.memory_space<semaphore_mem>>)
      %dma_wait3A = arith.constant 0 : i32
      %dma_wait3A_82 = tpu.memref_slice %arg7[%add3A_50, %dma_wait3A] : memref<10112x128xf32, #tpu.memory_space<vmem_shared>> -> memref<128x128xf32, #tpu.memory_space<vmem_shared>>
      %dma_wait3A_83 = arith.constant 0 : i32
      %dma_wait3A_84 = tpu.memref_slice %arg7[%add3A_50, %dma_wait3A_83] : memref<10112x128xf32, #tpu.memory_space<vmem_shared>> -> memref<128x128xf32, #tpu.memory_space<vmem_shared>>
      tpu.wait_dma2 semaphore(%run_scoped3A : memref<!tpu.dma_semaphore, #tpu.memory_space<semaphore_mem>>) src(%dma_wait3A_84 : memref<128x128xf32, #tpu.memory_space<vmem_shared>>) dst(%arg10 : memref<128x128xf32, #tpu.memory_space<vmem>>)
      tpu.yield
    }) : () -> ()
    %mul3A_51 = arith.constant 632 : i32
    %mul3A_52 = arith.muli %arg1, %mul3A_51 : i32
    %add3A_53 = arith.constant 128 : i32
    %add3A_54 = arith.addi %mul3A_52, %add3A_53 : i32
    "tpu.region"() ({
      %run_scoped3A = tpu.sem_alloc : memref<!tpu.dma_semaphore, #tpu.memory_space<semaphore_mem>>
      %dma_start3A = arith.constant 0 : i32
      %dma_start3A_79 = tpu.memref_slice %arg6[%arg0, %add3A_54, %dma_start3A] : memref<2x10112x128xf32, #tpu.memory_space<hbm>> -> memref<1x128x128xf32, #tpu.memory_space<hbm>>
      %dma_start3A_80 = tpu.memref_squeeze %dma_start3A_79 : memref<1x128x128xf32, #tpu.memory_space<hbm>> -> memref<128x128xf32, #tpu.memory_space<hbm>>
      %dma_start3A_81 = arith.constant 0 : i32
      %dma_start3A_82 = tpu.memref_slice %arg6[%arg0, %add3A_54, %dma_start3A_81] : memref<2x10112x128xf32, #tpu.memory_space<hbm>> -> memref<1x128x128xf32, #tpu.memory_space<hbm>>
      %dma_start3A_83 = tpu.memref_squeeze %dma_start3A_82 : memref<1x128x128xf32, #tpu.memory_space<hbm>> -> memref<128x128xf32, #tpu.memory_space<hbm>>
      tpu.enqueue_dma source(%arg10 : memref<128x128xf32, #tpu.memory_space<vmem>>) target(%dma_start3A_83 : memref<128x128xf32, #tpu.memory_space<hbm>>) target_semaphore(%run_scoped3A : memref<!tpu.dma_semaphore, #tpu.memory_space<semaphore_mem>>)
      %dma_wait3A = arith.constant 0 : i32
      %dma_wait3A_84 = tpu.memref_slice %arg6[%arg0, %add3A_54, %dma_wait3A] : memref<2x10112x128xf32, #tpu.memory_space<hbm>> -> memref<1x128x128xf32, #tpu.memory_space<hbm>>
      %dma_wait3A_85 = tpu.memref_squeeze %dma_wait3A_84 : memref<1x128x128xf32, #tpu.memory_space<hbm>> -> memref<128x128xf32, #tpu.memory_space<hbm>>
      %dma_wait3A_86 = arith.constant 0 : i32
      %dma_wait3A_87 = tpu.memref_slice %arg6[%arg0, %add3A_54, %dma_wait3A_86] : memref<2x10112x128xf32, #tpu.memory_space<hbm>> -> memref<1x128x128xf32, #tpu.memory_space<hbm>>
      %dma_wait3A_88 = tpu.memref_squeeze %dma_wait3A_87 : memref<1x128x128xf32, #tpu.memory_space<hbm>> -> memref<128x128xf32, #tpu.memory_space<hbm>>
      tpu.wait_dma2 semaphore(%run_scoped3A : memref<!tpu.dma_semaphore, #tpu.memory_space<semaphore_mem>>) src(%arg10 : memref<128x128xf32, #tpu.memory_space<vmem>>) dst(%dma_wait3A_88 : memref<128x128xf32, #tpu.memory_space<hbm>>)
      tpu.yield
    }) : () -> ()
    %mul3A_55 = arith.constant 632 : i32
    %mul3A_56 = arith.muli %arg1, %mul3A_55 : i32
    %add3A_57 = arith.constant 256 : i32
    %add3A_58 = arith.addi %mul3A_56, %add3A_57 : i32
    "tpu.region"() ({
      %run_scoped3A = tpu.sem_alloc : memref<!tpu.dma_semaphore, #tpu.memory_space<semaphore_mem>>
      %dma_start3A = arith.constant 0 : i32
      %dma_start3A_79 = tpu.memref_slice %arg7[%add3A_58, %dma_start3A] : memref<10112x128xf32, #tpu.memory_space<vmem_shared>> -> memref<128x128xf32, #tpu.memory_space<vmem_shared>>
      %dma_start3A_80 = arith.constant 0 : i32
      %dma_start3A_81 = tpu.memref_slice %arg7[%add3A_58, %dma_start3A_80] : memref<10112x128xf32, #tpu.memory_space<vmem_shared>> -> memref<128x128xf32, #tpu.memory_space<vmem_shared>>
      tpu.enqueue_dma source(%dma_start3A_81 : memref<128x128xf32, #tpu.memory_space<vmem_shared>>) target(%arg10 : memref<128x128xf32, #tpu.memory_space<vmem>>) target_semaphore(%run_scoped3A : memref<!tpu.dma_semaphore, #tpu.memory_space<semaphore_mem>>)
      %dma_wait3A = arith.constant 0 : i32
      %dma_wait3A_82 = tpu.memref_slice %arg7[%add3A_58, %dma_wait3A] : memref<10112x128xf32, #tpu.memory_space<vmem_shared>> -> memref<128x128xf32, #tpu.memory_space<vmem_shared>>
      %dma_wait3A_83 = arith.constant 0 : i32
      %dma_wait3A_84 = tpu.memref_slice %arg7[%add3A_58, %dma_wait3A_83] : memref<10112x128xf32, #tpu.memory_space<vmem_shared>> -> memref<128x128xf32, #tpu.memory_space<vmem_shared>>
      tpu.wait_dma2 semaphore(%run_scoped3A : memref<!tpu.dma_semaphore, #tpu.memory_space<semaphore_mem>>) src(%dma_wait3A_84 : memref<128x128xf32, #tpu.memory_space<vmem_shared>>) dst(%arg10 : memref<128x128xf32, #tpu.memory_space<vmem>>)
      tpu.yield
    }) : () -> ()
    %mul3A_59 = arith.constant 632 : i32
    %mul3A_60 = arith.muli %arg1, %mul3A_59 : i32
    %add3A_61 = arith.constant 256 : i32
    %add3A_62 = arith.addi %mul3A_60, %add3A_61 : i32
    "tpu.region"() ({
      %run_scoped3A = tpu.sem_alloc : memref<!tpu.dma_semaphore, #tpu.memory_space<semaphore_mem>>
      %dma_start3A = arith.constant 0 : i32
      %dma_start3A_79 = tpu.memref_slice %arg6[%arg0, %add3A_62, %dma_start3A] : memref<2x10112x128xf32, #tpu.memory_space<hbm>> -> memref<1x128x128xf32, #tpu.memory_space<hbm>>
      %dma_start3A_80 = tpu.memref_squeeze %dma_start3A_79 : memref<1x128x128xf32, #tpu.memory_space<hbm>> -> memref<128x128xf32, #tpu.memory_space<hbm>>
      %dma_start3A_81 = arith.constant 0 : i32
      %dma_start3A_82 = tpu.memref_slice %arg6[%arg0, %add3A_62, %dma_start3A_81] : memref<2x10112x128xf32, #tpu.memory_space<hbm>> -> memref<1x128x128xf32, #tpu.memory_space<hbm>>
      %dma_start3A_83 = tpu.memref_squeeze %dma_start3A_82 : memref<1x128x128xf32, #tpu.memory_space<hbm>> -> memref<128x128xf32, #tpu.memory_space<hbm>>
      tpu.enqueue_dma source(%arg10 : memref<128x128xf32, #tpu.memory_space<vmem>>) target(%dma_start3A_83 : memref<128x128xf32, #tpu.memory_space<hbm>>) target_semaphore(%run_scoped3A : memref<!tpu.dma_semaphore, #tpu.memory_space<semaphore_mem>>)
      %dma_wait3A = arith.constant 0 : i32
      %dma_wait3A_84 = tpu.memref_slice %arg6[%arg0, %add3A_62, %dma_wait3A] : memref<2x10112x128xf32, #tpu.memory_space<hbm>> -> memref<1x128x128xf32, #tpu.memory_space<hbm>>
      %dma_wait3A_85 = tpu.memref_squeeze %dma_wait3A_84 : memref<1x128x128xf32, #tpu.memory_space<hbm>> -> memref<128x128xf32, #tpu.memory_space<hbm>>
      %dma_wait3A_86 = arith.constant 0 : i32
      %dma_wait3A_87 = tpu.memref_slice %arg6[%arg0, %add3A_62, %dma_wait3A_86] : memref<2x10112x128xf32, #tpu.memory_space<hbm>> -> memref<1x128x128xf32, #tpu.memory_space<hbm>>
      %dma_wait3A_88 = tpu.memref_squeeze %dma_wait3A_87 : memref<1x128x128xf32, #tpu.memory_space<hbm>> -> memref<128x128xf32, #tpu.memory_space<hbm>>
      tpu.wait_dma2 semaphore(%run_scoped3A : memref<!tpu.dma_semaphore, #tpu.memory_space<semaphore_mem>>) src(%arg10 : memref<128x128xf32, #tpu.memory_space<vmem>>) dst(%dma_wait3A_88 : memref<128x128xf32, #tpu.memory_space<hbm>>)
      tpu.yield
    }) : () -> ()
    %mul3A_63 = arith.constant 632 : i32
    %mul3A_64 = arith.muli %arg1, %mul3A_63 : i32
    %add3A_65 = arith.constant 384 : i32
    %add3A_66 = arith.addi %mul3A_64, %add3A_65 : i32
    "tpu.region"() ({
      %run_scoped3A = tpu.sem_alloc : memref<!tpu.dma_semaphore, #tpu.memory_space<semaphore_mem>>
      %dma_start3A = arith.constant 0 : i32
      %dma_start3A_79 = tpu.memref_slice %arg7[%add3A_66, %dma_start3A] : memref<10112x128xf32, #tpu.memory_space<vmem_shared>> -> memref<128x128xf32, #tpu.memory_space<vmem_shared>>
      %dma_start3A_80 = arith.constant 0 : i32
      %dma_start3A_81 = tpu.memref_slice %arg7[%add3A_66, %dma_start3A_80] : memref<10112x128xf32, #tpu.memory_space<vmem_shared>> -> memref<128x128xf32, #tpu.memory_space<vmem_shared>>
      tpu.enqueue_dma source(%dma_start3A_81 : memref<128x128xf32, #tpu.memory_space<vmem_shared>>) target(%arg10 : memref<128x128xf32, #tpu.memory_space<vmem>>) target_semaphore(%run_scoped3A : memref<!tpu.dma_semaphore, #tpu.memory_space<semaphore_mem>>)
      %dma_wait3A = arith.constant 0 : i32
      %dma_wait3A_82 = tpu.memref_slice %arg7[%add3A_66, %dma_wait3A] : memref<10112x128xf32, #tpu.memory_space<vmem_shared>> -> memref<128x128xf32, #tpu.memory_space<vmem_shared>>
      %dma_wait3A_83 = arith.constant 0 : i32
      %dma_wait3A_84 = tpu.memref_slice %arg7[%add3A_66, %dma_wait3A_83] : memref<10112x128xf32, #tpu.memory_space<vmem_shared>> -> memref<128x128xf32, #tpu.memory_space<vmem_shared>>
      tpu.wait_dma2 semaphore(%run_scoped3A : memref<!tpu.dma_semaphore, #tpu.memory_space<semaphore_mem>>) src(%dma_wait3A_84 : memref<128x128xf32, #tpu.memory_space<vmem_shared>>) dst(%arg10 : memref<128x128xf32, #tpu.memory_space<vmem>>)
      tpu.yield
    }) : () -> ()
    %mul3A_67 = arith.constant 632 : i32
    %mul3A_68 = arith.muli %arg1, %mul3A_67 : i32
    %add3A_69 = arith.constant 384 : i32
    %add3A_70 = arith.addi %mul3A_68, %add3A_69 : i32
    "tpu.region"() ({
      %run_scoped3A = tpu.sem_alloc : memref<!tpu.dma_semaphore, #tpu.memory_space<semaphore_mem>>
      %dma_start3A = arith.constant 0 : i32
      %dma_start3A_79 = tpu.memref_slice %arg6[%arg0, %add3A_70, %dma_start3A] : memref<2x10112x128xf32, #tpu.memory_space<hbm>> -> memref<1x128x128xf32, #tpu.memory_space<hbm>>
      %dma_start3A_80 = tpu.memref_squeeze %dma_start3A_79 : memref<1x128x128xf32, #tpu.memory_space<hbm>> -> memref<128x128xf32, #tpu.memory_space<hbm>>
      %dma_start3A_81 = arith.constant 0 : i32
      %dma_start3A_82 = tpu.memref_slice %arg6[%arg0, %add3A_70, %dma_start3A_81] : memref<2x10112x128xf32, #tpu.memory_space<hbm>> -> memref<1x128x128xf32, #tpu.memory_space<hbm>>
      %dma_start3A_83 = tpu.memref_squeeze %dma_start3A_82 : memref<1x128x128xf32, #tpu.memory_space<hbm>> -> memref<128x128xf32, #tpu.memory_space<hbm>>
      tpu.enqueue_dma source(%arg10 : memref<128x128xf32, #tpu.memory_space<vmem>>) target(%dma_start3A_83 : memref<128x128xf32, #tpu.memory_space<hbm>>) target_semaphore(%run_scoped3A : memref<!tpu.dma_semaphore, #tpu.memory_space<semaphore_mem>>)
      %dma_wait3A = arith.constant 0 : i32
      %dma_wait3A_84 = tpu.memref_slice %arg6[%arg0, %add3A_70, %dma_wait3A] : memref<2x10112x128xf32, #tpu.memory_space<hbm>> -> memref<1x128x128xf32, #tpu.memory_space<hbm>>
      %dma_wait3A_85 = tpu.memref_squeeze %dma_wait3A_84 : memref<1x128x128xf32, #tpu.memory_space<hbm>> -> memref<128x128xf32, #tpu.memory_space<hbm>>
      %dma_wait3A_86 = arith.constant 0 : i32
      %dma_wait3A_87 = tpu.memref_slice %arg6[%arg0, %add3A_70, %dma_wait3A_86] : memref<2x10112x128xf32, #tpu.memory_space<hbm>> -> memref<1x128x128xf32, #tpu.memory_space<hbm>>
      %dma_wait3A_88 = tpu.memref_squeeze %dma_wait3A_87 : memref<1x128x128xf32, #tpu.memory_space<hbm>> -> memref<128x128xf32, #tpu.memory_space<hbm>>
      tpu.wait_dma2 semaphore(%run_scoped3A : memref<!tpu.dma_semaphore, #tpu.memory_space<semaphore_mem>>) src(%arg10 : memref<128x128xf32, #tpu.memory_space<vmem>>) dst(%dma_wait3A_88 : memref<128x128xf32, #tpu.memory_space<hbm>>)
      tpu.yield
    }) : () -> ()
    %mul3A_71 = arith.constant 632 : i32
    %mul3A_72 = arith.muli %arg1, %mul3A_71 : i32
    %add3A_73 = arith.constant 512 : i32
    %add3A_74 = arith.addi %mul3A_72, %add3A_73 : i32
    "tpu.region"() ({
      %run_scoped3A = tpu.sem_alloc : memref<!tpu.dma_semaphore, #tpu.memory_space<semaphore_mem>>
      %dma_start3A = arith.constant 0 : i32
      %dma_start3A_79 = arith.constant 0 : i32
      %dma_start3A_80 = tpu.memref_slice %arg10[%dma_start3A, %dma_start3A_79] : memref<128x128xf32, #tpu.memory_space<vmem>> -> memref<120x128xf32, #tpu.memory_space<vmem>>
      %dma_start3A_81 = arith.constant 0 : i32
      %dma_start3A_82 = tpu.memref_slice %arg7[%add3A_74, %dma_start3A_81] : memref<10112x128xf32, #tpu.memory_space<vmem_shared>> -> memref<120x128xf32, #tpu.memory_space<vmem_shared>>
      %dma_start3A_83 = arith.constant 0 : i32
      %dma_start3A_84 = arith.constant 0 : i32
      %dma_start3A_85 = tpu.memref_slice %arg10[%dma_start3A_83, %dma_start3A_84] : memref<128x128xf32, #tpu.memory_space<vmem>> -> memref<120x128xf32, #tpu.memory_space<vmem>>
      %dma_start3A_86 = arith.constant 0 : i32
      %dma_start3A_87 = tpu.memref_slice %arg7[%add3A_74, %dma_start3A_86] : memref<10112x128xf32, #tpu.memory_space<vmem_shared>> -> memref<120x128xf32, #tpu.memory_space<vmem_shared>>
      tpu.enqueue_dma source(%dma_start3A_87 : memref<120x128xf32, #tpu.memory_space<vmem_shared>>) target(%dma_start3A_85 : memref<120x128xf32, #tpu.memory_space<vmem>>) target_semaphore(%run_scoped3A : memref<!tpu.dma_semaphore, #tpu.memory_space<semaphore_mem>>)
      %dma_wait3A = arith.constant 0 : i32
      %dma_wait3A_88 = arith.constant 0 : i32
      %dma_wait3A_89 = tpu.memref_slice %arg10[%dma_wait3A, %dma_wait3A_88] : memref<128x128xf32, #tpu.memory_space<vmem>> -> memref<120x128xf32, #tpu.memory_space<vmem>>
      %dma_wait3A_90 = arith.constant 0 : i32
      %dma_wait3A_91 = tpu.memref_slice %arg7[%add3A_74, %dma_wait3A_90] : memref<10112x128xf32, #tpu.memory_space<vmem_shared>> -> memref<120x128xf32, #tpu.memory_space<vmem_shared>>
      %dma_wait3A_92 = arith.constant 0 : i32
      %dma_wait3A_93 = arith.constant 0 : i32
      %dma_wait3A_94 = tpu.memref_slice %arg10[%dma_wait3A_92, %dma_wait3A_93] : memref<128x128xf32, #tpu.memory_space<vmem>> -> memref<120x128xf32, #tpu.memory_space<vmem>>
      %dma_wait3A_95 = arith.constant 0 : i32
      %dma_wait3A_96 = tpu.memref_slice %arg7[%add3A_74, %dma_wait3A_95] : memref<10112x128xf32, #tpu.memory_space<vmem_shared>> -> memref<120x128xf32, #tpu.memory_space<vmem_shared>>
      tpu.wait_dma2 semaphore(%run_scoped3A : memref<!tpu.dma_semaphore, #tpu.memory_space<semaphore_mem>>) src(%dma_wait3A_96 : memref<120x128xf32, #tpu.memory_space<vmem_shared>>) dst(%dma_wait3A_94 : memref<120x128xf32, #tpu.memory_space<vmem>>)
      tpu.yield
    }) : () -> ()
    %mul3A_75 = arith.constant 632 : i32
    %mul3A_76 = arith.muli %arg1, %mul3A_75 : i32
    %add3A_77 = arith.constant 512 : i32
    %add3A_78 = arith.addi %mul3A_76, %add3A_77 : i32
    "tpu.region"() ({
      %run_scoped3A = tpu.sem_alloc : memref<!tpu.dma_semaphore, #tpu.memory_space<semaphore_mem>>
      %dma_start3A = arith.constant 0 : i32
      %dma_start3A_79 = arith.constant 0 : i32
      %dma_start3A_80 = tpu.memref_slice %arg10[%dma_start3A, %dma_start3A_79] : memref<128x128xf32, #tpu.memory_space<vmem>> -> memref<120x128xf32, #tpu.memory_space<vmem>>
      %dma_start3A_81 = arith.constant 0 : i32
      %dma_start3A_82 = tpu.memref_slice %arg6[%arg0, %add3A_78, %dma_start3A_81] : memref<2x10112x128xf32, #tpu.memory_space<hbm>> -> memref<1x120x128xf32, #tpu.memory_space<hbm>>
      %dma_start3A_83 = tpu.memref_squeeze %dma_start3A_82 : memref<1x120x128xf32, #tpu.memory_space<hbm>> -> memref<120x128xf32, #tpu.memory_space<hbm>>
      %dma_start3A_84 = arith.constant 0 : i32
      %dma_start3A_85 = tpu.memref_slice %arg6[%arg0, %add3A_78, %dma_start3A_84] : memref<2x10112x128xf32, #tpu.memory_space<hbm>> -> memref<1x120x128xf32, #tpu.memory_space<hbm>>
      %dma_start3A_86 = tpu.memref_squeeze %dma_start3A_85 : memref<1x120x128xf32, #tpu.memory_space<hbm>> -> memref<120x128xf32, #tpu.memory_space<hbm>>
      %dma_start3A_87 = arith.constant 0 : i32
      %dma_start3A_88 = arith.constant 0 : i32
      %dma_start3A_89 = tpu.memref_slice %arg10[%dma_start3A_87, %dma_start3A_88] : memref<128x128xf32, #tpu.memory_space<vmem>> -> memref<120x128xf32, #tpu.memory_space<vmem>>
      tpu.enqueue_dma source(%dma_start3A_89 : memref<120x128xf32, #tpu.memory_space<vmem>>) target(%dma_start3A_86 : memref<120x128xf32, #tpu.memory_space<hbm>>) target_semaphore(%run_scoped3A : memref<!tpu.dma_semaphore, #tpu.memory_space<semaphore_mem>>)
      %dma_wait3A = arith.constant 0 : i32
      %dma_wait3A_90 = arith.constant 0 : i32
      %dma_wait3A_91 = tpu.memref_slice %arg10[%dma_wait3A, %dma_wait3A_90] : memref<128x128xf32, #tpu.memory_space<vmem>> -> memref<120x128xf32, #tpu.memory_space<vmem>>
      %dma_wait3A_92 = arith.constant 0 : i32
      %dma_wait3A_93 = tpu.memref_slice %arg6[%arg0, %add3A_78, %dma_wait3A_92] : memref<2x10112x128xf32, #tpu.memory_space<hbm>> -> memref<1x120x128xf32, #tpu.memory_space<hbm>>
      %dma_wait3A_94 = tpu.memref_squeeze %dma_wait3A_93 : memref<1x120x128xf32, #tpu.memory_space<hbm>> -> memref<120x128xf32, #tpu.memory_space<hbm>>
      %dma_wait3A_95 = arith.constant 0 : i32
      %dma_wait3A_96 = tpu.memref_slice %arg6[%arg0, %add3A_78, %dma_wait3A_95] : memref<2x10112x128xf32, #tpu.memory_space<hbm>> -> memref<1x120x128xf32, #tpu.memory_space<hbm>>
      %dma_wait3A_97 = tpu.memref_squeeze %dma_wait3A_96 : memref<1x120x128xf32, #tpu.memory_space<hbm>> -> memref<120x128xf32, #tpu.memory_space<hbm>>
      %dma_wait3A_98 = arith.constant 0 : i32
      %dma_wait3A_99 = arith.constant 0 : i32
      %dma_wait3A_100 = tpu.memref_slice %arg10[%dma_wait3A_98, %dma_wait3A_99] : memref<128x128xf32, #tpu.memory_space<vmem>> -> memref<120x128xf32, #tpu.memory_space<vmem>>
      tpu.wait_dma2 semaphore(%run_scoped3A : memref<!tpu.dma_semaphore, #tpu.memory_space<semaphore_mem>>) src(%dma_wait3A_100 : memref<120x128xf32, #tpu.memory_space<vmem>>) dst(%dma_wait3A_97 : memref<120x128xf32, #tpu.memory_space<hbm>>)
      tpu.yield
    }) : () -> ()
    return
  }
}

#map = affine_map<(d0, d1) -> (0)>
module attributes {stable_mosaic.version = 14 : i64} {
  func.func @_deg_body(%arg0: i32, %arg1: i32, %arg2: memref<323584xi32, #tpu.memory_space<hbm>>, %arg3: memref<163840xi32, #tpu.memory_space<hbm>>, %arg4: memref<640xf32, #tpu.memory_space<hbm>>, %arg5: memref<40960xf32, #tpu.memory_space<hbm>>, %arg6: memref<10240xf32, #tpu.memory_space<vmem_shared>>, %arg7: memref<10240xf32, #tpu.memory_space<vmem_shared>>, %arg8: memref<128xi32, #tpu.memory_space<vmem>>, %arg9: memref<128xf32, #tpu.memory_space<vmem>>, %arg10: memref<640xf32, #tpu.memory_space<vmem>>) attributes {dimension_semantics = [#tpu.dimension_semantics<core_parallel>, #tpu.dimension_semantics<subcore_parallel>], iteration_bounds = array<i64: 2, 16>, scalar_prefetch = 0 : i64, scratch_operands = 5 : i64, tpu.core_type = #tpu.core_type<sc_vector_subcore>, window_params = [{transform_indices = #map}, {transform_indices = #map}, {transform_indices = #map}, {transform_indices = #map}]} {
    %mul3A = arith.constant 16 : i32
    %mul3A_0 = arith.muli %arg0, %mul3A : i32
    %add3A = arith.addi %mul3A_0, %arg1 : i32
    "tpu.region"() ({
      %run_scoped3A = tpu.sem_alloc : memref<!tpu.dma_semaphore, #tpu.memory_space<semaphore_mem>>
      tpu.enqueue_dma source(%arg4 : memref<640xf32, #tpu.memory_space<hbm>>) target(%arg10 : memref<640xf32, #tpu.memory_space<vmem>>) target_semaphore(%run_scoped3A : memref<!tpu.dma_semaphore, #tpu.memory_space<semaphore_mem>>)
      tpu.wait_dma2 semaphore(%run_scoped3A : memref<!tpu.dma_semaphore, #tpu.memory_space<semaphore_mem>>) src(%arg4 : memref<640xf32, #tpu.memory_space<hbm>>) dst(%arg10 : memref<640xf32, #tpu.memory_space<vmem>>)
      tpu.yield
    }) : () -> ()
    %mul3A_1 = arith.constant 640 : i32
    %mul3A_2 = arith.muli %arg1, %mul3A_1 : i32
    "tpu.region"() ({
      %run_scoped3A = tpu.sem_alloc : memref<!tpu.dma_semaphore, #tpu.memory_space<semaphore_mem>>
      %dma_start3A = tpu.memref_slice %arg6[%mul3A_2] : memref<10240xf32, #tpu.memory_space<vmem_shared>> -> memref<640xf32, #tpu.memory_space<vmem_shared>>
      %dma_start3A_85 = tpu.memref_slice %arg6[%mul3A_2] : memref<10240xf32, #tpu.memory_space<vmem_shared>> -> memref<640xf32, #tpu.memory_space<vmem_shared>>
      tpu.enqueue_dma source(%arg10 : memref<640xf32, #tpu.memory_space<vmem>>) target(%dma_start3A_85 : memref<640xf32, #tpu.memory_space<vmem_shared>>) target_semaphore(%run_scoped3A : memref<!tpu.dma_semaphore, #tpu.memory_space<semaphore_mem>>)
      %dma_wait3A = tpu.memref_slice %arg6[%mul3A_2] : memref<10240xf32, #tpu.memory_space<vmem_shared>> -> memref<640xf32, #tpu.memory_space<vmem_shared>>
      %dma_wait3A_86 = tpu.memref_slice %arg6[%mul3A_2] : memref<10240xf32, #tpu.memory_space<vmem_shared>> -> memref<640xf32, #tpu.memory_space<vmem_shared>>
      tpu.wait_dma2 semaphore(%run_scoped3A : memref<!tpu.dma_semaphore, #tpu.memory_space<semaphore_mem>>) src(%arg10 : memref<640xf32, #tpu.memory_space<vmem>>) dst(%dma_wait3A_86 : memref<640xf32, #tpu.memory_space<vmem_shared>>)
      tpu.yield
    }) : () -> ()
    %mul3A_3 = arith.constant 640 : i32
    %mul3A_4 = arith.muli %arg1, %mul3A_3 : i32
    "tpu.region"() ({
      %run_scoped3A = tpu.sem_alloc : memref<!tpu.dma_semaphore, #tpu.memory_space<semaphore_mem>>
      %dma_start3A = tpu.memref_slice %arg7[%mul3A_4] : memref<10240xf32, #tpu.memory_space<vmem_shared>> -> memref<640xf32, #tpu.memory_space<vmem_shared>>
      %dma_start3A_85 = tpu.memref_slice %arg7[%mul3A_4] : memref<10240xf32, #tpu.memory_space<vmem_shared>> -> memref<640xf32, #tpu.memory_space<vmem_shared>>
      tpu.enqueue_dma source(%arg10 : memref<640xf32, #tpu.memory_space<vmem>>) target(%dma_start3A_85 : memref<640xf32, #tpu.memory_space<vmem_shared>>) target_semaphore(%run_scoped3A : memref<!tpu.dma_semaphore, #tpu.memory_space<semaphore_mem>>)
      %dma_wait3A = tpu.memref_slice %arg7[%mul3A_4] : memref<10240xf32, #tpu.memory_space<vmem_shared>> -> memref<640xf32, #tpu.memory_space<vmem_shared>>
      %dma_wait3A_86 = tpu.memref_slice %arg7[%mul3A_4] : memref<10240xf32, #tpu.memory_space<vmem_shared>> -> memref<640xf32, #tpu.memory_space<vmem_shared>>
      tpu.wait_dma2 semaphore(%run_scoped3A : memref<!tpu.dma_semaphore, #tpu.memory_space<semaphore_mem>>) src(%arg10 : memref<640xf32, #tpu.memory_space<vmem>>) dst(%dma_wait3A_86 : memref<640xf32, #tpu.memory_space<vmem_shared>>)
      tpu.yield
    }) : () -> ()
    %broadcast_in_dim3A = arith.constant 1.000000e+00 : f32
    %broadcast_in_dim3A_5 = vector.broadcast %broadcast_in_dim3A : f32 to vector<16xf32>
    %swap3A = arith.constant 0 : index
    %swap3A_6 = tpu.vector_load %arg9[%swap3A] {strides = array<i32>} : memref<128xf32, #tpu.memory_space<vmem>>, vector<16xf32>,
    %swap3A_7 = vector.shape_cast %swap3A_6 : vector<16xf32> to vector<16xf32>
    %swap3A_8 = vector.shape_cast %broadcast_in_dim3A_5 : vector<16xf32> to vector<16xf32>
    tpu.vector_store %arg9[%swap3A], %swap3A_8 {strides = array<i32>} : memref<128xf32, #tpu.memory_space<vmem>>, vector<16xf32>,
    %broadcast_in_dim3A_9 = arith.constant 1.000000e+00 : f32
    %broadcast_in_dim3A_10 = vector.broadcast %broadcast_in_dim3A_9 : f32 to vector<16xf32>
    %swap3A_11 = arith.constant 16 : index
    %swap3A_12 = tpu.vector_load %arg9[%swap3A_11] {strides = array<i32>} : memref<128xf32, #tpu.memory_space<vmem>>, vector<16xf32>,
    %swap3A_13 = vector.shape_cast %swap3A_12 : vector<16xf32> to vector<16xf32>
    %swap3A_14 = vector.shape_cast %broadcast_in_dim3A_10 : vector<16xf32> to vector<16xf32>
    tpu.vector_store %arg9[%swap3A_11], %swap3A_14 {strides = array<i32>} : memref<128xf32, #tpu.memory_space<vmem>>, vector<16xf32>,
    %broadcast_in_dim3A_15 = arith.constant 1.000000e+00 : f32
    %broadcast_in_dim3A_16 = vector.broadcast %broadcast_in_dim3A_15 : f32 to vector<16xf32>
    %swap3A_17 = arith.constant 32 : index
    %swap3A_18 = tpu.vector_load %arg9[%swap3A_17] {strides = array<i32>} : memref<128xf32, #tpu.memory_space<vmem>>, vector<16xf32>,
    %swap3A_19 = vector.shape_cast %swap3A_18 : vector<16xf32> to vector<16xf32>
    %swap3A_20 = vector.shape_cast %broadcast_in_dim3A_16 : vector<16xf32> to vector<16xf32>
    tpu.vector_store %arg9[%swap3A_17], %swap3A_20 {strides = array<i32>} : memref<128xf32, #tpu.memory_space<vmem>>, vector<16xf32>,
    %broadcast_in_dim3A_21 = arith.constant 1.000000e+00 : f32
    %broadcast_in_dim3A_22 = vector.broadcast %broadcast_in_dim3A_21 : f32 to vector<16xf32>
    %swap3A_23 = arith.constant 48 : index
    %swap3A_24 = tpu.vector_load %arg9[%swap3A_23] {strides = array<i32>} : memref<128xf32, #tpu.memory_space<vmem>>, vector<16xf32>,
    %swap3A_25 = vector.shape_cast %swap3A_24 : vector<16xf32> to vector<16xf32>
    %swap3A_26 = vector.shape_cast %broadcast_in_dim3A_22 : vector<16xf32> to vector<16xf32>
    tpu.vector_store %arg9[%swap3A_23], %swap3A_26 {strides = array<i32>} : memref<128xf32, #tpu.memory_space<vmem>>, vector<16xf32>,
    %broadcast_in_dim3A_27 = arith.constant 1.000000e+00 : f32
    %broadcast_in_dim3A_28 = vector.broadcast %broadcast_in_dim3A_27 : f32 to vector<16xf32>
    %swap3A_29 = arith.constant 64 : index
    %swap3A_30 = tpu.vector_load %arg9[%swap3A_29] {strides = array<i32>} : memref<128xf32, #tpu.memory_space<vmem>>, vector<16xf32>,
    %swap3A_31 = vector.shape_cast %swap3A_30 : vector<16xf32> to vector<16xf32>
    %swap3A_32 = vector.shape_cast %broadcast_in_dim3A_28 : vector<16xf32> to vector<16xf32>
    tpu.vector_store %arg9[%swap3A_29], %swap3A_32 {strides = array<i32>} : memref<128xf32, #tpu.memory_space<vmem>>, vector<16xf32>,
    %broadcast_in_dim3A_33 = arith.constant 1.000000e+00 : f32
    %broadcast_in_dim3A_34 = vector.broadcast %broadcast_in_dim3A_33 : f32 to vector<16xf32>
    %swap3A_35 = arith.constant 80 : index
    %swap3A_36 = tpu.vector_load %arg9[%swap3A_35] {strides = array<i32>} : memref<128xf32, #tpu.memory_space<vmem>>, vector<16xf32>,
    %swap3A_37 = vector.shape_cast %swap3A_36 : vector<16xf32> to vector<16xf32>
    %swap3A_38 = vector.shape_cast %broadcast_in_dim3A_34 : vector<16xf32> to vector<16xf32>
    tpu.vector_store %arg9[%swap3A_35], %swap3A_38 {strides = array<i32>} : memref<128xf32, #tpu.memory_space<vmem>>, vector<16xf32>,
    %broadcast_in_dim3A_39 = arith.constant 1.000000e+00 : f32
    %broadcast_in_dim3A_40 = vector.broadcast %broadcast_in_dim3A_39 : f32 to vector<16xf32>
    %swap3A_41 = arith.constant 96 : index
    %swap3A_42 = tpu.vector_load %arg9[%swap3A_41] {strides = array<i32>} : memref<128xf32, #tpu.memory_space<vmem>>, vector<16xf32>,
    %swap3A_43 = vector.shape_cast %swap3A_42 : vector<16xf32> to vector<16xf32>
    %swap3A_44 = vector.shape_cast %broadcast_in_dim3A_40 : vector<16xf32> to vector<16xf32>
    tpu.vector_store %arg9[%swap3A_41], %swap3A_44 {strides = array<i32>} : memref<128xf32, #tpu.memory_space<vmem>>, vector<16xf32>,
    %broadcast_in_dim3A_45 = arith.constant 1.000000e+00 : f32
    %broadcast_in_dim3A_46 = vector.broadcast %broadcast_in_dim3A_45 : f32 to vector<16xf32>
    %swap3A_47 = arith.constant 112 : index
    %swap3A_48 = tpu.vector_load %arg9[%swap3A_47] {strides = array<i32>} : memref<128xf32, #tpu.memory_space<vmem>>, vector<16xf32>,
    %swap3A_49 = vector.shape_cast %swap3A_48 : vector<16xf32> to vector<16xf32>
    %swap3A_50 = vector.shape_cast %broadcast_in_dim3A_46 : vector<16xf32> to vector<16xf32>
    tpu.vector_store %arg9[%swap3A_47], %swap3A_50 {strides = array<i32>} : memref<128xf32, #tpu.memory_space<vmem>>, vector<16xf32>,
    %barrier3A = arith.constant 0 : index
    tpu.barrier barrier_id(%barrier3A)
    %scan3A = arith.constant 0 : i32
    %scan3A_51 = arith.constant 0 : i32
    %scan3A_52 = arith.constant 79 : i32
    %scan3A_53 = arith.addi %scan3A_51, %scan3A_52 : i32
    %scan3A_54 = arith.constant 1 : i32
    scf.for %scan3A_85 = %scan3A_51 to %scan3A_53 step %scan3A_54  : i32 {
      %mul3A_86 = arith.constant 79 : i32
      %mul3A_87 = arith.muli %add3A, %mul3A_86 : i32
      %add3A_88 = arith.addi %mul3A_87, %scan3A_85 : i32
      %mul3A_89 = arith.constant 128 : i32
      %mul3A_90 = arith.muli %add3A_88, %mul3A_89 : i32
      %multiple_of3A = tpu.assume_multiple %mul3A_90, 128 : i32
      "tpu.region"() ({
        %run_scoped3A = tpu.sem_alloc : memref<!tpu.dma_semaphore, #tpu.memory_space<semaphore_mem>>
        %dma_start3A = tpu.memref_slice %arg2[%multiple_of3A] : memref<323584xi32, #tpu.memory_space<hbm>> -> memref<128xi32, #tpu.memory_space<hbm>>
        %dma_start3A_91 = tpu.memref_slice %arg2[%multiple_of3A] : memref<323584xi32, #tpu.memory_space<hbm>> -> memref<128xi32, #tpu.memory_space<hbm>>
        tpu.enqueue_dma source(%dma_start3A_91 : memref<128xi32, #tpu.memory_space<hbm>>) target(%arg8 : memref<128xi32, #tpu.memory_space<vmem>>) target_semaphore(%run_scoped3A : memref<!tpu.dma_semaphore, #tpu.memory_space<semaphore_mem>>)
        %dma_wait3A = tpu.memref_slice %arg2[%multiple_of3A] : memref<323584xi32, #tpu.memory_space<hbm>> -> memref<128xi32, #tpu.memory_space<hbm>>
        %dma_wait3A_92 = tpu.memref_slice %arg2[%multiple_of3A] : memref<323584xi32, #tpu.memory_space<hbm>> -> memref<128xi32, #tpu.memory_space<hbm>>
        tpu.wait_dma2 semaphore(%run_scoped3A : memref<!tpu.dma_semaphore, #tpu.memory_space<semaphore_mem>>) src(%dma_wait3A_92 : memref<128xi32, #tpu.memory_space<hbm>>) dst(%arg8 : memref<128xi32, #tpu.memory_space<vmem>>)
        tpu.yield
      }) : () -> ()
      "tpu.region"() ({
        %run_scoped3A = tpu.sem_alloc : memref<!tpu.dma_semaphore, #tpu.memory_space<semaphore_mem>>
        %dma_start3A = arith.constant 0 : i32
        %dma_start3A_91 = tpu.memref_slice %arg6[%dma_start3A] : memref<10240xf32, #tpu.memory_space<vmem_shared>> -> memref<10240xf32, #tpu.memory_space<vmem_shared>>
        tpu.enqueue_indirect_dma source(%arg9 : memref<128xf32, #tpu.memory_space<vmem>>) target(%dma_start3A_91 : memref<10240xf32, #tpu.memory_space<vmem_shared>>) offsets(%arg8 : memref<128xi32, #tpu.memory_space<vmem>>) semaphore(%run_scoped3A : memref<!tpu.dma_semaphore, #tpu.memory_space<semaphore_mem>>) {add = true}
        %dma_wait3A = arith.constant 0 : i32
        %dma_wait3A_92 = tpu.memref_slice %arg6[%dma_wait3A] : memref<10240xf32, #tpu.memory_space<vmem_shared>> -> memref<10240xf32, #tpu.memory_space<vmem_shared>>
        tpu.wait_indirect_dma semaphore(%run_scoped3A : memref<!tpu.dma_semaphore, #tpu.memory_space<semaphore_mem>>) src(%arg9 : memref<128xf32, #tpu.memory_space<vmem>>) dst(%dma_wait3A_92 : memref<10240xf32, #tpu.memory_space<vmem_shared>>)
        tpu.yield
      }) : () -> ()
    }
    %scan3A_55 = arith.constant 79 : i32
    %scan3A_56 = arith.constant 0 : i32
    %scan3A_57 = arith.constant 0 : i32
    %scan3A_58 = arith.constant 40 : i32
    %scan3A_59 = arith.addi %scan3A_57, %scan3A_58 : i32
    %scan3A_60 = arith.constant 1 : i32
    scf.for %scan3A_85 = %scan3A_57 to %scan3A_59 step %scan3A_60  : i32 {
      %mul3A_86 = arith.constant 40 : i32
      %mul3A_87 = arith.muli %add3A, %mul3A_86 : i32
      %add3A_88 = arith.addi %mul3A_87, %scan3A_85 : i32
      %mul3A_89 = arith.constant 128 : i32
      %mul3A_90 = arith.muli %add3A_88, %mul3A_89 : i32
      %multiple_of3A = tpu.assume_multiple %mul3A_90, 128 : i32
      "tpu.region"() ({
        %run_scoped3A = tpu.sem_alloc : memref<!tpu.dma_semaphore, #tpu.memory_space<semaphore_mem>>
        %dma_start3A = tpu.memref_slice %arg3[%multiple_of3A] : memref<163840xi32, #tpu.memory_space<hbm>> -> memref<128xi32, #tpu.memory_space<hbm>>
        %dma_start3A_91 = tpu.memref_slice %arg3[%multiple_of3A] : memref<163840xi32, #tpu.memory_space<hbm>> -> memref<128xi32, #tpu.memory_space<hbm>>
        tpu.enqueue_dma source(%dma_start3A_91 : memref<128xi32, #tpu.memory_space<hbm>>) target(%arg8 : memref<128xi32, #tpu.memory_space<vmem>>) target_semaphore(%run_scoped3A : memref<!tpu.dma_semaphore, #tpu.memory_space<semaphore_mem>>)
        %dma_wait3A = tpu.memref_slice %arg3[%multiple_of3A] : memref<163840xi32, #tpu.memory_space<hbm>> -> memref<128xi32, #tpu.memory_space<hbm>>
        %dma_wait3A_92 = tpu.memref_slice %arg3[%multiple_of3A] : memref<163840xi32, #tpu.memory_space<hbm>> -> memref<128xi32, #tpu.memory_space<hbm>>
        tpu.wait_dma2 semaphore(%run_scoped3A : memref<!tpu.dma_semaphore, #tpu.memory_space<semaphore_mem>>) src(%dma_wait3A_92 : memref<128xi32, #tpu.memory_space<hbm>>) dst(%arg8 : memref<128xi32, #tpu.memory_space<vmem>>)
        tpu.yield
      }) : () -> ()
      "tpu.region"() ({
        %run_scoped3A = tpu.sem_alloc : memref<!tpu.dma_semaphore, #tpu.memory_space<semaphore_mem>>
        %dma_start3A = arith.constant 0 : i32
        %dma_start3A_91 = tpu.memref_slice %arg7[%dma_start3A] : memref<10240xf32, #tpu.memory_space<vmem_shared>> -> memref<10240xf32, #tpu.memory_space<vmem_shared>>
        tpu.enqueue_indirect_dma source(%arg9 : memref<128xf32, #tpu.memory_space<vmem>>) target(%dma_start3A_91 : memref<10240xf32, #tpu.memory_space<vmem_shared>>) offsets(%arg8 : memref<128xi32, #tpu.memory_space<vmem>>) semaphore(%run_scoped3A : memref<!tpu.dma_semaphore, #tpu.memory_space<semaphore_mem>>) {add = true}
        %dma_wait3A = arith.constant 0 : i32
        %dma_wait3A_92 = tpu.memref_slice %arg7[%dma_wait3A] : memref<10240xf32, #tpu.memory_space<vmem_shared>> -> memref<10240xf32, #tpu.memory_space<vmem_shared>>
        tpu.wait_indirect_dma semaphore(%run_scoped3A : memref<!tpu.dma_semaphore, #tpu.memory_space<semaphore_mem>>) src(%arg9 : memref<128xf32, #tpu.memory_space<vmem>>) dst(%dma_wait3A_92 : memref<10240xf32, #tpu.memory_space<vmem_shared>>)
        tpu.yield
      }) : () -> ()
    }
    %scan3A_61 = arith.constant 40 : i32
    %barrier3A_62 = arith.constant 0 : index
    tpu.barrier barrier_id(%barrier3A_62)
    %mul3A_63 = arith.constant 640 : i32
    %mul3A_64 = arith.muli %arg1, %mul3A_63 : i32
    "tpu.region"() ({
      %run_scoped3A = tpu.sem_alloc : memref<!tpu.dma_semaphore, #tpu.memory_space<semaphore_mem>>
      %dma_start3A = tpu.memref_slice %arg6[%mul3A_64] : memref<10240xf32, #tpu.memory_space<vmem_shared>> -> memref<640xf32, #tpu.memory_space<vmem_shared>>
      %dma_start3A_85 = tpu.memref_slice %arg6[%mul3A_64] : memref<10240xf32, #tpu.memory_space<vmem_shared>> -> memref<640xf32, #tpu.memory_space<vmem_shared>>
      tpu.enqueue_dma source(%dma_start3A_85 : memref<640xf32, #tpu.memory_space<vmem_shared>>) target(%arg10 : memref<640xf32, #tpu.memory_space<vmem>>) target_semaphore(%run_scoped3A : memref<!tpu.dma_semaphore, #tpu.memory_space<semaphore_mem>>)
      %dma_wait3A = tpu.memref_slice %arg6[%mul3A_64] : memref<10240xf32, #tpu.memory_space<vmem_shared>> -> memref<640xf32, #tpu.memory_space<vmem_shared>>
      %dma_wait3A_86 = tpu.memref_slice %arg6[%mul3A_64] : memref<10240xf32, #tpu.memory_space<vmem_shared>> -> memref<640xf32, #tpu.memory_space<vmem_shared>>
      tpu.wait_dma2 semaphore(%run_scoped3A : memref<!tpu.dma_semaphore, #tpu.memory_space<semaphore_mem>>) src(%dma_wait3A_86 : memref<640xf32, #tpu.memory_space<vmem_shared>>) dst(%arg10 : memref<640xf32, #tpu.memory_space<vmem>>)
      tpu.yield
    }) : () -> ()
    %mul3A_65 = arith.constant 2 : i32
    %mul3A_66 = arith.muli %arg0, %mul3A_65 : i32
    %add3A_67 = arith.constant 0 : i32
    %add3A_68 = arith.addi %mul3A_66, %add3A_67 : i32
    %mul3A_69 = arith.constant 10240 : i32
    %mul3A_70 = arith.muli %add3A_68, %mul3A_69 : i32
    %mul3A_71 = arith.constant 640 : i32
    %mul3A_72 = arith.muli %arg1, %mul3A_71 : i32
    %add3A_73 = arith.addi %mul3A_70, %mul3A_72 : i32
    "tpu.region"() ({
      %run_scoped3A = tpu.sem_alloc : memref<!tpu.dma_semaphore, #tpu.memory_space<semaphore_mem>>
      %dma_start3A = tpu.memref_slice %arg5[%add3A_73] : memref<40960xf32, #tpu.memory_space<hbm>> -> memref<640xf32, #tpu.memory_space<hbm>>
      %dma_start3A_85 = tpu.memref_slice %arg5[%add3A_73] : memref<40960xf32, #tpu.memory_space<hbm>> -> memref<640xf32, #tpu.memory_space<hbm>>
      tpu.enqueue_dma source(%arg10 : memref<640xf32, #tpu.memory_space<vmem>>) target(%dma_start3A_85 : memref<640xf32, #tpu.memory_space<hbm>>) target_semaphore(%run_scoped3A : memref<!tpu.dma_semaphore, #tpu.memory_space<semaphore_mem>>)
      %dma_wait3A = tpu.memref_slice %arg5[%add3A_73] : memref<40960xf32, #tpu.memory_space<hbm>> -> memref<640xf32, #tpu.memory_space<hbm>>
      %dma_wait3A_86 = tpu.memref_slice %arg5[%add3A_73] : memref<40960xf32, #tpu.memory_space<hbm>> -> memref<640xf32, #tpu.memory_space<hbm>>
      tpu.wait_dma2 semaphore(%run_scoped3A : memref<!tpu.dma_semaphore, #tpu.memory_space<semaphore_mem>>) src(%arg10 : memref<640xf32, #tpu.memory_space<vmem>>) dst(%dma_wait3A_86 : memref<640xf32, #tpu.memory_space<hbm>>)
      tpu.yield
    }) : () -> ()
    %mul3A_74 = arith.constant 640 : i32
    %mul3A_75 = arith.muli %arg1, %mul3A_74 : i32
    "tpu.region"() ({
      %run_scoped3A = tpu.sem_alloc : memref<!tpu.dma_semaphore, #tpu.memory_space<semaphore_mem>>
      %dma_start3A = tpu.memref_slice %arg7[%mul3A_75] : memref<10240xf32, #tpu.memory_space<vmem_shared>> -> memref<640xf32, #tpu.memory_space<vmem_shared>>
      %dma_start3A_85 = tpu.memref_slice %arg7[%mul3A_75] : memref<10240xf32, #tpu.memory_space<vmem_shared>> -> memref<640xf32, #tpu.memory_space<vmem_shared>>
      tpu.enqueue_dma source(%dma_start3A_85 : memref<640xf32, #tpu.memory_space<vmem_shared>>) target(%arg10 : memref<640xf32, #tpu.memory_space<vmem>>) target_semaphore(%run_scoped3A : memref<!tpu.dma_semaphore, #tpu.memory_space<semaphore_mem>>)
      %dma_wait3A = tpu.memref_slice %arg7[%mul3A_75] : memref<10240xf32, #tpu.memory_space<vmem_shared>> -> memref<640xf32, #tpu.memory_space<vmem_shared>>
      %dma_wait3A_86 = tpu.memref_slice %arg7[%mul3A_75] : memref<10240xf32, #tpu.memory_space<vmem_shared>> -> memref<640xf32, #tpu.memory_space<vmem_shared>>
      tpu.wait_dma2 semaphore(%run_scoped3A : memref<!tpu.dma_semaphore, #tpu.memory_space<semaphore_mem>>) src(%dma_wait3A_86 : memref<640xf32, #tpu.memory_space<vmem_shared>>) dst(%arg10 : memref<640xf32, #tpu.memory_space<vmem>>)
      tpu.yield
    }) : () -> ()
    %mul3A_76 = arith.constant 2 : i32
    %mul3A_77 = arith.muli %arg0, %mul3A_76 : i32
    %add3A_78 = arith.constant 1 : i32
    %add3A_79 = arith.addi %mul3A_77, %add3A_78 : i32
    %mul3A_80 = arith.constant 10240 : i32
    %mul3A_81 = arith.muli %add3A_79, %mul3A_80 : i32
    %mul3A_82 = arith.constant 640 : i32
    %mul3A_83 = arith.muli %arg1, %mul3A_82 : i32
    %add3A_84 = arith.addi %mul3A_81, %mul3A_83 : i32
    "tpu.region"() ({
      %run_scoped3A = tpu.sem_alloc : memref<!tpu.dma_semaphore, #tpu.memory_space<semaphore_mem>>
      %dma_start3A = tpu.memref_slice %arg5[%add3A_84] : memref<40960xf32, #tpu.memory_space<hbm>> -> memref<640xf32, #tpu.memory_space<hbm>>
      %dma_start3A_85 = tpu.memref_slice %arg5[%add3A_84] : memref<40960xf32, #tpu.memory_space<hbm>> -> memref<640xf32, #tpu.memory_space<hbm>>
      tpu.enqueue_dma source(%arg10 : memref<640xf32, #tpu.memory_space<vmem>>) target(%dma_start3A_85 : memref<640xf32, #tpu.memory_space<hbm>>) target_semaphore(%run_scoped3A : memref<!tpu.dma_semaphore, #tpu.memory_space<semaphore_mem>>)
      %dma_wait3A = tpu.memref_slice %arg5[%add3A_84] : memref<40960xf32, #tpu.memory_space<hbm>> -> memref<640xf32, #tpu.memory_space<hbm>>
      %dma_wait3A_86 = tpu.memref_slice %arg5[%add3A_84] : memref<40960xf32, #tpu.memory_space<hbm>> -> memref<640xf32, #tpu.memory_space<hbm>>
      tpu.wait_dma2 semaphore(%run_scoped3A : memref<!tpu.dma_semaphore, #tpu.memory_space<semaphore_mem>>) src(%arg10 : memref<640xf32, #tpu.memory_space<vmem>>) dst(%dma_wait3A_86 : memref<640xf32, #tpu.memory_space<hbm>>)
      tpu.yield
    }) : () -> ()
    return
  }
}

#map = affine_map<(d0, d1) -> (0, 0)>
#map1 = affine_map<(d0, d1) -> (0)>
#map2 = affine_map<(d0, d1) -> (0, 0, 0)>
module attributes {stable_mosaic.version = 14 : i64} {
  func.func @_agg_body(%arg0: i32, %arg1: i32, %arg2: memref<10000x128xf32, #tpu.memory_space<hbm>>, %arg3: memref<323584xi32, #tpu.memory_space<hbm>>, %arg4: memref<323584xi32, #tpu.memory_space<hbm>>, %arg5: memref<128x128xf32, #tpu.memory_space<hbm>>, %arg6: memref<2x10112x128xf32, #tpu.memory_space<hbm>>, %arg7: memref<10112x128xf32, #tpu.memory_space<vmem_shared>>, %arg8: memref<128xi32, #tpu.memory_space<vmem>>, %arg9: memref<128xi32, #tpu.memory_space<vmem>>, %arg10: memref<128x128xf32, #tpu.memory_space<vmem>>, %arg11: memref<!tpu.dma_semaphore, #tpu.memory_space<semaphore_mem>>) attributes {dimension_semantics = [#tpu.dimension_semantics<core_parallel>, #tpu.dimension_semantics<subcore_parallel>], iteration_bounds = array<i64: 2, 16>, scalar_prefetch = 0 : i64, scratch_operands = 5 : i64, tpu.core_type = #tpu.core_type<sc_vector_subcore>, window_params = [{transform_indices = #map}, {transform_indices = #map1}, {transform_indices = #map1}, {transform_indices = #map}, {transform_indices = #map2}]} {
    %eq3A = arith.constant 0 : i32
    %eq3A_0 = arith.cmpi eq, %arg0, %eq3A : i32
    %mul3A = arith.constant 112 : i32
    %mul3A_1 = arith.muli %arg1, %mul3A : i32
    %mul3A_2 = arith.constant 46 : i32
    %mul3A_3 = arith.muli %arg1, %mul3A_2 : i32
    %add3A = arith.constant 1792 : i32
    %add3A_4 = arith.addi %add3A, %mul3A_3 : i32
    %select_n3A = arith.select %eq3A_0, %mul3A_1, %add3A_4 : i32
    %eq3A_5 = arith.constant 0 : i32
    %eq3A_6 = arith.cmpi eq, %arg0, %eq3A_5 : i32
    %jit3A = arith.constant 112 : i32
    %jit3A_7 = arith.constant 46 : i32
    %select_n3A_8 = arith.select %eq3A_6, %jit3A, %jit3A_7 : i32
    "tpu.region"() ({
      %run_scoped3A = tpu.sem_alloc : memref<!tpu.dma_semaphore, #tpu.memory_space<semaphore_mem>>
      tpu.enqueue_dma source(%arg5 : memref<128x128xf32, #tpu.memory_space<hbm>>) target(%arg10 : memref<128x128xf32, #tpu.memory_space<vmem>>) target_semaphore(%run_scoped3A : memref<!tpu.dma_semaphore, #tpu.memory_space<semaphore_mem>>)
      tpu.wait_dma2 semaphore(%run_scoped3A : memref<!tpu.dma_semaphore, #tpu.memory_space<semaphore_mem>>) src(%arg5 : memref<128x128xf32, #tpu.memory_space<hbm>>) dst(%arg10 : memref<128x128xf32, #tpu.memory_space<vmem>>)
      tpu.yield
    }) : () -> ()
    %mul3A_9 = arith.constant 632 : i32
    %mul3A_10 = arith.muli %arg1, %mul3A_9 : i32
    %add3A_11 = arith.constant 0 : i32
    %add3A_12 = arith.addi %mul3A_10, %add3A_11 : i32
    "tpu.region"() ({
      %run_scoped3A = tpu.sem_alloc : memref<!tpu.dma_semaphore, #tpu.memory_space<semaphore_mem>>
      %dma_start3A = arith.constant 0 : i32
      %dma_start3A_79 = tpu.memref_slice %arg7[%add3A_12, %dma_start3A] : memref<10112x128xf32, #tpu.memory_space<vmem_shared>> -> memref<128x128xf32, #tpu.memory_space<vmem_shared>>
      %dma_start3A_80 = arith.constant 0 : i32
      %dma_start3A_81 = tpu.memref_slice %arg7[%add3A_12, %dma_start3A_80] : memref<10112x128xf32, #tpu.memory_space<vmem_shared>> -> memref<128x128xf32, #tpu.memory_space<vmem_shared>>
      tpu.enqueue_dma source(%arg10 : memref<128x128xf32, #tpu.memory_space<vmem>>) target(%dma_start3A_81 : memref<128x128xf32, #tpu.memory_space<vmem_shared>>) target_semaphore(%run_scoped3A : memref<!tpu.dma_semaphore, #tpu.memory_space<semaphore_mem>>)
      %dma_wait3A = arith.constant 0 : i32
      %dma_wait3A_82 = tpu.memref_slice %arg7[%add3A_12, %dma_wait3A] : memref<10112x128xf32, #tpu.memory_space<vmem_shared>> -> memref<128x128xf32, #tpu.memory_space<vmem_shared>>
      %dma_wait3A_83 = arith.constant 0 : i32
      %dma_wait3A_84 = tpu.memref_slice %arg7[%add3A_12, %dma_wait3A_83] : memref<10112x128xf32, #tpu.memory_space<vmem_shared>> -> memref<128x128xf32, #tpu.memory_space<vmem_shared>>
      tpu.wait_dma2 semaphore(%run_scoped3A : memref<!tpu.dma_semaphore, #tpu.memory_space<semaphore_mem>>) src(%arg10 : memref<128x128xf32, #tpu.memory_space<vmem>>) dst(%dma_wait3A_84 : memref<128x128xf32, #tpu.memory_space<vmem_shared>>)
      tpu.yield
    }) : () -> ()
    %mul3A_13 = arith.constant 632 : i32
    %mul3A_14 = arith.muli %arg1, %mul3A_13 : i32
    %add3A_15 = arith.constant 128 : i32
    %add3A_16 = arith.addi %mul3A_14, %add3A_15 : i32
    "tpu.region"() ({
      %run_scoped3A = tpu.sem_alloc : memref<!tpu.dma_semaphore, #tpu.memory_space<semaphore_mem>>
      %dma_start3A = arith.constant 0 : i32
      %dma_start3A_79 = tpu.memref_slice %arg7[%add3A_16, %dma_start3A] : memref<10112x128xf32, #tpu.memory_space<vmem_shared>> -> memref<128x128xf32, #tpu.memory_space<vmem_shared>>
      %dma_start3A_80 = arith.constant 0 : i32
      %dma_start3A_81 = tpu.memref_slice %arg7[%add3A_16, %dma_start3A_80] : memref<10112x128xf32, #tpu.memory_space<vmem_shared>> -> memref<128x128xf32, #tpu.memory_space<vmem_shared>>
      tpu.enqueue_dma source(%arg10 : memref<128x128xf32, #tpu.memory_space<vmem>>) target(%dma_start3A_81 : memref<128x128xf32, #tpu.memory_space<vmem_shared>>) target_semaphore(%run_scoped3A : memref<!tpu.dma_semaphore, #tpu.memory_space<semaphore_mem>>)
      %dma_wait3A = arith.constant 0 : i32
      %dma_wait3A_82 = tpu.memref_slice %arg7[%add3A_16, %dma_wait3A] : memref<10112x128xf32, #tpu.memory_space<vmem_shared>> -> memref<128x128xf32, #tpu.memory_space<vmem_shared>>
      %dma_wait3A_83 = arith.constant 0 : i32
      %dma_wait3A_84 = tpu.memref_slice %arg7[%add3A_16, %dma_wait3A_83] : memref<10112x128xf32, #tpu.memory_space<vmem_shared>> -> memref<128x128xf32, #tpu.memory_space<vmem_shared>>
      tpu.wait_dma2 semaphore(%run_scoped3A : memref<!tpu.dma_semaphore, #tpu.memory_space<semaphore_mem>>) src(%arg10 : memref<128x128xf32, #tpu.memory_space<vmem>>) dst(%dma_wait3A_84 : memref<128x128xf32, #tpu.memory_space<vmem_shared>>)
      tpu.yield
    }) : () -> ()
    %mul3A_17 = arith.constant 632 : i32
    %mul3A_18 = arith.muli %arg1, %mul3A_17 : i32
    %add3A_19 = arith.constant 256 : i32
    %add3A_20 = arith.addi %mul3A_18, %add3A_19 : i32
    "tpu.region"() ({
      %run_scoped3A = tpu.sem_alloc : memref<!tpu.dma_semaphore, #tpu.memory_space<semaphore_mem>>
      %dma_start3A = arith.constant 0 : i32
      %dma_start3A_79 = tpu.memref_slice %arg7[%add3A_20, %dma_start3A] : memref<10112x128xf32, #tpu.memory_space<vmem_shared>> -> memref<128x128xf32, #tpu.memory_space<vmem_shared>>
      %dma_start3A_80 = arith.constant 0 : i32
      %dma_start3A_81 = tpu.memref_slice %arg7[%add3A_20, %dma_start3A_80] : memref<10112x128xf32, #tpu.memory_space<vmem_shared>> -> memref<128x128xf32, #tpu.memory_space<vmem_shared>>
      tpu.enqueue_dma source(%arg10 : memref<128x128xf32, #tpu.memory_space<vmem>>) target(%dma_start3A_81 : memref<128x128xf32, #tpu.memory_space<vmem_shared>>) target_semaphore(%run_scoped3A : memref<!tpu.dma_semaphore, #tpu.memory_space<semaphore_mem>>)
      %dma_wait3A = arith.constant 0 : i32
      %dma_wait3A_82 = tpu.memref_slice %arg7[%add3A_20, %dma_wait3A] : memref<10112x128xf32, #tpu.memory_space<vmem_shared>> -> memref<128x128xf32, #tpu.memory_space<vmem_shared>>
      %dma_wait3A_83 = arith.constant 0 : i32
      %dma_wait3A_84 = tpu.memref_slice %arg7[%add3A_20, %dma_wait3A_83] : memref<10112x128xf32, #tpu.memory_space<vmem_shared>> -> memref<128x128xf32, #tpu.memory_space<vmem_shared>>
      tpu.wait_dma2 semaphore(%run_scoped3A : memref<!tpu.dma_semaphore, #tpu.memory_space<semaphore_mem>>) src(%arg10 : memref<128x128xf32, #tpu.memory_space<vmem>>) dst(%dma_wait3A_84 : memref<128x128xf32, #tpu.memory_space<vmem_shared>>)
      tpu.yield
    }) : () -> ()
    %mul3A_21 = arith.constant 632 : i32
    %mul3A_22 = arith.muli %arg1, %mul3A_21 : i32
    %add3A_23 = arith.constant 384 : i32
    %add3A_24 = arith.addi %mul3A_22, %add3A_23 : i32
    "tpu.region"() ({
      %run_scoped3A = tpu.sem_alloc : memref<!tpu.dma_semaphore, #tpu.memory_space<semaphore_mem>>
      %dma_start3A = arith.constant 0 : i32
      %dma_start3A_79 = tpu.memref_slice %arg7[%add3A_24, %dma_start3A] : memref<10112x128xf32, #tpu.memory_space<vmem_shared>> -> memref<128x128xf32, #tpu.memory_space<vmem_shared>>
      %dma_start3A_80 = arith.constant 0 : i32
      %dma_start3A_81 = tpu.memref_slice %arg7[%add3A_24, %dma_start3A_80] : memref<10112x128xf32, #tpu.memory_space<vmem_shared>> -> memref<128x128xf32, #tpu.memory_space<vmem_shared>>
      tpu.enqueue_dma source(%arg10 : memref<128x128xf32, #tpu.memory_space<vmem>>) target(%dma_start3A_81 : memref<128x128xf32, #tpu.memory_space<vmem_shared>>) target_semaphore(%run_scoped3A : memref<!tpu.dma_semaphore, #tpu.memory_space<semaphore_mem>>)
      %dma_wait3A = arith.constant 0 : i32
      %dma_wait3A_82 = tpu.memref_slice %arg7[%add3A_24, %dma_wait3A] : memref<10112x128xf32, #tpu.memory_space<vmem_shared>> -> memref<128x128xf32, #tpu.memory_space<vmem_shared>>
      %dma_wait3A_83 = arith.constant 0 : i32
      %dma_wait3A_84 = tpu.memref_slice %arg7[%add3A_24, %dma_wait3A_83] : memref<10112x128xf32, #tpu.memory_space<vmem_shared>> -> memref<128x128xf32, #tpu.memory_space<vmem_shared>>
      tpu.wait_dma2 semaphore(%run_scoped3A : memref<!tpu.dma_semaphore, #tpu.memory_space<semaphore_mem>>) src(%arg10 : memref<128x128xf32, #tpu.memory_space<vmem>>) dst(%dma_wait3A_84 : memref<128x128xf32, #tpu.memory_space<vmem_shared>>)
      tpu.yield
    }) : () -> ()
    %mul3A_25 = arith.constant 632 : i32
    %mul3A_26 = arith.muli %arg1, %mul3A_25 : i32
    %add3A_27 = arith.constant 512 : i32
    %add3A_28 = arith.addi %mul3A_26, %add3A_27 : i32
    "tpu.region"() ({
      %run_scoped3A = tpu.sem_alloc : memref<!tpu.dma_semaphore, #tpu.memory_space<semaphore_mem>>
      %dma_start3A = arith.constant 0 : i32
      %dma_start3A_79 = arith.constant 0 : i32
      %dma_start3A_80 = tpu.memref_slice %arg10[%dma_start3A, %dma_start3A_79] : memref<128x128xf32, #tpu.memory_space<vmem>> -> memref<120x128xf32, #tpu.memory_space<vmem>>
      %dma_start3A_81 = arith.constant 0 : i32
      %dma_start3A_82 = tpu.memref_slice %arg7[%add3A_28, %dma_start3A_81] : memref<10112x128xf32, #tpu.memory_space<vmem_shared>> -> memref<120x128xf32, #tpu.memory_space<vmem_shared>>
      %dma_start3A_83 = arith.constant 0 : i32
      %dma_start3A_84 = tpu.memref_slice %arg7[%add3A_28, %dma_start3A_83] : memref<10112x128xf32, #tpu.memory_space<vmem_shared>> -> memref<120x128xf32, #tpu.memory_space<vmem_shared>>
      %dma_start3A_85 = arith.constant 0 : i32
      %dma_start3A_86 = arith.constant 0 : i32
      %dma_start3A_87 = tpu.memref_slice %arg10[%dma_start3A_85, %dma_start3A_86] : memref<128x128xf32, #tpu.memory_space<vmem>> -> memref<120x128xf32, #tpu.memory_space<vmem>>
      tpu.enqueue_dma source(%dma_start3A_87 : memref<120x128xf32, #tpu.memory_space<vmem>>) target(%dma_start3A_84 : memref<120x128xf32, #tpu.memory_space<vmem_shared>>) target_semaphore(%run_scoped3A : memref<!tpu.dma_semaphore, #tpu.memory_space<semaphore_mem>>)
      %dma_wait3A = arith.constant 0 : i32
      %dma_wait3A_88 = arith.constant 0 : i32
      %dma_wait3A_89 = tpu.memref_slice %arg10[%dma_wait3A, %dma_wait3A_88] : memref<128x128xf32, #tpu.memory_space<vmem>> -> memref<120x128xf32, #tpu.memory_space<vmem>>
      %dma_wait3A_90 = arith.constant 0 : i32
      %dma_wait3A_91 = tpu.memref_slice %arg7[%add3A_28, %dma_wait3A_90] : memref<10112x128xf32, #tpu.memory_space<vmem_shared>> -> memref<120x128xf32, #tpu.memory_space<vmem_shared>>
      %dma_wait3A_92 = arith.constant 0 : i32
      %dma_wait3A_93 = tpu.memref_slice %arg7[%add3A_28, %dma_wait3A_92] : memref<10112x128xf32, #tpu.memory_space<vmem_shared>> -> memref<120x128xf32, #tpu.memory_space<vmem_shared>>
      %dma_wait3A_94 = arith.constant 0 : i32
      %dma_wait3A_95 = arith.constant 0 : i32
      %dma_wait3A_96 = tpu.memref_slice %arg10[%dma_wait3A_94, %dma_wait3A_95] : memref<128x128xf32, #tpu.memory_space<vmem>> -> memref<120x128xf32, #tpu.memory_space<vmem>>
      tpu.wait_dma2 semaphore(%run_scoped3A : memref<!tpu.dma_semaphore, #tpu.memory_space<semaphore_mem>>) src(%dma_wait3A_96 : memref<120x128xf32, #tpu.memory_space<vmem>>) dst(%dma_wait3A_93 : memref<120x128xf32, #tpu.memory_space<vmem_shared>>)
      tpu.yield
    }) : () -> ()
    %barrier3A = arith.constant 0 : index
    tpu.barrier barrier_id(%barrier3A)
    %while3A = arith.constant 0 : i32
    %while3A_29 = arith.constant 0 : i32
    %while3A_30 = arith.subi %select_n3A_8, %while3A_29 : i32
    %while3A_31 = arith.addi %while3A_29, %while3A_30 : i32
    %while3A_32 = arith.constant 1 : i32
    %while3A_33 = arith.divsi %while3A_30, %while3A_32 : i32
    %while3A_34 = arith.muli %while3A_33, %while3A_32 : i32
    %while3A_35 = arith.addi %while3A_29, %while3A_34 : i32
    %while3A_36 = arith.constant 1 : i32
    scf.for %while3A_79 = %while3A_29 to %while3A_35 step %while3A_36  : i32 {
      %add3A_80 = arith.addi %select_n3A, %while3A_79 : i32
      %mul3A_81 = arith.constant 128 : i32
      %mul3A_82 = arith.muli %add3A_80, %mul3A_81 : i32
      %multiple_of3A = tpu.assume_multiple %mul3A_82, 128 : i32
      "tpu.region"() ({
        %run_scoped3A = tpu.sem_alloc : memref<!tpu.dma_semaphore, #tpu.memory_space<semaphore_mem>>
        %dma_start3A_87 = tpu.memref_slice %arg3[%multiple_of3A] : memref<323584xi32, #tpu.memory_space<hbm>> -> memref<128xi32, #tpu.memory_space<hbm>>
        %dma_start3A_88 = tpu.memref_slice %arg3[%multiple_of3A] : memref<323584xi32, #tpu.memory_space<hbm>> -> memref<128xi32, #tpu.memory_space<hbm>>
        tpu.enqueue_dma source(%dma_start3A_88 : memref<128xi32, #tpu.memory_space<hbm>>) target(%arg8 : memref<128xi32, #tpu.memory_space<vmem>>) target_semaphore(%run_scoped3A : memref<!tpu.dma_semaphore, #tpu.memory_space<semaphore_mem>>)
        %dma_wait3A_89 = tpu.memref_slice %arg3[%multiple_of3A] : memref<323584xi32, #tpu.memory_space<hbm>> -> memref<128xi32, #tpu.memory_space<hbm>>
        %dma_wait3A_90 = tpu.memref_slice %arg3[%multiple_of3A] : memref<323584xi32, #tpu.memory_space<hbm>> -> memref<128xi32, #tpu.memory_space<hbm>>
        tpu.wait_dma2 semaphore(%run_scoped3A : memref<!tpu.dma_semaphore, #tpu.memory_space<semaphore_mem>>) src(%dma_wait3A_90 : memref<128xi32, #tpu.memory_space<hbm>>) dst(%arg8 : memref<128xi32, #tpu.memory_space<vmem>>)
        tpu.yield
      }) : () -> ()
      "tpu.region"() ({
        %run_scoped3A = tpu.sem_alloc : memref<!tpu.dma_semaphore, #tpu.memory_space<semaphore_mem>>
        %dma_start3A_87 = tpu.memref_slice %arg4[%multiple_of3A] : memref<323584xi32, #tpu.memory_space<hbm>> -> memref<128xi32, #tpu.memory_space<hbm>>
        %dma_start3A_88 = tpu.memref_slice %arg4[%multiple_of3A] : memref<323584xi32, #tpu.memory_space<hbm>> -> memref<128xi32, #tpu.memory_space<hbm>>
        tpu.enqueue_dma source(%dma_start3A_88 : memref<128xi32, #tpu.memory_space<hbm>>) target(%arg9 : memref<128xi32, #tpu.memory_space<vmem>>) target_semaphore(%run_scoped3A : memref<!tpu.dma_semaphore, #tpu.memory_space<semaphore_mem>>)
        %dma_wait3A_89 = tpu.memref_slice %arg4[%multiple_of3A] : memref<323584xi32, #tpu.memory_space<hbm>> -> memref<128xi32, #tpu.memory_space<hbm>>
        %dma_wait3A_90 = tpu.memref_slice %arg4[%multiple_of3A] : memref<323584xi32, #tpu.memory_space<hbm>> -> memref<128xi32, #tpu.memory_space<hbm>>
        tpu.wait_dma2 semaphore(%run_scoped3A : memref<!tpu.dma_semaphore, #tpu.memory_space<semaphore_mem>>) src(%dma_wait3A_90 : memref<128xi32, #tpu.memory_space<hbm>>) dst(%arg9 : memref<128xi32, #tpu.memory_space<vmem>>)
        tpu.yield
      }) : () -> ()
      %dma_start3A = arith.constant 0 : i32
      %dma_start3A_83 = arith.constant 0 : i32
      %dma_start3A_84 = tpu.memref_slice %arg2[%dma_start3A, %dma_start3A_83] : memref<10000x128xf32, #tpu.memory_space<hbm>> -> memref<10000x128xf32, #tpu.memory_space<hbm>>
      tpu.enqueue_indirect_dma source(%dma_start3A_84 : memref<10000x128xf32, #tpu.memory_space<hbm>>) target(%arg10 : memref<128x128xf32, #tpu.memory_space<vmem>>) offsets(%arg8 : memref<128xi32, #tpu.memory_space<vmem>>) semaphore(%arg11 : memref<!tpu.dma_semaphore, #tpu.memory_space<semaphore_mem>>)
      %dma_wait3A = arith.constant 0 : i32
      %dma_wait3A_85 = arith.constant 0 : i32
      %dma_wait3A_86 = tpu.memref_slice %arg2[%dma_wait3A, %dma_wait3A_85] : memref<10000x128xf32, #tpu.memory_space<hbm>> -> memref<10000x128xf32, #tpu.memory_space<hbm>>
      tpu.wait_indirect_dma semaphore(%arg11 : memref<!tpu.dma_semaphore, #tpu.memory_space<semaphore_mem>>) src(%dma_wait3A_86 : memref<10000x128xf32, #tpu.memory_space<hbm>>) dst(%arg10 : memref<128x128xf32, #tpu.memory_space<vmem>>)
      "tpu.region"() ({
        %run_scoped3A = tpu.sem_alloc : memref<!tpu.dma_semaphore, #tpu.memory_space<semaphore_mem>>
        %dma_start3A_87 = arith.constant 0 : i32
        %dma_start3A_88 = arith.constant 0 : i32
        %dma_start3A_89 = tpu.memref_slice %arg7[%dma_start3A_87, %dma_start3A_88] : memref<10112x128xf32, #tpu.memory_space<vmem_shared>> -> memref<10112x128xf32, #tpu.memory_space<vmem_shared>>
        tpu.enqueue_indirect_dma source(%arg10 : memref<128x128xf32, #tpu.memory_space<vmem>>) target(%dma_start3A_89 : memref<10112x128xf32, #tpu.memory_space<vmem_shared>>) offsets(%arg9 : memref<128xi32, #tpu.memory_space<vmem>>) semaphore(%run_scoped3A : memref<!tpu.dma_semaphore, #tpu.memory_space<semaphore_mem>>) {add = true}
        %dma_wait3A_90 = arith.constant 0 : i32
        %dma_wait3A_91 = arith.constant 0 : i32
        %dma_wait3A_92 = tpu.memref_slice %arg7[%dma_wait3A_90, %dma_wait3A_91] : memref<10112x128xf32, #tpu.memory_space<vmem_shared>> -> memref<10112x128xf32, #tpu.memory_space<vmem_shared>>
        tpu.wait_indirect_dma semaphore(%run_scoped3A : memref<!tpu.dma_semaphore, #tpu.memory_space<semaphore_mem>>) src(%arg10 : memref<128x128xf32, #tpu.memory_space<vmem>>) dst(%dma_wait3A_92 : memref<10112x128xf32, #tpu.memory_space<vmem_shared>>)
        tpu.yield
      }) : () -> ()
    }
    %while3A_37 = arith.constant 1 : i32
    scf.for %while3A_79 = %while3A_35 to %while3A_31 step %while3A_37  : i32 {
      %add3A_80 = arith.addi %select_n3A, %while3A_79 : i32
      %mul3A_81 = arith.constant 128 : i32
      %mul3A_82 = arith.muli %add3A_80, %mul3A_81 : i32
      %multiple_of3A = tpu.assume_multiple %mul3A_82, 128 : i32
      "tpu.region"() ({
        %run_scoped3A = tpu.sem_alloc : memref<!tpu.dma_semaphore, #tpu.memory_space<semaphore_mem>>
        %dma_start3A_87 = tpu.memref_slice %arg3[%multiple_of3A] : memref<323584xi32, #tpu.memory_space<hbm>> -> memref<128xi32, #tpu.memory_space<hbm>>
        %dma_start3A_88 = tpu.memref_slice %arg3[%multiple_of3A] : memref<323584xi32, #tpu.memory_space<hbm>> -> memref<128xi32, #tpu.memory_space<hbm>>
        tpu.enqueue_dma source(%dma_start3A_88 : memref<128xi32, #tpu.memory_space<hbm>>) target(%arg8 : memref<128xi32, #tpu.memory_space<vmem>>) target_semaphore(%run_scoped3A : memref<!tpu.dma_semaphore, #tpu.memory_space<semaphore_mem>>)
        %dma_wait3A_89 = tpu.memref_slice %arg3[%multiple_of3A] : memref<323584xi32, #tpu.memory_space<hbm>> -> memref<128xi32, #tpu.memory_space<hbm>>
        %dma_wait3A_90 = tpu.memref_slice %arg3[%multiple_of3A] : memref<323584xi32, #tpu.memory_space<hbm>> -> memref<128xi32, #tpu.memory_space<hbm>>
        tpu.wait_dma2 semaphore(%run_scoped3A : memref<!tpu.dma_semaphore, #tpu.memory_space<semaphore_mem>>) src(%dma_wait3A_90 : memref<128xi32, #tpu.memory_space<hbm>>) dst(%arg8 : memref<128xi32, #tpu.memory_space<vmem>>)
        tpu.yield
      }) : () -> ()
      "tpu.region"() ({
        %run_scoped3A = tpu.sem_alloc : memref<!tpu.dma_semaphore, #tpu.memory_space<semaphore_mem>>
        %dma_start3A_87 = tpu.memref_slice %arg4[%multiple_of3A] : memref<323584xi32, #tpu.memory_space<hbm>> -> memref<128xi32, #tpu.memory_space<hbm>>
        %dma_start3A_88 = tpu.memref_slice %arg4[%multiple_of3A] : memref<323584xi32, #tpu.memory_space<hbm>> -> memref<128xi32, #tpu.memory_space<hbm>>
        tpu.enqueue_dma source(%dma_start3A_88 : memref<128xi32, #tpu.memory_space<hbm>>) target(%arg9 : memref<128xi32, #tpu.memory_space<vmem>>) target_semaphore(%run_scoped3A : memref<!tpu.dma_semaphore, #tpu.memory_space<semaphore_mem>>)
        %dma_wait3A_89 = tpu.memref_slice %arg4[%multiple_of3A] : memref<323584xi32, #tpu.memory_space<hbm>> -> memref<128xi32, #tpu.memory_space<hbm>>
        %dma_wait3A_90 = tpu.memref_slice %arg4[%multiple_of3A] : memref<323584xi32, #tpu.memory_space<hbm>> -> memref<128xi32, #tpu.memory_space<hbm>>
        tpu.wait_dma2 semaphore(%run_scoped3A : memref<!tpu.dma_semaphore, #tpu.memory_space<semaphore_mem>>) src(%dma_wait3A_90 : memref<128xi32, #tpu.memory_space<hbm>>) dst(%arg9 : memref<128xi32, #tpu.memory_space<vmem>>)
        tpu.yield
      }) : () -> ()
      %dma_start3A = arith.constant 0 : i32
      %dma_start3A_83 = arith.constant 0 : i32
      %dma_start3A_84 = tpu.memref_slice %arg2[%dma_start3A, %dma_start3A_83] : memref<10000x128xf32, #tpu.memory_space<hbm>> -> memref<10000x128xf32, #tpu.memory_space<hbm>>
      tpu.enqueue_indirect_dma source(%dma_start3A_84 : memref<10000x128xf32, #tpu.memory_space<hbm>>) target(%arg10 : memref<128x128xf32, #tpu.memory_space<vmem>>) offsets(%arg8 : memref<128xi32, #tpu.memory_space<vmem>>) semaphore(%arg11 : memref<!tpu.dma_semaphore, #tpu.memory_space<semaphore_mem>>)
      %dma_wait3A = arith.constant 0 : i32
      %dma_wait3A_85 = arith.constant 0 : i32
      %dma_wait3A_86 = tpu.memref_slice %arg2[%dma_wait3A, %dma_wait3A_85] : memref<10000x128xf32, #tpu.memory_space<hbm>> -> memref<10000x128xf32, #tpu.memory_space<hbm>>
      tpu.wait_indirect_dma semaphore(%arg11 : memref<!tpu.dma_semaphore, #tpu.memory_space<semaphore_mem>>) src(%dma_wait3A_86 : memref<10000x128xf32, #tpu.memory_space<hbm>>) dst(%arg10 : memref<128x128xf32, #tpu.memory_space<vmem>>)
      "tpu.region"() ({
        %run_scoped3A = tpu.sem_alloc : memref<!tpu.dma_semaphore, #tpu.memory_space<semaphore_mem>>
        %dma_start3A_87 = arith.constant 0 : i32
        %dma_start3A_88 = arith.constant 0 : i32
        %dma_start3A_89 = tpu.memref_slice %arg7[%dma_start3A_87, %dma_start3A_88] : memref<10112x128xf32, #tpu.memory_space<vmem_shared>> -> memref<10112x128xf32, #tpu.memory_space<vmem_shared>>
        tpu.enqueue_indirect_dma source(%arg10 : memref<128x128xf32, #tpu.memory_space<vmem>>) target(%dma_start3A_89 : memref<10112x128xf32, #tpu.memory_space<vmem_shared>>) offsets(%arg9 : memref<128xi32, #tpu.memory_space<vmem>>) semaphore(%run_scoped3A : memref<!tpu.dma_semaphore, #tpu.memory_space<semaphore_mem>>) {add = true}
        %dma_wait3A_90 = arith.constant 0 : i32
        %dma_wait3A_91 = arith.constant 0 : i32
        %dma_wait3A_92 = tpu.memref_slice %arg7[%dma_wait3A_90, %dma_wait3A_91] : memref<10112x128xf32, #tpu.memory_space<vmem_shared>> -> memref<10112x128xf32, #tpu.memory_space<vmem_shared>>
        tpu.wait_indirect_dma semaphore(%run_scoped3A : memref<!tpu.dma_semaphore, #tpu.memory_space<semaphore_mem>>) src(%arg10 : memref<128x128xf32, #tpu.memory_space<vmem>>) dst(%dma_wait3A_92 : memref<10112x128xf32, #tpu.memory_space<vmem_shared>>)
        tpu.yield
      }) : () -> ()
    }
    %barrier3A_38 = arith.constant 0 : index
    tpu.barrier barrier_id(%barrier3A_38)
    %mul3A_39 = arith.constant 632 : i32
    %mul3A_40 = arith.muli %arg1, %mul3A_39 : i32
    %add3A_41 = arith.constant 0 : i32
    %add3A_42 = arith.addi %mul3A_40, %add3A_41 : i32
    "tpu.region"() ({
      %run_scoped3A = tpu.sem_alloc : memref<!tpu.dma_semaphore, #tpu.memory_space<semaphore_mem>>
      %dma_start3A = arith.constant 0 : i32
      %dma_start3A_79 = tpu.memref_slice %arg7[%add3A_42, %dma_start3A] : memref<10112x128xf32, #tpu.memory_space<vmem_shared>> -> memref<128x128xf32, #tpu.memory_space<vmem_shared>>
      %dma_start3A_80 = arith.constant 0 : i32
      %dma_start3A_81 = tpu.memref_slice %arg7[%add3A_42, %dma_start3A_80] : memref<10112x128xf32, #tpu.memory_space<vmem_shared>> -> memref<128x128xf32, #tpu.memory_space<vmem_shared>>
      tpu.enqueue_dma source(%dma_start3A_81 : memref<128x128xf32, #tpu.memory_space<vmem_shared>>) target(%arg10 : memref<128x128xf32, #tpu.memory_space<vmem>>) target_semaphore(%run_scoped3A : memref<!tpu.dma_semaphore, #tpu.memory_space<semaphore_mem>>)
      %dma_wait3A = arith.constant 0 : i32
      %dma_wait3A_82 = tpu.memref_slice %arg7[%add3A_42, %dma_wait3A] : memref<10112x128xf32, #tpu.memory_space<vmem_shared>> -> memref<128x128xf32, #tpu.memory_space<vmem_shared>>
      %dma_wait3A_83 = arith.constant 0 : i32
      %dma_wait3A_84 = tpu.memref_slice %arg7[%add3A_42, %dma_wait3A_83] : memref<10112x128xf32, #tpu.memory_space<vmem_shared>> -> memref<128x128xf32, #tpu.memory_space<vmem_shared>>
      tpu.wait_dma2 semaphore(%run_scoped3A : memref<!tpu.dma_semaphore, #tpu.memory_space<semaphore_mem>>) src(%dma_wait3A_84 : memref<128x128xf32, #tpu.memory_space<vmem_shared>>) dst(%arg10 : memref<128x128xf32, #tpu.memory_space<vmem>>)
      tpu.yield
    }) : () -> ()
    %mul3A_43 = arith.constant 632 : i32
    %mul3A_44 = arith.muli %arg1, %mul3A_43 : i32
    %add3A_45 = arith.constant 0 : i32
    %add3A_46 = arith.addi %mul3A_44, %add3A_45 : i32
    "tpu.region"() ({
      %run_scoped3A = tpu.sem_alloc : memref<!tpu.dma_semaphore, #tpu.memory_space<semaphore_mem>>
      %dma_start3A = arith.constant 0 : i32
      %dma_start3A_79 = tpu.memref_slice %arg6[%arg0, %add3A_46, %dma_start3A] : memref<2x10112x128xf32, #tpu.memory_space<hbm>> -> memref<1x128x128xf32, #tpu.memory_space<hbm>>
      %dma_start3A_80 = tpu.memref_squeeze %dma_start3A_79 : memref<1x128x128xf32, #tpu.memory_space<hbm>> -> memref<128x128xf32, #tpu.memory_space<hbm>>
      %dma_start3A_81 = arith.constant 0 : i32
      %dma_start3A_82 = tpu.memref_slice %arg6[%arg0, %add3A_46, %dma_start3A_81] : memref<2x10112x128xf32, #tpu.memory_space<hbm>> -> memref<1x128x128xf32, #tpu.memory_space<hbm>>
      %dma_start3A_83 = tpu.memref_squeeze %dma_start3A_82 : memref<1x128x128xf32, #tpu.memory_space<hbm>> -> memref<128x128xf32, #tpu.memory_space<hbm>>
      tpu.enqueue_dma source(%arg10 : memref<128x128xf32, #tpu.memory_space<vmem>>) target(%dma_start3A_83 : memref<128x128xf32, #tpu.memory_space<hbm>>) target_semaphore(%run_scoped3A : memref<!tpu.dma_semaphore, #tpu.memory_space<semaphore_mem>>)
      %dma_wait3A = arith.constant 0 : i32
      %dma_wait3A_84 = tpu.memref_slice %arg6[%arg0, %add3A_46, %dma_wait3A] : memref<2x10112x128xf32, #tpu.memory_space<hbm>> -> memref<1x128x128xf32, #tpu.memory_space<hbm>>
      %dma_wait3A_85 = tpu.memref_squeeze %dma_wait3A_84 : memref<1x128x128xf32, #tpu.memory_space<hbm>> -> memref<128x128xf32, #tpu.memory_space<hbm>>
      %dma_wait3A_86 = arith.constant 0 : i32
      %dma_wait3A_87 = tpu.memref_slice %arg6[%arg0, %add3A_46, %dma_wait3A_86] : memref<2x10112x128xf32, #tpu.memory_space<hbm>> -> memref<1x128x128xf32, #tpu.memory_space<hbm>>
      %dma_wait3A_88 = tpu.memref_squeeze %dma_wait3A_87 : memref<1x128x128xf32, #tpu.memory_space<hbm>> -> memref<128x128xf32, #tpu.memory_space<hbm>>
      tpu.wait_dma2 semaphore(%run_scoped3A : memref<!tpu.dma_semaphore, #tpu.memory_space<semaphore_mem>>) src(%arg10 : memref<128x128xf32, #tpu.memory_space<vmem>>) dst(%dma_wait3A_88 : memref<128x128xf32, #tpu.memory_space<hbm>>)
      tpu.yield
    }) : () -> ()
    %mul3A_47 = arith.constant 632 : i32
    %mul3A_48 = arith.muli %arg1, %mul3A_47 : i32
    %add3A_49 = arith.constant 128 : i32
    %add3A_50 = arith.addi %mul3A_48, %add3A_49 : i32
    "tpu.region"() ({
      %run_scoped3A = tpu.sem_alloc : memref<!tpu.dma_semaphore, #tpu.memory_space<semaphore_mem>>
      %dma_start3A = arith.constant 0 : i32
      %dma_start3A_79 = tpu.memref_slice %arg7[%add3A_50, %dma_start3A] : memref<10112x128xf32, #tpu.memory_space<vmem_shared>> -> memref<128x128xf32, #tpu.memory_space<vmem_shared>>
      %dma_start3A_80 = arith.constant 0 : i32
      %dma_start3A_81 = tpu.memref_slice %arg7[%add3A_50, %dma_start3A_80] : memref<10112x128xf32, #tpu.memory_space<vmem_shared>> -> memref<128x128xf32, #tpu.memory_space<vmem_shared>>
      tpu.enqueue_dma source(%dma_start3A_81 : memref<128x128xf32, #tpu.memory_space<vmem_shared>>) target(%arg10 : memref<128x128xf32, #tpu.memory_space<vmem>>) target_semaphore(%run_scoped3A : memref<!tpu.dma_semaphore, #tpu.memory_space<semaphore_mem>>)
      %dma_wait3A = arith.constant 0 : i32
      %dma_wait3A_82 = tpu.memref_slice %arg7[%add3A_50, %dma_wait3A] : memref<10112x128xf32, #tpu.memory_space<vmem_shared>> -> memref<128x128xf32, #tpu.memory_space<vmem_shared>>
      %dma_wait3A_83 = arith.constant 0 : i32
      %dma_wait3A_84 = tpu.memref_slice %arg7[%add3A_50, %dma_wait3A_83] : memref<10112x128xf32, #tpu.memory_space<vmem_shared>> -> memref<128x128xf32, #tpu.memory_space<vmem_shared>>
      tpu.wait_dma2 semaphore(%run_scoped3A : memref<!tpu.dma_semaphore, #tpu.memory_space<semaphore_mem>>) src(%dma_wait3A_84 : memref<128x128xf32, #tpu.memory_space<vmem_shared>>) dst(%arg10 : memref<128x128xf32, #tpu.memory_space<vmem>>)
      tpu.yield
    }) : () -> ()
    %mul3A_51 = arith.constant 632 : i32
    %mul3A_52 = arith.muli %arg1, %mul3A_51 : i32
    %add3A_53 = arith.constant 128 : i32
    %add3A_54 = arith.addi %mul3A_52, %add3A_53 : i32
    "tpu.region"() ({
      %run_scoped3A = tpu.sem_alloc : memref<!tpu.dma_semaphore, #tpu.memory_space<semaphore_mem>>
      %dma_start3A = arith.constant 0 : i32
      %dma_start3A_79 = tpu.memref_slice %arg6[%arg0, %add3A_54, %dma_start3A] : memref<2x10112x128xf32, #tpu.memory_space<hbm>> -> memref<1x128x128xf32, #tpu.memory_space<hbm>>
      %dma_start3A_80 = tpu.memref_squeeze %dma_start3A_79 : memref<1x128x128xf32, #tpu.memory_space<hbm>> -> memref<128x128xf32, #tpu.memory_space<hbm>>
      %dma_start3A_81 = arith.constant 0 : i32
      %dma_start3A_82 = tpu.memref_slice %arg6[%arg0, %add3A_54, %dma_start3A_81] : memref<2x10112x128xf32, #tpu.memory_space<hbm>> -> memref<1x128x128xf32, #tpu.memory_space<hbm>>
      %dma_start3A_83 = tpu.memref_squeeze %dma_start3A_82 : memref<1x128x128xf32, #tpu.memory_space<hbm>> -> memref<128x128xf32, #tpu.memory_space<hbm>>
      tpu.enqueue_dma source(%arg10 : memref<128x128xf32, #tpu.memory_space<vmem>>) target(%dma_start3A_83 : memref<128x128xf32, #tpu.memory_space<hbm>>) target_semaphore(%run_scoped3A : memref<!tpu.dma_semaphore, #tpu.memory_space<semaphore_mem>>)
      %dma_wait3A = arith.constant 0 : i32
      %dma_wait3A_84 = tpu.memref_slice %arg6[%arg0, %add3A_54, %dma_wait3A] : memref<2x10112x128xf32, #tpu.memory_space<hbm>> -> memref<1x128x128xf32, #tpu.memory_space<hbm>>
      %dma_wait3A_85 = tpu.memref_squeeze %dma_wait3A_84 : memref<1x128x128xf32, #tpu.memory_space<hbm>> -> memref<128x128xf32, #tpu.memory_space<hbm>>
      %dma_wait3A_86 = arith.constant 0 : i32
      %dma_wait3A_87 = tpu.memref_slice %arg6[%arg0, %add3A_54, %dma_wait3A_86] : memref<2x10112x128xf32, #tpu.memory_space<hbm>> -> memref<1x128x128xf32, #tpu.memory_space<hbm>>
      %dma_wait3A_88 = tpu.memref_squeeze %dma_wait3A_87 : memref<1x128x128xf32, #tpu.memory_space<hbm>> -> memref<128x128xf32, #tpu.memory_space<hbm>>
      tpu.wait_dma2 semaphore(%run_scoped3A : memref<!tpu.dma_semaphore, #tpu.memory_space<semaphore_mem>>) src(%arg10 : memref<128x128xf32, #tpu.memory_space<vmem>>) dst(%dma_wait3A_88 : memref<128x128xf32, #tpu.memory_space<hbm>>)
      tpu.yield
    }) : () -> ()
    %mul3A_55 = arith.constant 632 : i32
    %mul3A_56 = arith.muli %arg1, %mul3A_55 : i32
    %add3A_57 = arith.constant 256 : i32
    %add3A_58 = arith.addi %mul3A_56, %add3A_57 : i32
    "tpu.region"() ({
      %run_scoped3A = tpu.sem_alloc : memref<!tpu.dma_semaphore, #tpu.memory_space<semaphore_mem>>
      %dma_start3A = arith.constant 0 : i32
      %dma_start3A_79 = tpu.memref_slice %arg7[%add3A_58, %dma_start3A] : memref<10112x128xf32, #tpu.memory_space<vmem_shared>> -> memref<128x128xf32, #tpu.memory_space<vmem_shared>>
      %dma_start3A_80 = arith.constant 0 : i32
      %dma_start3A_81 = tpu.memref_slice %arg7[%add3A_58, %dma_start3A_80] : memref<10112x128xf32, #tpu.memory_space<vmem_shared>> -> memref<128x128xf32, #tpu.memory_space<vmem_shared>>
      tpu.enqueue_dma source(%dma_start3A_81 : memref<128x128xf32, #tpu.memory_space<vmem_shared>>) target(%arg10 : memref<128x128xf32, #tpu.memory_space<vmem>>) target_semaphore(%run_scoped3A : memref<!tpu.dma_semaphore, #tpu.memory_space<semaphore_mem>>)
      %dma_wait3A = arith.constant 0 : i32
      %dma_wait3A_82 = tpu.memref_slice %arg7[%add3A_58, %dma_wait3A] : memref<10112x128xf32, #tpu.memory_space<vmem_shared>> -> memref<128x128xf32, #tpu.memory_space<vmem_shared>>
      %dma_wait3A_83 = arith.constant 0 : i32
      %dma_wait3A_84 = tpu.memref_slice %arg7[%add3A_58, %dma_wait3A_83] : memref<10112x128xf32, #tpu.memory_space<vmem_shared>> -> memref<128x128xf32, #tpu.memory_space<vmem_shared>>
      tpu.wait_dma2 semaphore(%run_scoped3A : memref<!tpu.dma_semaphore, #tpu.memory_space<semaphore_mem>>) src(%dma_wait3A_84 : memref<128x128xf32, #tpu.memory_space<vmem_shared>>) dst(%arg10 : memref<128x128xf32, #tpu.memory_space<vmem>>)
      tpu.yield
    }) : () -> ()
    %mul3A_59 = arith.constant 632 : i32
    %mul3A_60 = arith.muli %arg1, %mul3A_59 : i32
    %add3A_61 = arith.constant 256 : i32
    %add3A_62 = arith.addi %mul3A_60, %add3A_61 : i32
    "tpu.region"() ({
      %run_scoped3A = tpu.sem_alloc : memref<!tpu.dma_semaphore, #tpu.memory_space<semaphore_mem>>
      %dma_start3A = arith.constant 0 : i32
      %dma_start3A_79 = tpu.memref_slice %arg6[%arg0, %add3A_62, %dma_start3A] : memref<2x10112x128xf32, #tpu.memory_space<hbm>> -> memref<1x128x128xf32, #tpu.memory_space<hbm>>
      %dma_start3A_80 = tpu.memref_squeeze %dma_start3A_79 : memref<1x128x128xf32, #tpu.memory_space<hbm>> -> memref<128x128xf32, #tpu.memory_space<hbm>>
      %dma_start3A_81 = arith.constant 0 : i32
      %dma_start3A_82 = tpu.memref_slice %arg6[%arg0, %add3A_62, %dma_start3A_81] : memref<2x10112x128xf32, #tpu.memory_space<hbm>> -> memref<1x128x128xf32, #tpu.memory_space<hbm>>
      %dma_start3A_83 = tpu.memref_squeeze %dma_start3A_82 : memref<1x128x128xf32, #tpu.memory_space<hbm>> -> memref<128x128xf32, #tpu.memory_space<hbm>>
      tpu.enqueue_dma source(%arg10 : memref<128x128xf32, #tpu.memory_space<vmem>>) target(%dma_start3A_83 : memref<128x128xf32, #tpu.memory_space<hbm>>) target_semaphore(%run_scoped3A : memref<!tpu.dma_semaphore, #tpu.memory_space<semaphore_mem>>)
      %dma_wait3A = arith.constant 0 : i32
      %dma_wait3A_84 = tpu.memref_slice %arg6[%arg0, %add3A_62, %dma_wait3A] : memref<2x10112x128xf32, #tpu.memory_space<hbm>> -> memref<1x128x128xf32, #tpu.memory_space<hbm>>
      %dma_wait3A_85 = tpu.memref_squeeze %dma_wait3A_84 : memref<1x128x128xf32, #tpu.memory_space<hbm>> -> memref<128x128xf32, #tpu.memory_space<hbm>>
      %dma_wait3A_86 = arith.constant 0 : i32
      %dma_wait3A_87 = tpu.memref_slice %arg6[%arg0, %add3A_62, %dma_wait3A_86] : memref<2x10112x128xf32, #tpu.memory_space<hbm>> -> memref<1x128x128xf32, #tpu.memory_space<hbm>>
      %dma_wait3A_88 = tpu.memref_squeeze %dma_wait3A_87 : memref<1x128x128xf32, #tpu.memory_space<hbm>> -> memref<128x128xf32, #tpu.memory_space<hbm>>
      tpu.wait_dma2 semaphore(%run_scoped3A : memref<!tpu.dma_semaphore, #tpu.memory_space<semaphore_mem>>) src(%arg10 : memref<128x128xf32, #tpu.memory_space<vmem>>) dst(%dma_wait3A_88 : memref<128x128xf32, #tpu.memory_space<hbm>>)
      tpu.yield
    }) : () -> ()
    %mul3A_63 = arith.constant 632 : i32
    %mul3A_64 = arith.muli %arg1, %mul3A_63 : i32
    %add3A_65 = arith.constant 384 : i32
    %add3A_66 = arith.addi %mul3A_64, %add3A_65 : i32
    "tpu.region"() ({
      %run_scoped3A = tpu.sem_alloc : memref<!tpu.dma_semaphore, #tpu.memory_space<semaphore_mem>>
      %dma_start3A = arith.constant 0 : i32
      %dma_start3A_79 = tpu.memref_slice %arg7[%add3A_66, %dma_start3A] : memref<10112x128xf32, #tpu.memory_space<vmem_shared>> -> memref<128x128xf32, #tpu.memory_space<vmem_shared>>
      %dma_start3A_80 = arith.constant 0 : i32
      %dma_start3A_81 = tpu.memref_slice %arg7[%add3A_66, %dma_start3A_80] : memref<10112x128xf32, #tpu.memory_space<vmem_shared>> -> memref<128x128xf32, #tpu.memory_space<vmem_shared>>
      tpu.enqueue_dma source(%dma_start3A_81 : memref<128x128xf32, #tpu.memory_space<vmem_shared>>) target(%arg10 : memref<128x128xf32, #tpu.memory_space<vmem>>) target_semaphore(%run_scoped3A : memref<!tpu.dma_semaphore, #tpu.memory_space<semaphore_mem>>)
      %dma_wait3A = arith.constant 0 : i32
      %dma_wait3A_82 = tpu.memref_slice %arg7[%add3A_66, %dma_wait3A] : memref<10112x128xf32, #tpu.memory_space<vmem_shared>> -> memref<128x128xf32, #tpu.memory_space<vmem_shared>>
      %dma_wait3A_83 = arith.constant 0 : i32
      %dma_wait3A_84 = tpu.memref_slice %arg7[%add3A_66, %dma_wait3A_83] : memref<10112x128xf32, #tpu.memory_space<vmem_shared>> -> memref<128x128xf32, #tpu.memory_space<vmem_shared>>
      tpu.wait_dma2 semaphore(%run_scoped3A : memref<!tpu.dma_semaphore, #tpu.memory_space<semaphore_mem>>) src(%dma_wait3A_84 : memref<128x128xf32, #tpu.memory_space<vmem_shared>>) dst(%arg10 : memref<128x128xf32, #tpu.memory_space<vmem>>)
      tpu.yield
    }) : () -> ()
    %mul3A_67 = arith.constant 632 : i32
    %mul3A_68 = arith.muli %arg1, %mul3A_67 : i32
    %add3A_69 = arith.constant 384 : i32
    %add3A_70 = arith.addi %mul3A_68, %add3A_69 : i32
    "tpu.region"() ({
      %run_scoped3A = tpu.sem_alloc : memref<!tpu.dma_semaphore, #tpu.memory_space<semaphore_mem>>
      %dma_start3A = arith.constant 0 : i32
      %dma_start3A_79 = tpu.memref_slice %arg6[%arg0, %add3A_70, %dma_start3A] : memref<2x10112x128xf32, #tpu.memory_space<hbm>> -> memref<1x128x128xf32, #tpu.memory_space<hbm>>
      %dma_start3A_80 = tpu.memref_squeeze %dma_start3A_79 : memref<1x128x128xf32, #tpu.memory_space<hbm>> -> memref<128x128xf32, #tpu.memory_space<hbm>>
      %dma_start3A_81 = arith.constant 0 : i32
      %dma_start3A_82 = tpu.memref_slice %arg6[%arg0, %add3A_70, %dma_start3A_81] : memref<2x10112x128xf32, #tpu.memory_space<hbm>> -> memref<1x128x128xf32, #tpu.memory_space<hbm>>
      %dma_start3A_83 = tpu.memref_squeeze %dma_start3A_82 : memref<1x128x128xf32, #tpu.memory_space<hbm>> -> memref<128x128xf32, #tpu.memory_space<hbm>>
      tpu.enqueue_dma source(%arg10 : memref<128x128xf32, #tpu.memory_space<vmem>>) target(%dma_start3A_83 : memref<128x128xf32, #tpu.memory_space<hbm>>) target_semaphore(%run_scoped3A : memref<!tpu.dma_semaphore, #tpu.memory_space<semaphore_mem>>)
      %dma_wait3A = arith.constant 0 : i32
      %dma_wait3A_84 = tpu.memref_slice %arg6[%arg0, %add3A_70, %dma_wait3A] : memref<2x10112x128xf32, #tpu.memory_space<hbm>> -> memref<1x128x128xf32, #tpu.memory_space<hbm>>
      %dma_wait3A_85 = tpu.memref_squeeze %dma_wait3A_84 : memref<1x128x128xf32, #tpu.memory_space<hbm>> -> memref<128x128xf32, #tpu.memory_space<hbm>>
      %dma_wait3A_86 = arith.constant 0 : i32
      %dma_wait3A_87 = tpu.memref_slice %arg6[%arg0, %add3A_70, %dma_wait3A_86] : memref<2x10112x128xf32, #tpu.memory_space<hbm>> -> memref<1x128x128xf32, #tpu.memory_space<hbm>>
      %dma_wait3A_88 = tpu.memref_squeeze %dma_wait3A_87 : memref<1x128x128xf32, #tpu.memory_space<hbm>> -> memref<128x128xf32, #tpu.memory_space<hbm>>
      tpu.wait_dma2 semaphore(%run_scoped3A : memref<!tpu.dma_semaphore, #tpu.memory_space<semaphore_mem>>) src(%arg10 : memref<128x128xf32, #tpu.memory_space<vmem>>) dst(%dma_wait3A_88 : memref<128x128xf32, #tpu.memory_space<hbm>>)
      tpu.yield
    }) : () -> ()
    %mul3A_71 = arith.constant 632 : i32
    %mul3A_72 = arith.muli %arg1, %mul3A_71 : i32
    %add3A_73 = arith.constant 512 : i32
    %add3A_74 = arith.addi %mul3A_72, %add3A_73 : i32
    "tpu.region"() ({
      %run_scoped3A = tpu.sem_alloc : memref<!tpu.dma_semaphore, #tpu.memory_space<semaphore_mem>>
      %dma_start3A = arith.constant 0 : i32
      %dma_start3A_79 = arith.constant 0 : i32
      %dma_start3A_80 = tpu.memref_slice %arg10[%dma_start3A, %dma_start3A_79] : memref<128x128xf32, #tpu.memory_space<vmem>> -> memref<120x128xf32, #tpu.memory_space<vmem>>
      %dma_start3A_81 = arith.constant 0 : i32
      %dma_start3A_82 = tpu.memref_slice %arg7[%add3A_74, %dma_start3A_81] : memref<10112x128xf32, #tpu.memory_space<vmem_shared>> -> memref<120x128xf32, #tpu.memory_space<vmem_shared>>
      %dma_start3A_83 = arith.constant 0 : i32
      %dma_start3A_84 = arith.constant 0 : i32
      %dma_start3A_85 = tpu.memref_slice %arg10[%dma_start3A_83, %dma_start3A_84] : memref<128x128xf32, #tpu.memory_space<vmem>> -> memref<120x128xf32, #tpu.memory_space<vmem>>
      %dma_start3A_86 = arith.constant 0 : i32
      %dma_start3A_87 = tpu.memref_slice %arg7[%add3A_74, %dma_start3A_86] : memref<10112x128xf32, #tpu.memory_space<vmem_shared>> -> memref<120x128xf32, #tpu.memory_space<vmem_shared>>
      tpu.enqueue_dma source(%dma_start3A_87 : memref<120x128xf32, #tpu.memory_space<vmem_shared>>) target(%dma_start3A_85 : memref<120x128xf32, #tpu.memory_space<vmem>>) target_semaphore(%run_scoped3A : memref<!tpu.dma_semaphore, #tpu.memory_space<semaphore_mem>>)
      %dma_wait3A = arith.constant 0 : i32
      %dma_wait3A_88 = arith.constant 0 : i32
      %dma_wait3A_89 = tpu.memref_slice %arg10[%dma_wait3A, %dma_wait3A_88] : memref<128x128xf32, #tpu.memory_space<vmem>> -> memref<120x128xf32, #tpu.memory_space<vmem>>
      %dma_wait3A_90 = arith.constant 0 : i32
      %dma_wait3A_91 = tpu.memref_slice %arg7[%add3A_74, %dma_wait3A_90] : memref<10112x128xf32, #tpu.memory_space<vmem_shared>> -> memref<120x128xf32, #tpu.memory_space<vmem_shared>>
      %dma_wait3A_92 = arith.constant 0 : i32
      %dma_wait3A_93 = arith.constant 0 : i32
      %dma_wait3A_94 = tpu.memref_slice %arg10[%dma_wait3A_92, %dma_wait3A_93] : memref<128x128xf32, #tpu.memory_space<vmem>> -> memref<120x128xf32, #tpu.memory_space<vmem>>
      %dma_wait3A_95 = arith.constant 0 : i32
      %dma_wait3A_96 = tpu.memref_slice %arg7[%add3A_74, %dma_wait3A_95] : memref<10112x128xf32, #tpu.memory_space<vmem_shared>> -> memref<120x128xf32, #tpu.memory_space<vmem_shared>>
      tpu.wait_dma2 semaphore(%run_scoped3A : memref<!tpu.dma_semaphore, #tpu.memory_space<semaphore_mem>>) src(%dma_wait3A_96 : memref<120x128xf32, #tpu.memory_space<vmem_shared>>) dst(%dma_wait3A_94 : memref<120x128xf32, #tpu.memory_space<vmem>>)
      tpu.yield
    }) : () -> ()
    %mul3A_75 = arith.constant 632 : i32
    %mul3A_76 = arith.muli %arg1, %mul3A_75 : i32
    %add3A_77 = arith.constant 512 : i32
    %add3A_78 = arith.addi %mul3A_76, %add3A_77 : i32
    "tpu.region"() ({
      %run_scoped3A = tpu.sem_alloc : memref<!tpu.dma_semaphore, #tpu.memory_space<semaphore_mem>>
      %dma_start3A = arith.constant 0 : i32
      %dma_start3A_79 = arith.constant 0 : i32
      %dma_start3A_80 = tpu.memref_slice %arg10[%dma_start3A, %dma_start3A_79] : memref<128x128xf32, #tpu.memory_space<vmem>> -> memref<120x128xf32, #tpu.memory_space<vmem>>
      %dma_start3A_81 = arith.constant 0 : i32
      %dma_start3A_82 = tpu.memref_slice %arg6[%arg0, %add3A_78, %dma_start3A_81] : memref<2x10112x128xf32, #tpu.memory_space<hbm>> -> memref<1x120x128xf32, #tpu.memory_space<hbm>>
      %dma_start3A_83 = tpu.memref_squeeze %dma_start3A_82 : memref<1x120x128xf32, #tpu.memory_space<hbm>> -> memref<120x128xf32, #tpu.memory_space<hbm>>
      %dma_start3A_84 = arith.constant 0 : i32
      %dma_start3A_85 = tpu.memref_slice %arg6[%arg0, %add3A_78, %dma_start3A_84] : memref<2x10112x128xf32, #tpu.memory_space<hbm>> -> memref<1x120x128xf32, #tpu.memory_space<hbm>>
      %dma_start3A_86 = tpu.memref_squeeze %dma_start3A_85 : memref<1x120x128xf32, #tpu.memory_space<hbm>> -> memref<120x128xf32, #tpu.memory_space<hbm>>
      %dma_start3A_87 = arith.constant 0 : i32
      %dma_start3A_88 = arith.constant 0 : i32
      %dma_start3A_89 = tpu.memref_slice %arg10[%dma_start3A_87, %dma_start3A_88] : memref<128x128xf32, #tpu.memory_space<vmem>> -> memref<120x128xf32, #tpu.memory_space<vmem>>
      tpu.enqueue_dma source(%dma_start3A_89 : memref<120x128xf32, #tpu.memory_space<vmem>>) target(%dma_start3A_86 : memref<120x128xf32, #tpu.memory_space<hbm>>) target_semaphore(%run_scoped3A : memref<!tpu.dma_semaphore, #tpu.memory_space<semaphore_mem>>)
      %dma_wait3A = arith.constant 0 : i32
      %dma_wait3A_90 = arith.constant 0 : i32
      %dma_wait3A_91 = tpu.memref_slice %arg10[%dma_wait3A, %dma_wait3A_90] : memref<128x128xf32, #tpu.memory_space<vmem>> -> memref<120x128xf32, #tpu.memory_space<vmem>>
      %dma_wait3A_92 = arith.constant 0 : i32
      %dma_wait3A_93 = tpu.memref_slice %arg6[%arg0, %add3A_78, %dma_wait3A_92] : memref<2x10112x128xf32, #tpu.memory_space<hbm>> -> memref<1x120x128xf32, #tpu.memory_space<hbm>>
      %dma_wait3A_94 = tpu.memref_squeeze %dma_wait3A_93 : memref<1x120x128xf32, #tpu.memory_space<hbm>> -> memref<120x128xf32, #tpu.memory_space<hbm>>
      %dma_wait3A_95 = arith.constant 0 : i32
      %dma_wait3A_96 = tpu.memref_slice %arg6[%arg0, %add3A_78, %dma_wait3A_95] : memref<2x10112x128xf32, #tpu.memory_space<hbm>> -> memref<1x120x128xf32, #tpu.memory_space<hbm>>
      %dma_wait3A_97 = tpu.memref_squeeze %dma_wait3A_96 : memref<1x120x128xf32, #tpu.memory_space<hbm>> -> memref<120x128xf32, #tpu.memory_space<hbm>>
      %dma_wait3A_98 = arith.constant 0 : i32
      %dma_wait3A_99 = arith.constant 0 : i32
      %dma_wait3A_100 = tpu.memref_slice %arg10[%dma_wait3A_98, %dma_wait3A_99] : memref<128x128xf32, #tpu.memory_space<vmem>> -> memref<120x128xf32, #tpu.memory_space<vmem>>
      tpu.wait_dma2 semaphore(%run_scoped3A : memref<!tpu.dma_semaphore, #tpu.memory_space<semaphore_mem>>) src(%dma_wait3A_100 : memref<120x128xf32, #tpu.memory_space<vmem>>) dst(%dma_wait3A_97 : memref<120x128xf32, #tpu.memory_space<hbm>>)
      tpu.yield
    }) : () -> ()
    return
  }
}

#map = affine_map<(d0, d1) -> (0, 0)>
#map1 = affine_map<(d0, d1) -> (0)>
#map2 = affine_map<(d0, d1) -> (0, 0, 0)>
module attributes {stable_mosaic.version = 14 : i64} {
  func.func @_agg_body(%arg0: i32, %arg1: i32, %arg2: memref<10000x128xf32, #tpu.memory_space<hbm>>, %arg3: memref<163840xi32, #tpu.memory_space<hbm>>, %arg4: memref<163840xi32, #tpu.memory_space<hbm>>, %arg5: memref<128x128xf32, #tpu.memory_space<hbm>>, %arg6: memref<2x10112x128xf32, #tpu.memory_space<hbm>>, %arg7: memref<10112x128xf32, #tpu.memory_space<vmem_shared>>, %arg8: memref<128xi32, #tpu.memory_space<vmem>>, %arg9: memref<128xi32, #tpu.memory_space<vmem>>, %arg10: memref<128x128xf32, #tpu.memory_space<vmem>>, %arg11: memref<!tpu.dma_semaphore, #tpu.memory_space<semaphore_mem>>) attributes {dimension_semantics = [#tpu.dimension_semantics<core_parallel>, #tpu.dimension_semantics<subcore_parallel>], iteration_bounds = array<i64: 2, 16>, scalar_prefetch = 0 : i64, scratch_operands = 5 : i64, tpu.core_type = #tpu.core_type<sc_vector_subcore>, window_params = [{transform_indices = #map}, {transform_indices = #map1}, {transform_indices = #map1}, {transform_indices = #map}, {transform_indices = #map2}]} {
    %eq3A = arith.constant 0 : i32
    %eq3A_0 = arith.cmpi eq, %arg0, %eq3A : i32
    %mul3A = arith.constant 57 : i32
    %mul3A_1 = arith.muli %arg1, %mul3A : i32
    %mul3A_2 = arith.constant 23 : i32
    %mul3A_3 = arith.muli %arg1, %mul3A_2 : i32
    %add3A = arith.constant 912 : i32
    %add3A_4 = arith.addi %add3A, %mul3A_3 : i32
    %select_n3A = arith.select %eq3A_0, %mul3A_1, %add3A_4 : i32
    %eq3A_5 = arith.constant 0 : i32
    %eq3A_6 = arith.cmpi eq, %arg0, %eq3A_5 : i32
    %jit3A = arith.constant 57 : i32
    %jit3A_7 = arith.constant 23 : i32
    %select_n3A_8 = arith.select %eq3A_6, %jit3A, %jit3A_7 : i32
    "tpu.region"() ({
      %run_scoped3A = tpu.sem_alloc : memref<!tpu.dma_semaphore, #tpu.memory_space<semaphore_mem>>
      tpu.enqueue_dma source(%arg5 : memref<128x128xf32, #tpu.memory_space<hbm>>) target(%arg10 : memref<128x128xf32, #tpu.memory_space<vmem>>) target_semaphore(%run_scoped3A : memref<!tpu.dma_semaphore, #tpu.memory_space<semaphore_mem>>)
      tpu.wait_dma2 semaphore(%run_scoped3A : memref<!tpu.dma_semaphore, #tpu.memory_space<semaphore_mem>>) src(%arg5 : memref<128x128xf32, #tpu.memory_space<hbm>>) dst(%arg10 : memref<128x128xf32, #tpu.memory_space<vmem>>)
      tpu.yield
    }) : () -> ()
    %mul3A_9 = arith.constant 632 : i32
    %mul3A_10 = arith.muli %arg1, %mul3A_9 : i32
    %add3A_11 = arith.constant 0 : i32
    %add3A_12 = arith.addi %mul3A_10, %add3A_11 : i32
    "tpu.region"() ({
      %run_scoped3A = tpu.sem_alloc : memref<!tpu.dma_semaphore, #tpu.memory_space<semaphore_mem>>
      %dma_start3A = arith.constant 0 : i32
      %dma_start3A_79 = tpu.memref_slice %arg7[%add3A_12, %dma_start3A] : memref<10112x128xf32, #tpu.memory_space<vmem_shared>> -> memref<128x128xf32, #tpu.memory_space<vmem_shared>>
      %dma_start3A_80 = arith.constant 0 : i32
      %dma_start3A_81 = tpu.memref_slice %arg7[%add3A_12, %dma_start3A_80] : memref<10112x128xf32, #tpu.memory_space<vmem_shared>> -> memref<128x128xf32, #tpu.memory_space<vmem_shared>>
      tpu.enqueue_dma source(%arg10 : memref<128x128xf32, #tpu.memory_space<vmem>>) target(%dma_start3A_81 : memref<128x128xf32, #tpu.memory_space<vmem_shared>>) target_semaphore(%run_scoped3A : memref<!tpu.dma_semaphore, #tpu.memory_space<semaphore_mem>>)
      %dma_wait3A = arith.constant 0 : i32
      %dma_wait3A_82 = tpu.memref_slice %arg7[%add3A_12, %dma_wait3A] : memref<10112x128xf32, #tpu.memory_space<vmem_shared>> -> memref<128x128xf32, #tpu.memory_space<vmem_shared>>
      %dma_wait3A_83 = arith.constant 0 : i32
      %dma_wait3A_84 = tpu.memref_slice %arg7[%add3A_12, %dma_wait3A_83] : memref<10112x128xf32, #tpu.memory_space<vmem_shared>> -> memref<128x128xf32, #tpu.memory_space<vmem_shared>>
      tpu.wait_dma2 semaphore(%run_scoped3A : memref<!tpu.dma_semaphore, #tpu.memory_space<semaphore_mem>>) src(%arg10 : memref<128x128xf32, #tpu.memory_space<vmem>>) dst(%dma_wait3A_84 : memref<128x128xf32, #tpu.memory_space<vmem_shared>>)
      tpu.yield
    }) : () -> ()
    %mul3A_13 = arith.constant 632 : i32
    %mul3A_14 = arith.muli %arg1, %mul3A_13 : i32
    %add3A_15 = arith.constant 128 : i32
    %add3A_16 = arith.addi %mul3A_14, %add3A_15 : i32
    "tpu.region"() ({
      %run_scoped3A = tpu.sem_alloc : memref<!tpu.dma_semaphore, #tpu.memory_space<semaphore_mem>>
      %dma_start3A = arith.constant 0 : i32
      %dma_start3A_79 = tpu.memref_slice %arg7[%add3A_16, %dma_start3A] : memref<10112x128xf32, #tpu.memory_space<vmem_shared>> -> memref<128x128xf32, #tpu.memory_space<vmem_shared>>
      %dma_start3A_80 = arith.constant 0 : i32
      %dma_start3A_81 = tpu.memref_slice %arg7[%add3A_16, %dma_start3A_80] : memref<10112x128xf32, #tpu.memory_space<vmem_shared>> -> memref<128x128xf32, #tpu.memory_space<vmem_shared>>
      tpu.enqueue_dma source(%arg10 : memref<128x128xf32, #tpu.memory_space<vmem>>) target(%dma_start3A_81 : memref<128x128xf32, #tpu.memory_space<vmem_shared>>) target_semaphore(%run_scoped3A : memref<!tpu.dma_semaphore, #tpu.memory_space<semaphore_mem>>)
      %dma_wait3A = arith.constant 0 : i32
      %dma_wait3A_82 = tpu.memref_slice %arg7[%add3A_16, %dma_wait3A] : memref<10112x128xf32, #tpu.memory_space<vmem_shared>> -> memref<128x128xf32, #tpu.memory_space<vmem_shared>>
      %dma_wait3A_83 = arith.constant 0 : i32
      %dma_wait3A_84 = tpu.memref_slice %arg7[%add3A_16, %dma_wait3A_83] : memref<10112x128xf32, #tpu.memory_space<vmem_shared>> -> memref<128x128xf32, #tpu.memory_space<vmem_shared>>
      tpu.wait_dma2 semaphore(%run_scoped3A : memref<!tpu.dma_semaphore, #tpu.memory_space<semaphore_mem>>) src(%arg10 : memref<128x128xf32, #tpu.memory_space<vmem>>) dst(%dma_wait3A_84 : memref<128x128xf32, #tpu.memory_space<vmem_shared>>)
      tpu.yield
    }) : () -> ()
    %mul3A_17 = arith.constant 632 : i32
    %mul3A_18 = arith.muli %arg1, %mul3A_17 : i32
    %add3A_19 = arith.constant 256 : i32
    %add3A_20 = arith.addi %mul3A_18, %add3A_19 : i32
    "tpu.region"() ({
      %run_scoped3A = tpu.sem_alloc : memref<!tpu.dma_semaphore, #tpu.memory_space<semaphore_mem>>
      %dma_start3A = arith.constant 0 : i32
      %dma_start3A_79 = tpu.memref_slice %arg7[%add3A_20, %dma_start3A] : memref<10112x128xf32, #tpu.memory_space<vmem_shared>> -> memref<128x128xf32, #tpu.memory_space<vmem_shared>>
      %dma_start3A_80 = arith.constant 0 : i32
      %dma_start3A_81 = tpu.memref_slice %arg7[%add3A_20, %dma_start3A_80] : memref<10112x128xf32, #tpu.memory_space<vmem_shared>> -> memref<128x128xf32, #tpu.memory_space<vmem_shared>>
      tpu.enqueue_dma source(%arg10 : memref<128x128xf32, #tpu.memory_space<vmem>>) target(%dma_start3A_81 : memref<128x128xf32, #tpu.memory_space<vmem_shared>>) target_semaphore(%run_scoped3A : memref<!tpu.dma_semaphore, #tpu.memory_space<semaphore_mem>>)
      %dma_wait3A = arith.constant 0 : i32
      %dma_wait3A_82 = tpu.memref_slice %arg7[%add3A_20, %dma_wait3A] : memref<10112x128xf32, #tpu.memory_space<vmem_shared>> -> memref<128x128xf32, #tpu.memory_space<vmem_shared>>
      %dma_wait3A_83 = arith.constant 0 : i32
      %dma_wait3A_84 = tpu.memref_slice %arg7[%add3A_20, %dma_wait3A_83] : memref<10112x128xf32, #tpu.memory_space<vmem_shared>> -> memref<128x128xf32, #tpu.memory_space<vmem_shared>>
      tpu.wait_dma2 semaphore(%run_scoped3A : memref<!tpu.dma_semaphore, #tpu.memory_space<semaphore_mem>>) src(%arg10 : memref<128x128xf32, #tpu.memory_space<vmem>>) dst(%dma_wait3A_84 : memref<128x128xf32, #tpu.memory_space<vmem_shared>>)
      tpu.yield
    }) : () -> ()
    %mul3A_21 = arith.constant 632 : i32
    %mul3A_22 = arith.muli %arg1, %mul3A_21 : i32
    %add3A_23 = arith.constant 384 : i32
    %add3A_24 = arith.addi %mul3A_22, %add3A_23 : i32
    "tpu.region"() ({
      %run_scoped3A = tpu.sem_alloc : memref<!tpu.dma_semaphore, #tpu.memory_space<semaphore_mem>>
      %dma_start3A = arith.constant 0 : i32
      %dma_start3A_79 = tpu.memref_slice %arg7[%add3A_24, %dma_start3A] : memref<10112x128xf32, #tpu.memory_space<vmem_shared>> -> memref<128x128xf32, #tpu.memory_space<vmem_shared>>
      %dma_start3A_80 = arith.constant 0 : i32
      %dma_start3A_81 = tpu.memref_slice %arg7[%add3A_24, %dma_start3A_80] : memref<10112x128xf32, #tpu.memory_space<vmem_shared>> -> memref<128x128xf32, #tpu.memory_space<vmem_shared>>
      tpu.enqueue_dma source(%arg10 : memref<128x128xf32, #tpu.memory_space<vmem>>) target(%dma_start3A_81 : memref<128x128xf32, #tpu.memory_space<vmem_shared>>) target_semaphore(%run_scoped3A : memref<!tpu.dma_semaphore, #tpu.memory_space<semaphore_mem>>)
      %dma_wait3A = arith.constant 0 : i32
      %dma_wait3A_82 = tpu.memref_slice %arg7[%add3A_24, %dma_wait3A] : memref<10112x128xf32, #tpu.memory_space<vmem_shared>> -> memref<128x128xf32, #tpu.memory_space<vmem_shared>>
      %dma_wait3A_83 = arith.constant 0 : i32
      %dma_wait3A_84 = tpu.memref_slice %arg7[%add3A_24, %dma_wait3A_83] : memref<10112x128xf32, #tpu.memory_space<vmem_shared>> -> memref<128x128xf32, #tpu.memory_space<vmem_shared>>
      tpu.wait_dma2 semaphore(%run_scoped3A : memref<!tpu.dma_semaphore, #tpu.memory_space<semaphore_mem>>) src(%arg10 : memref<128x128xf32, #tpu.memory_space<vmem>>) dst(%dma_wait3A_84 : memref<128x128xf32, #tpu.memory_space<vmem_shared>>)
      tpu.yield
    }) : () -> ()
    %mul3A_25 = arith.constant 632 : i32
    %mul3A_26 = arith.muli %arg1, %mul3A_25 : i32
    %add3A_27 = arith.constant 512 : i32
    %add3A_28 = arith.addi %mul3A_26, %add3A_27 : i32
    "tpu.region"() ({
      %run_scoped3A = tpu.sem_alloc : memref<!tpu.dma_semaphore, #tpu.memory_space<semaphore_mem>>
      %dma_start3A = arith.constant 0 : i32
      %dma_start3A_79 = arith.constant 0 : i32
      %dma_start3A_80 = tpu.memref_slice %arg10[%dma_start3A, %dma_start3A_79] : memref<128x128xf32, #tpu.memory_space<vmem>> -> memref<120x128xf32, #tpu.memory_space<vmem>>
      %dma_start3A_81 = arith.constant 0 : i32
      %dma_start3A_82 = tpu.memref_slice %arg7[%add3A_28, %dma_start3A_81] : memref<10112x128xf32, #tpu.memory_space<vmem_shared>> -> memref<120x128xf32, #tpu.memory_space<vmem_shared>>
      %dma_start3A_83 = arith.constant 0 : i32
      %dma_start3A_84 = tpu.memref_slice %arg7[%add3A_28, %dma_start3A_83] : memref<10112x128xf32, #tpu.memory_space<vmem_shared>> -> memref<120x128xf32, #tpu.memory_space<vmem_shared>>
      %dma_start3A_85 = arith.constant 0 : i32
      %dma_start3A_86 = arith.constant 0 : i32
      %dma_start3A_87 = tpu.memref_slice %arg10[%dma_start3A_85, %dma_start3A_86] : memref<128x128xf32, #tpu.memory_space<vmem>> -> memref<120x128xf32, #tpu.memory_space<vmem>>
      tpu.enqueue_dma source(%dma_start3A_87 : memref<120x128xf32, #tpu.memory_space<vmem>>) target(%dma_start3A_84 : memref<120x128xf32, #tpu.memory_space<vmem_shared>>) target_semaphore(%run_scoped3A : memref<!tpu.dma_semaphore, #tpu.memory_space<semaphore_mem>>)
      %dma_wait3A = arith.constant 0 : i32
      %dma_wait3A_88 = arith.constant 0 : i32
      %dma_wait3A_89 = tpu.memref_slice %arg10[%dma_wait3A, %dma_wait3A_88] : memref<128x128xf32, #tpu.memory_space<vmem>> -> memref<120x128xf32, #tpu.memory_space<vmem>>
      %dma_wait3A_90 = arith.constant 0 : i32
      %dma_wait3A_91 = tpu.memref_slice %arg7[%add3A_28, %dma_wait3A_90] : memref<10112x128xf32, #tpu.memory_space<vmem_shared>> -> memref<120x128xf32, #tpu.memory_space<vmem_shared>>
      %dma_wait3A_92 = arith.constant 0 : i32
      %dma_wait3A_93 = tpu.memref_slice %arg7[%add3A_28, %dma_wait3A_92] : memref<10112x128xf32, #tpu.memory_space<vmem_shared>> -> memref<120x128xf32, #tpu.memory_space<vmem_shared>>
      %dma_wait3A_94 = arith.constant 0 : i32
      %dma_wait3A_95 = arith.constant 0 : i32
      %dma_wait3A_96 = tpu.memref_slice %arg10[%dma_wait3A_94, %dma_wait3A_95] : memref<128x128xf32, #tpu.memory_space<vmem>> -> memref<120x128xf32, #tpu.memory_space<vmem>>
      tpu.wait_dma2 semaphore(%run_scoped3A : memref<!tpu.dma_semaphore, #tpu.memory_space<semaphore_mem>>) src(%dma_wait3A_96 : memref<120x128xf32, #tpu.memory_space<vmem>>) dst(%dma_wait3A_93 : memref<120x128xf32, #tpu.memory_space<vmem_shared>>)
      tpu.yield
    }) : () -> ()
    %barrier3A = arith.constant 0 : index
    tpu.barrier barrier_id(%barrier3A)
    %while3A = arith.constant 0 : i32
    %while3A_29 = arith.constant 0 : i32
    %while3A_30 = arith.subi %select_n3A_8, %while3A_29 : i32
    %while3A_31 = arith.addi %while3A_29, %while3A_30 : i32
    %while3A_32 = arith.constant 1 : i32
    %while3A_33 = arith.divsi %while3A_30, %while3A_32 : i32
    %while3A_34 = arith.muli %while3A_33, %while3A_32 : i32
    %while3A_35 = arith.addi %while3A_29, %while3A_34 : i32
    %while3A_36 = arith.constant 1 : i32
    scf.for %while3A_79 = %while3A_29 to %while3A_35 step %while3A_36  : i32 {
      %add3A_80 = arith.addi %select_n3A, %while3A_79 : i32
      %mul3A_81 = arith.constant 128 : i32
      %mul3A_82 = arith.muli %add3A_80, %mul3A_81 : i32
      %multiple_of3A = tpu.assume_multiple %mul3A_82, 128 : i32
      "tpu.region"() ({
        %run_scoped3A = tpu.sem_alloc : memref<!tpu.dma_semaphore, #tpu.memory_space<semaphore_mem>>
        %dma_start3A_87 = tpu.memref_slice %arg3[%multiple_of3A] : memref<163840xi32, #tpu.memory_space<hbm>> -> memref<128xi32, #tpu.memory_space<hbm>>
        %dma_start3A_88 = tpu.memref_slice %arg3[%multiple_of3A] : memref<163840xi32, #tpu.memory_space<hbm>> -> memref<128xi32, #tpu.memory_space<hbm>>
        tpu.enqueue_dma source(%dma_start3A_88 : memref<128xi32, #tpu.memory_space<hbm>>) target(%arg8 : memref<128xi32, #tpu.memory_space<vmem>>) target_semaphore(%run_scoped3A : memref<!tpu.dma_semaphore, #tpu.memory_space<semaphore_mem>>)
        %dma_wait3A_89 = tpu.memref_slice %arg3[%multiple_of3A] : memref<163840xi32, #tpu.memory_space<hbm>> -> memref<128xi32, #tpu.memory_space<hbm>>
        %dma_wait3A_90 = tpu.memref_slice %arg3[%multiple_of3A] : memref<163840xi32, #tpu.memory_space<hbm>> -> memref<128xi32, #tpu.memory_space<hbm>>
        tpu.wait_dma2 semaphore(%run_scoped3A : memref<!tpu.dma_semaphore, #tpu.memory_space<semaphore_mem>>) src(%dma_wait3A_90 : memref<128xi32, #tpu.memory_space<hbm>>) dst(%arg8 : memref<128xi32, #tpu.memory_space<vmem>>)
        tpu.yield
      }) : () -> ()
      "tpu.region"() ({
        %run_scoped3A = tpu.sem_alloc : memref<!tpu.dma_semaphore, #tpu.memory_space<semaphore_mem>>
        %dma_start3A_87 = tpu.memref_slice %arg4[%multiple_of3A] : memref<163840xi32, #tpu.memory_space<hbm>> -> memref<128xi32, #tpu.memory_space<hbm>>
        %dma_start3A_88 = tpu.memref_slice %arg4[%multiple_of3A] : memref<163840xi32, #tpu.memory_space<hbm>> -> memref<128xi32, #tpu.memory_space<hbm>>
        tpu.enqueue_dma source(%dma_start3A_88 : memref<128xi32, #tpu.memory_space<hbm>>) target(%arg9 : memref<128xi32, #tpu.memory_space<vmem>>) target_semaphore(%run_scoped3A : memref<!tpu.dma_semaphore, #tpu.memory_space<semaphore_mem>>)
        %dma_wait3A_89 = tpu.memref_slice %arg4[%multiple_of3A] : memref<163840xi32, #tpu.memory_space<hbm>> -> memref<128xi32, #tpu.memory_space<hbm>>
        %dma_wait3A_90 = tpu.memref_slice %arg4[%multiple_of3A] : memref<163840xi32, #tpu.memory_space<hbm>> -> memref<128xi32, #tpu.memory_space<hbm>>
        tpu.wait_dma2 semaphore(%run_scoped3A : memref<!tpu.dma_semaphore, #tpu.memory_space<semaphore_mem>>) src(%dma_wait3A_90 : memref<128xi32, #tpu.memory_space<hbm>>) dst(%arg9 : memref<128xi32, #tpu.memory_space<vmem>>)
        tpu.yield
      }) : () -> ()
      %dma_start3A = arith.constant 0 : i32
      %dma_start3A_83 = arith.constant 0 : i32
      %dma_start3A_84 = tpu.memref_slice %arg2[%dma_start3A, %dma_start3A_83] : memref<10000x128xf32, #tpu.memory_space<hbm>> -> memref<10000x128xf32, #tpu.memory_space<hbm>>
      tpu.enqueue_indirect_dma source(%dma_start3A_84 : memref<10000x128xf32, #tpu.memory_space<hbm>>) target(%arg10 : memref<128x128xf32, #tpu.memory_space<vmem>>) offsets(%arg8 : memref<128xi32, #tpu.memory_space<vmem>>) semaphore(%arg11 : memref<!tpu.dma_semaphore, #tpu.memory_space<semaphore_mem>>)
      %dma_wait3A = arith.constant 0 : i32
      %dma_wait3A_85 = arith.constant 0 : i32
      %dma_wait3A_86 = tpu.memref_slice %arg2[%dma_wait3A, %dma_wait3A_85] : memref<10000x128xf32, #tpu.memory_space<hbm>> -> memref<10000x128xf32, #tpu.memory_space<hbm>>
      tpu.wait_indirect_dma semaphore(%arg11 : memref<!tpu.dma_semaphore, #tpu.memory_space<semaphore_mem>>) src(%dma_wait3A_86 : memref<10000x128xf32, #tpu.memory_space<hbm>>) dst(%arg10 : memref<128x128xf32, #tpu.memory_space<vmem>>)
      "tpu.region"() ({
        %run_scoped3A = tpu.sem_alloc : memref<!tpu.dma_semaphore, #tpu.memory_space<semaphore_mem>>
        %dma_start3A_87 = arith.constant 0 : i32
        %dma_start3A_88 = arith.constant 0 : i32
        %dma_start3A_89 = tpu.memref_slice %arg7[%dma_start3A_87, %dma_start3A_88] : memref<10112x128xf32, #tpu.memory_space<vmem_shared>> -> memref<10112x128xf32, #tpu.memory_space<vmem_shared>>
        tpu.enqueue_indirect_dma source(%arg10 : memref<128x128xf32, #tpu.memory_space<vmem>>) target(%dma_start3A_89 : memref<10112x128xf32, #tpu.memory_space<vmem_shared>>) offsets(%arg9 : memref<128xi32, #tpu.memory_space<vmem>>) semaphore(%run_scoped3A : memref<!tpu.dma_semaphore, #tpu.memory_space<semaphore_mem>>) {add = true}
        %dma_wait3A_90 = arith.constant 0 : i32
        %dma_wait3A_91 = arith.constant 0 : i32
        %dma_wait3A_92 = tpu.memref_slice %arg7[%dma_wait3A_90, %dma_wait3A_91] : memref<10112x128xf32, #tpu.memory_space<vmem_shared>> -> memref<10112x128xf32, #tpu.memory_space<vmem_shared>>
        tpu.wait_indirect_dma semaphore(%run_scoped3A : memref<!tpu.dma_semaphore, #tpu.memory_space<semaphore_mem>>) src(%arg10 : memref<128x128xf32, #tpu.memory_space<vmem>>) dst(%dma_wait3A_92 : memref<10112x128xf32, #tpu.memory_space<vmem_shared>>)
        tpu.yield
      }) : () -> ()
    }
    %while3A_37 = arith.constant 1 : i32
    scf.for %while3A_79 = %while3A_35 to %while3A_31 step %while3A_37  : i32 {
      %add3A_80 = arith.addi %select_n3A, %while3A_79 : i32
      %mul3A_81 = arith.constant 128 : i32
      %mul3A_82 = arith.muli %add3A_80, %mul3A_81 : i32
      %multiple_of3A = tpu.assume_multiple %mul3A_82, 128 : i32
      "tpu.region"() ({
        %run_scoped3A = tpu.sem_alloc : memref<!tpu.dma_semaphore, #tpu.memory_space<semaphore_mem>>
        %dma_start3A_87 = tpu.memref_slice %arg3[%multiple_of3A] : memref<163840xi32, #tpu.memory_space<hbm>> -> memref<128xi32, #tpu.memory_space<hbm>>
        %dma_start3A_88 = tpu.memref_slice %arg3[%multiple_of3A] : memref<163840xi32, #tpu.memory_space<hbm>> -> memref<128xi32, #tpu.memory_space<hbm>>
        tpu.enqueue_dma source(%dma_start3A_88 : memref<128xi32, #tpu.memory_space<hbm>>) target(%arg8 : memref<128xi32, #tpu.memory_space<vmem>>) target_semaphore(%run_scoped3A : memref<!tpu.dma_semaphore, #tpu.memory_space<semaphore_mem>>)
        %dma_wait3A_89 = tpu.memref_slice %arg3[%multiple_of3A] : memref<163840xi32, #tpu.memory_space<hbm>> -> memref<128xi32, #tpu.memory_space<hbm>>
        %dma_wait3A_90 = tpu.memref_slice %arg3[%multiple_of3A] : memref<163840xi32, #tpu.memory_space<hbm>> -> memref<128xi32, #tpu.memory_space<hbm>>
        tpu.wait_dma2 semaphore(%run_scoped3A : memref<!tpu.dma_semaphore, #tpu.memory_space<semaphore_mem>>) src(%dma_wait3A_90 : memref<128xi32, #tpu.memory_space<hbm>>) dst(%arg8 : memref<128xi32, #tpu.memory_space<vmem>>)
        tpu.yield
      }) : () -> ()
      "tpu.region"() ({
        %run_scoped3A = tpu.sem_alloc : memref<!tpu.dma_semaphore, #tpu.memory_space<semaphore_mem>>
        %dma_start3A_87 = tpu.memref_slice %arg4[%multiple_of3A] : memref<163840xi32, #tpu.memory_space<hbm>> -> memref<128xi32, #tpu.memory_space<hbm>>
        %dma_start3A_88 = tpu.memref_slice %arg4[%multiple_of3A] : memref<163840xi32, #tpu.memory_space<hbm>> -> memref<128xi32, #tpu.memory_space<hbm>>
        tpu.enqueue_dma source(%dma_start3A_88 : memref<128xi32, #tpu.memory_space<hbm>>) target(%arg9 : memref<128xi32, #tpu.memory_space<vmem>>) target_semaphore(%run_scoped3A : memref<!tpu.dma_semaphore, #tpu.memory_space<semaphore_mem>>)
        %dma_wait3A_89 = tpu.memref_slice %arg4[%multiple_of3A] : memref<163840xi32, #tpu.memory_space<hbm>> -> memref<128xi32, #tpu.memory_space<hbm>>
        %dma_wait3A_90 = tpu.memref_slice %arg4[%multiple_of3A] : memref<163840xi32, #tpu.memory_space<hbm>> -> memref<128xi32, #tpu.memory_space<hbm>>
        tpu.wait_dma2 semaphore(%run_scoped3A : memref<!tpu.dma_semaphore, #tpu.memory_space<semaphore_mem>>) src(%dma_wait3A_90 : memref<128xi32, #tpu.memory_space<hbm>>) dst(%arg9 : memref<128xi32, #tpu.memory_space<vmem>>)
        tpu.yield
      }) : () -> ()
      %dma_start3A = arith.constant 0 : i32
      %dma_start3A_83 = arith.constant 0 : i32
      %dma_start3A_84 = tpu.memref_slice %arg2[%dma_start3A, %dma_start3A_83] : memref<10000x128xf32, #tpu.memory_space<hbm>> -> memref<10000x128xf32, #tpu.memory_space<hbm>>
      tpu.enqueue_indirect_dma source(%dma_start3A_84 : memref<10000x128xf32, #tpu.memory_space<hbm>>) target(%arg10 : memref<128x128xf32, #tpu.memory_space<vmem>>) offsets(%arg8 : memref<128xi32, #tpu.memory_space<vmem>>) semaphore(%arg11 : memref<!tpu.dma_semaphore, #tpu.memory_space<semaphore_mem>>)
      %dma_wait3A = arith.constant 0 : i32
      %dma_wait3A_85 = arith.constant 0 : i32
      %dma_wait3A_86 = tpu.memref_slice %arg2[%dma_wait3A, %dma_wait3A_85] : memref<10000x128xf32, #tpu.memory_space<hbm>> -> memref<10000x128xf32, #tpu.memory_space<hbm>>
      tpu.wait_indirect_dma semaphore(%arg11 : memref<!tpu.dma_semaphore, #tpu.memory_space<semaphore_mem>>) src(%dma_wait3A_86 : memref<10000x128xf32, #tpu.memory_space<hbm>>) dst(%arg10 : memref<128x128xf32, #tpu.memory_space<vmem>>)
      "tpu.region"() ({
        %run_scoped3A = tpu.sem_alloc : memref<!tpu.dma_semaphore, #tpu.memory_space<semaphore_mem>>
        %dma_start3A_87 = arith.constant 0 : i32
        %dma_start3A_88 = arith.constant 0 : i32
        %dma_start3A_89 = tpu.memref_slice %arg7[%dma_start3A_87, %dma_start3A_88] : memref<10112x128xf32, #tpu.memory_space<vmem_shared>> -> memref<10112x128xf32, #tpu.memory_space<vmem_shared>>
        tpu.enqueue_indirect_dma source(%arg10 : memref<128x128xf32, #tpu.memory_space<vmem>>) target(%dma_start3A_89 : memref<10112x128xf32, #tpu.memory_space<vmem_shared>>) offsets(%arg9 : memref<128xi32, #tpu.memory_space<vmem>>) semaphore(%run_scoped3A : memref<!tpu.dma_semaphore, #tpu.memory_space<semaphore_mem>>) {add = true}
        %dma_wait3A_90 = arith.constant 0 : i32
        %dma_wait3A_91 = arith.constant 0 : i32
        %dma_wait3A_92 = tpu.memref_slice %arg7[%dma_wait3A_90, %dma_wait3A_91] : memref<10112x128xf32, #tpu.memory_space<vmem_shared>> -> memref<10112x128xf32, #tpu.memory_space<vmem_shared>>
        tpu.wait_indirect_dma semaphore(%run_scoped3A : memref<!tpu.dma_semaphore, #tpu.memory_space<semaphore_mem>>) src(%arg10 : memref<128x128xf32, #tpu.memory_space<vmem>>) dst(%dma_wait3A_92 : memref<10112x128xf32, #tpu.memory_space<vmem_shared>>)
        tpu.yield
      }) : () -> ()
    }
    %barrier3A_38 = arith.constant 0 : index
    tpu.barrier barrier_id(%barrier3A_38)
    %mul3A_39 = arith.constant 632 : i32
    %mul3A_40 = arith.muli %arg1, %mul3A_39 : i32
    %add3A_41 = arith.constant 0 : i32
    %add3A_42 = arith.addi %mul3A_40, %add3A_41 : i32
    "tpu.region"() ({
      %run_scoped3A = tpu.sem_alloc : memref<!tpu.dma_semaphore, #tpu.memory_space<semaphore_mem>>
      %dma_start3A = arith.constant 0 : i32
      %dma_start3A_79 = tpu.memref_slice %arg7[%add3A_42, %dma_start3A] : memref<10112x128xf32, #tpu.memory_space<vmem_shared>> -> memref<128x128xf32, #tpu.memory_space<vmem_shared>>
      %dma_start3A_80 = arith.constant 0 : i32
      %dma_start3A_81 = tpu.memref_slice %arg7[%add3A_42, %dma_start3A_80] : memref<10112x128xf32, #tpu.memory_space<vmem_shared>> -> memref<128x128xf32, #tpu.memory_space<vmem_shared>>
      tpu.enqueue_dma source(%dma_start3A_81 : memref<128x128xf32, #tpu.memory_space<vmem_shared>>) target(%arg10 : memref<128x128xf32, #tpu.memory_space<vmem>>) target_semaphore(%run_scoped3A : memref<!tpu.dma_semaphore, #tpu.memory_space<semaphore_mem>>)
      %dma_wait3A = arith.constant 0 : i32
      %dma_wait3A_82 = tpu.memref_slice %arg7[%add3A_42, %dma_wait3A] : memref<10112x128xf32, #tpu.memory_space<vmem_shared>> -> memref<128x128xf32, #tpu.memory_space<vmem_shared>>
      %dma_wait3A_83 = arith.constant 0 : i32
      %dma_wait3A_84 = tpu.memref_slice %arg7[%add3A_42, %dma_wait3A_83] : memref<10112x128xf32, #tpu.memory_space<vmem_shared>> -> memref<128x128xf32, #tpu.memory_space<vmem_shared>>
      tpu.wait_dma2 semaphore(%run_scoped3A : memref<!tpu.dma_semaphore, #tpu.memory_space<semaphore_mem>>) src(%dma_wait3A_84 : memref<128x128xf32, #tpu.memory_space<vmem_shared>>) dst(%arg10 : memref<128x128xf32, #tpu.memory_space<vmem>>)
      tpu.yield
    }) : () -> ()
    %mul3A_43 = arith.constant 632 : i32
    %mul3A_44 = arith.muli %arg1, %mul3A_43 : i32
    %add3A_45 = arith.constant 0 : i32
    %add3A_46 = arith.addi %mul3A_44, %add3A_45 : i32
    "tpu.region"() ({
      %run_scoped3A = tpu.sem_alloc : memref<!tpu.dma_semaphore, #tpu.memory_space<semaphore_mem>>
      %dma_start3A = arith.constant 0 : i32
      %dma_start3A_79 = tpu.memref_slice %arg6[%arg0, %add3A_46, %dma_start3A] : memref<2x10112x128xf32, #tpu.memory_space<hbm>> -> memref<1x128x128xf32, #tpu.memory_space<hbm>>
      %dma_start3A_80 = tpu.memref_squeeze %dma_start3A_79 : memref<1x128x128xf32, #tpu.memory_space<hbm>> -> memref<128x128xf32, #tpu.memory_space<hbm>>
      %dma_start3A_81 = arith.constant 0 : i32
      %dma_start3A_82 = tpu.memref_slice %arg6[%arg0, %add3A_46, %dma_start3A_81] : memref<2x10112x128xf32, #tpu.memory_space<hbm>> -> memref<1x128x128xf32, #tpu.memory_space<hbm>>
      %dma_start3A_83 = tpu.memref_squeeze %dma_start3A_82 : memref<1x128x128xf32, #tpu.memory_space<hbm>> -> memref<128x128xf32, #tpu.memory_space<hbm>>
      tpu.enqueue_dma source(%arg10 : memref<128x128xf32, #tpu.memory_space<vmem>>) target(%dma_start3A_83 : memref<128x128xf32, #tpu.memory_space<hbm>>) target_semaphore(%run_scoped3A : memref<!tpu.dma_semaphore, #tpu.memory_space<semaphore_mem>>)
      %dma_wait3A = arith.constant 0 : i32
      %dma_wait3A_84 = tpu.memref_slice %arg6[%arg0, %add3A_46, %dma_wait3A] : memref<2x10112x128xf32, #tpu.memory_space<hbm>> -> memref<1x128x128xf32, #tpu.memory_space<hbm>>
      %dma_wait3A_85 = tpu.memref_squeeze %dma_wait3A_84 : memref<1x128x128xf32, #tpu.memory_space<hbm>> -> memref<128x128xf32, #tpu.memory_space<hbm>>
      %dma_wait3A_86 = arith.constant 0 : i32
      %dma_wait3A_87 = tpu.memref_slice %arg6[%arg0, %add3A_46, %dma_wait3A_86] : memref<2x10112x128xf32, #tpu.memory_space<hbm>> -> memref<1x128x128xf32, #tpu.memory_space<hbm>>
      %dma_wait3A_88 = tpu.memref_squeeze %dma_wait3A_87 : memref<1x128x128xf32, #tpu.memory_space<hbm>> -> memref<128x128xf32, #tpu.memory_space<hbm>>
      tpu.wait_dma2 semaphore(%run_scoped3A : memref<!tpu.dma_semaphore, #tpu.memory_space<semaphore_mem>>) src(%arg10 : memref<128x128xf32, #tpu.memory_space<vmem>>) dst(%dma_wait3A_88 : memref<128x128xf32, #tpu.memory_space<hbm>>)
      tpu.yield
    }) : () -> ()
    %mul3A_47 = arith.constant 632 : i32
    %mul3A_48 = arith.muli %arg1, %mul3A_47 : i32
    %add3A_49 = arith.constant 128 : i32
    %add3A_50 = arith.addi %mul3A_48, %add3A_49 : i32
    "tpu.region"() ({
      %run_scoped3A = tpu.sem_alloc : memref<!tpu.dma_semaphore, #tpu.memory_space<semaphore_mem>>
      %dma_start3A = arith.constant 0 : i32
      %dma_start3A_79 = tpu.memref_slice %arg7[%add3A_50, %dma_start3A] : memref<10112x128xf32, #tpu.memory_space<vmem_shared>> -> memref<128x128xf32, #tpu.memory_space<vmem_shared>>
      %dma_start3A_80 = arith.constant 0 : i32
      %dma_start3A_81 = tpu.memref_slice %arg7[%add3A_50, %dma_start3A_80] : memref<10112x128xf32, #tpu.memory_space<vmem_shared>> -> memref<128x128xf32, #tpu.memory_space<vmem_shared>>
      tpu.enqueue_dma source(%dma_start3A_81 : memref<128x128xf32, #tpu.memory_space<vmem_shared>>) target(%arg10 : memref<128x128xf32, #tpu.memory_space<vmem>>) target_semaphore(%run_scoped3A : memref<!tpu.dma_semaphore, #tpu.memory_space<semaphore_mem>>)
      %dma_wait3A = arith.constant 0 : i32
      %dma_wait3A_82 = tpu.memref_slice %arg7[%add3A_50, %dma_wait3A] : memref<10112x128xf32, #tpu.memory_space<vmem_shared>> -> memref<128x128xf32, #tpu.memory_space<vmem_shared>>
      %dma_wait3A_83 = arith.constant 0 : i32
      %dma_wait3A_84 = tpu.memref_slice %arg7[%add3A_50, %dma_wait3A_83] : memref<10112x128xf32, #tpu.memory_space<vmem_shared>> -> memref<128x128xf32, #tpu.memory_space<vmem_shared>>
      tpu.wait_dma2 semaphore(%run_scoped3A : memref<!tpu.dma_semaphore, #tpu.memory_space<semaphore_mem>>) src(%dma_wait3A_84 : memref<128x128xf32, #tpu.memory_space<vmem_shared>>) dst(%arg10 : memref<128x128xf32, #tpu.memory_space<vmem>>)
      tpu.yield
    }) : () -> ()
    %mul3A_51 = arith.constant 632 : i32
    %mul3A_52 = arith.muli %arg1, %mul3A_51 : i32
    %add3A_53 = arith.constant 128 : i32
    %add3A_54 = arith.addi %mul3A_52, %add3A_53 : i32
    "tpu.region"() ({
      %run_scoped3A = tpu.sem_alloc : memref<!tpu.dma_semaphore, #tpu.memory_space<semaphore_mem>>
      %dma_start3A = arith.constant 0 : i32
      %dma_start3A_79 = tpu.memref_slice %arg6[%arg0, %add3A_54, %dma_start3A] : memref<2x10112x128xf32, #tpu.memory_space<hbm>> -> memref<1x128x128xf32, #tpu.memory_space<hbm>>
      %dma_start3A_80 = tpu.memref_squeeze %dma_start3A_79 : memref<1x128x128xf32, #tpu.memory_space<hbm>> -> memref<128x128xf32, #tpu.memory_space<hbm>>
      %dma_start3A_81 = arith.constant 0 : i32
      %dma_start3A_82 = tpu.memref_slice %arg6[%arg0, %add3A_54, %dma_start3A_81] : memref<2x10112x128xf32, #tpu.memory_space<hbm>> -> memref<1x128x128xf32, #tpu.memory_space<hbm>>
      %dma_start3A_83 = tpu.memref_squeeze %dma_start3A_82 : memref<1x128x128xf32, #tpu.memory_space<hbm>> -> memref<128x128xf32, #tpu.memory_space<hbm>>
      tpu.enqueue_dma source(%arg10 : memref<128x128xf32, #tpu.memory_space<vmem>>) target(%dma_start3A_83 : memref<128x128xf32, #tpu.memory_space<hbm>>) target_semaphore(%run_scoped3A : memref<!tpu.dma_semaphore, #tpu.memory_space<semaphore_mem>>)
      %dma_wait3A = arith.constant 0 : i32
      %dma_wait3A_84 = tpu.memref_slice %arg6[%arg0, %add3A_54, %dma_wait3A] : memref<2x10112x128xf32, #tpu.memory_space<hbm>> -> memref<1x128x128xf32, #tpu.memory_space<hbm>>
      %dma_wait3A_85 = tpu.memref_squeeze %dma_wait3A_84 : memref<1x128x128xf32, #tpu.memory_space<hbm>> -> memref<128x128xf32, #tpu.memory_space<hbm>>
      %dma_wait3A_86 = arith.constant 0 : i32
      %dma_wait3A_87 = tpu.memref_slice %arg6[%arg0, %add3A_54, %dma_wait3A_86] : memref<2x10112x128xf32, #tpu.memory_space<hbm>> -> memref<1x128x128xf32, #tpu.memory_space<hbm>>
      %dma_wait3A_88 = tpu.memref_squeeze %dma_wait3A_87 : memref<1x128x128xf32, #tpu.memory_space<hbm>> -> memref<128x128xf32, #tpu.memory_space<hbm>>
      tpu.wait_dma2 semaphore(%run_scoped3A : memref<!tpu.dma_semaphore, #tpu.memory_space<semaphore_mem>>) src(%arg10 : memref<128x128xf32, #tpu.memory_space<vmem>>) dst(%dma_wait3A_88 : memref<128x128xf32, #tpu.memory_space<hbm>>)
      tpu.yield
    }) : () -> ()
    %mul3A_55 = arith.constant 632 : i32
    %mul3A_56 = arith.muli %arg1, %mul3A_55 : i32
    %add3A_57 = arith.constant 256 : i32
    %add3A_58 = arith.addi %mul3A_56, %add3A_57 : i32
    "tpu.region"() ({
      %run_scoped3A = tpu.sem_alloc : memref<!tpu.dma_semaphore, #tpu.memory_space<semaphore_mem>>
      %dma_start3A = arith.constant 0 : i32
      %dma_start3A_79 = tpu.memref_slice %arg7[%add3A_58, %dma_start3A] : memref<10112x128xf32, #tpu.memory_space<vmem_shared>> -> memref<128x128xf32, #tpu.memory_space<vmem_shared>>
      %dma_start3A_80 = arith.constant 0 : i32
      %dma_start3A_81 = tpu.memref_slice %arg7[%add3A_58, %dma_start3A_80] : memref<10112x128xf32, #tpu.memory_space<vmem_shared>> -> memref<128x128xf32, #tpu.memory_space<vmem_shared>>
      tpu.enqueue_dma source(%dma_start3A_81 : memref<128x128xf32, #tpu.memory_space<vmem_shared>>) target(%arg10 : memref<128x128xf32, #tpu.memory_space<vmem>>) target_semaphore(%run_scoped3A : memref<!tpu.dma_semaphore, #tpu.memory_space<semaphore_mem>>)
      %dma_wait3A = arith.constant 0 : i32
      %dma_wait3A_82 = tpu.memref_slice %arg7[%add3A_58, %dma_wait3A] : memref<10112x128xf32, #tpu.memory_space<vmem_shared>> -> memref<128x128xf32, #tpu.memory_space<vmem_shared>>
      %dma_wait3A_83 = arith.constant 0 : i32
      %dma_wait3A_84 = tpu.memref_slice %arg7[%add3A_58, %dma_wait3A_83] : memref<10112x128xf32, #tpu.memory_space<vmem_shared>> -> memref<128x128xf32, #tpu.memory_space<vmem_shared>>
      tpu.wait_dma2 semaphore(%run_scoped3A : memref<!tpu.dma_semaphore, #tpu.memory_space<semaphore_mem>>) src(%dma_wait3A_84 : memref<128x128xf32, #tpu.memory_space<vmem_shared>>) dst(%arg10 : memref<128x128xf32, #tpu.memory_space<vmem>>)
      tpu.yield
    }) : () -> ()
    %mul3A_59 = arith.constant 632 : i32
    %mul3A_60 = arith.muli %arg1, %mul3A_59 : i32
    %add3A_61 = arith.constant 256 : i32
    %add3A_62 = arith.addi %mul3A_60, %add3A_61 : i32
    "tpu.region"() ({
      %run_scoped3A = tpu.sem_alloc : memref<!tpu.dma_semaphore, #tpu.memory_space<semaphore_mem>>
      %dma_start3A = arith.constant 0 : i32
      %dma_start3A_79 = tpu.memref_slice %arg6[%arg0, %add3A_62, %dma_start3A] : memref<2x10112x128xf32, #tpu.memory_space<hbm>> -> memref<1x128x128xf32, #tpu.memory_space<hbm>>
      %dma_start3A_80 = tpu.memref_squeeze %dma_start3A_79 : memref<1x128x128xf32, #tpu.memory_space<hbm>> -> memref<128x128xf32, #tpu.memory_space<hbm>>
      %dma_start3A_81 = arith.constant 0 : i32
      %dma_start3A_82 = tpu.memref_slice %arg6[%arg0, %add3A_62, %dma_start3A_81] : memref<2x10112x128xf32, #tpu.memory_space<hbm>> -> memref<1x128x128xf32, #tpu.memory_space<hbm>>
      %dma_start3A_83 = tpu.memref_squeeze %dma_start3A_82 : memref<1x128x128xf32, #tpu.memory_space<hbm>> -> memref<128x128xf32, #tpu.memory_space<hbm>>
      tpu.enqueue_dma source(%arg10 : memref<128x128xf32, #tpu.memory_space<vmem>>) target(%dma_start3A_83 : memref<128x128xf32, #tpu.memory_space<hbm>>) target_semaphore(%run_scoped3A : memref<!tpu.dma_semaphore, #tpu.memory_space<semaphore_mem>>)
      %dma_wait3A = arith.constant 0 : i32
      %dma_wait3A_84 = tpu.memref_slice %arg6[%arg0, %add3A_62, %dma_wait3A] : memref<2x10112x128xf32, #tpu.memory_space<hbm>> -> memref<1x128x128xf32, #tpu.memory_space<hbm>>
      %dma_wait3A_85 = tpu.memref_squeeze %dma_wait3A_84 : memref<1x128x128xf32, #tpu.memory_space<hbm>> -> memref<128x128xf32, #tpu.memory_space<hbm>>
      %dma_wait3A_86 = arith.constant 0 : i32
      %dma_wait3A_87 = tpu.memref_slice %arg6[%arg0, %add3A_62, %dma_wait3A_86] : memref<2x10112x128xf32, #tpu.memory_space<hbm>> -> memref<1x128x128xf32, #tpu.memory_space<hbm>>
      %dma_wait3A_88 = tpu.memref_squeeze %dma_wait3A_87 : memref<1x128x128xf32, #tpu.memory_space<hbm>> -> memref<128x128xf32, #tpu.memory_space<hbm>>
      tpu.wait_dma2 semaphore(%run_scoped3A : memref<!tpu.dma_semaphore, #tpu.memory_space<semaphore_mem>>) src(%arg10 : memref<128x128xf32, #tpu.memory_space<vmem>>) dst(%dma_wait3A_88 : memref<128x128xf32, #tpu.memory_space<hbm>>)
      tpu.yield
    }) : () -> ()
    %mul3A_63 = arith.constant 632 : i32
    %mul3A_64 = arith.muli %arg1, %mul3A_63 : i32
    %add3A_65 = arith.constant 384 : i32
    %add3A_66 = arith.addi %mul3A_64, %add3A_65 : i32
    "tpu.region"() ({
      %run_scoped3A = tpu.sem_alloc : memref<!tpu.dma_semaphore, #tpu.memory_space<semaphore_mem>>
      %dma_start3A = arith.constant 0 : i32
      %dma_start3A_79 = tpu.memref_slice %arg7[%add3A_66, %dma_start3A] : memref<10112x128xf32, #tpu.memory_space<vmem_shared>> -> memref<128x128xf32, #tpu.memory_space<vmem_shared>>
      %dma_start3A_80 = arith.constant 0 : i32
      %dma_start3A_81 = tpu.memref_slice %arg7[%add3A_66, %dma_start3A_80] : memref<10112x128xf32, #tpu.memory_space<vmem_shared>> -> memref<128x128xf32, #tpu.memory_space<vmem_shared>>
      tpu.enqueue_dma source(%dma_start3A_81 : memref<128x128xf32, #tpu.memory_space<vmem_shared>>) target(%arg10 : memref<128x128xf32, #tpu.memory_space<vmem>>) target_semaphore(%run_scoped3A : memref<!tpu.dma_semaphore, #tpu.memory_space<semaphore_mem>>)
      %dma_wait3A = arith.constant 0 : i32
      %dma_wait3A_82 = tpu.memref_slice %arg7[%add3A_66, %dma_wait3A] : memref<10112x128xf32, #tpu.memory_space<vmem_shared>> -> memref<128x128xf32, #tpu.memory_space<vmem_shared>>
      %dma_wait3A_83 = arith.constant 0 : i32
      %dma_wait3A_84 = tpu.memref_slice %arg7[%add3A_66, %dma_wait3A_83] : memref<10112x128xf32, #tpu.memory_space<vmem_shared>> -> memref<128x128xf32, #tpu.memory_space<vmem_shared>>
      tpu.wait_dma2 semaphore(%run_scoped3A : memref<!tpu.dma_semaphore, #tpu.memory_space<semaphore_mem>>) src(%dma_wait3A_84 : memref<128x128xf32, #tpu.memory_space<vmem_shared>>) dst(%arg10 : memref<128x128xf32, #tpu.memory_space<vmem>>)
      tpu.yield
    }) : () -> ()
    %mul3A_67 = arith.constant 632 : i32
    %mul3A_68 = arith.muli %arg1, %mul3A_67 : i32
    %add3A_69 = arith.constant 384 : i32
    %add3A_70 = arith.addi %mul3A_68, %add3A_69 : i32
    "tpu.region"() ({
      %run_scoped3A = tpu.sem_alloc : memref<!tpu.dma_semaphore, #tpu.memory_space<semaphore_mem>>
      %dma_start3A = arith.constant 0 : i32
      %dma_start3A_79 = tpu.memref_slice %arg6[%arg0, %add3A_70, %dma_start3A] : memref<2x10112x128xf32, #tpu.memory_space<hbm>> -> memref<1x128x128xf32, #tpu.memory_space<hbm>>
      %dma_start3A_80 = tpu.memref_squeeze %dma_start3A_79 : memref<1x128x128xf32, #tpu.memory_space<hbm>> -> memref<128x128xf32, #tpu.memory_space<hbm>>
      %dma_start3A_81 = arith.constant 0 : i32
      %dma_start3A_82 = tpu.memref_slice %arg6[%arg0, %add3A_70, %dma_start3A_81] : memref<2x10112x128xf32, #tpu.memory_space<hbm>> -> memref<1x128x128xf32, #tpu.memory_space<hbm>>
      %dma_start3A_83 = tpu.memref_squeeze %dma_start3A_82 : memref<1x128x128xf32, #tpu.memory_space<hbm>> -> memref<128x128xf32, #tpu.memory_space<hbm>>
      tpu.enqueue_dma source(%arg10 : memref<128x128xf32, #tpu.memory_space<vmem>>) target(%dma_start3A_83 : memref<128x128xf32, #tpu.memory_space<hbm>>) target_semaphore(%run_scoped3A : memref<!tpu.dma_semaphore, #tpu.memory_space<semaphore_mem>>)
      %dma_wait3A = arith.constant 0 : i32
      %dma_wait3A_84 = tpu.memref_slice %arg6[%arg0, %add3A_70, %dma_wait3A] : memref<2x10112x128xf32, #tpu.memory_space<hbm>> -> memref<1x128x128xf32, #tpu.memory_space<hbm>>
      %dma_wait3A_85 = tpu.memref_squeeze %dma_wait3A_84 : memref<1x128x128xf32, #tpu.memory_space<hbm>> -> memref<128x128xf32, #tpu.memory_space<hbm>>
      %dma_wait3A_86 = arith.constant 0 : i32
      %dma_wait3A_87 = tpu.memref_slice %arg6[%arg0, %add3A_70, %dma_wait3A_86] : memref<2x10112x128xf32, #tpu.memory_space<hbm>> -> memref<1x128x128xf32, #tpu.memory_space<hbm>>
      %dma_wait3A_88 = tpu.memref_squeeze %dma_wait3A_87 : memref<1x128x128xf32, #tpu.memory_space<hbm>> -> memref<128x128xf32, #tpu.memory_space<hbm>>
      tpu.wait_dma2 semaphore(%run_scoped3A : memref<!tpu.dma_semaphore, #tpu.memory_space<semaphore_mem>>) src(%arg10 : memref<128x128xf32, #tpu.memory_space<vmem>>) dst(%dma_wait3A_88 : memref<128x128xf32, #tpu.memory_space<hbm>>)
      tpu.yield
    }) : () -> ()
    %mul3A_71 = arith.constant 632 : i32
    %mul3A_72 = arith.muli %arg1, %mul3A_71 : i32
    %add3A_73 = arith.constant 512 : i32
    %add3A_74 = arith.addi %mul3A_72, %add3A_73 : i32
    "tpu.region"() ({
      %run_scoped3A = tpu.sem_alloc : memref<!tpu.dma_semaphore, #tpu.memory_space<semaphore_mem>>
      %dma_start3A = arith.constant 0 : i32
      %dma_start3A_79 = arith.constant 0 : i32
      %dma_start3A_80 = tpu.memref_slice %arg10[%dma_start3A, %dma_start3A_79] : memref<128x128xf32, #tpu.memory_space<vmem>> -> memref<120x128xf32, #tpu.memory_space<vmem>>
      %dma_start3A_81 = arith.constant 0 : i32
      %dma_start3A_82 = tpu.memref_slice %arg7[%add3A_74, %dma_start3A_81] : memref<10112x128xf32, #tpu.memory_space<vmem_shared>> -> memref<120x128xf32, #tpu.memory_space<vmem_shared>>
      %dma_start3A_83 = arith.constant 0 : i32
      %dma_start3A_84 = arith.constant 0 : i32
      %dma_start3A_85 = tpu.memref_slice %arg10[%dma_start3A_83, %dma_start3A_84] : memref<128x128xf32, #tpu.memory_space<vmem>> -> memref<120x128xf32, #tpu.memory_space<vmem>>
      %dma_start3A_86 = arith.constant 0 : i32
      %dma_start3A_87 = tpu.memref_slice %arg7[%add3A_74, %dma_start3A_86] : memref<10112x128xf32, #tpu.memory_space<vmem_shared>> -> memref<120x128xf32, #tpu.memory_space<vmem_shared>>
      tpu.enqueue_dma source(%dma_start3A_87 : memref<120x128xf32, #tpu.memory_space<vmem_shared>>) target(%dma_start3A_85 : memref<120x128xf32, #tpu.memory_space<vmem>>) target_semaphore(%run_scoped3A : memref<!tpu.dma_semaphore, #tpu.memory_space<semaphore_mem>>)
      %dma_wait3A = arith.constant 0 : i32
      %dma_wait3A_88 = arith.constant 0 : i32
      %dma_wait3A_89 = tpu.memref_slice %arg10[%dma_wait3A, %dma_wait3A_88] : memref<128x128xf32, #tpu.memory_space<vmem>> -> memref<120x128xf32, #tpu.memory_space<vmem>>
      %dma_wait3A_90 = arith.constant 0 : i32
      %dma_wait3A_91 = tpu.memref_slice %arg7[%add3A_74, %dma_wait3A_90] : memref<10112x128xf32, #tpu.memory_space<vmem_shared>> -> memref<120x128xf32, #tpu.memory_space<vmem_shared>>
      %dma_wait3A_92 = arith.constant 0 : i32
      %dma_wait3A_93 = arith.constant 0 : i32
      %dma_wait3A_94 = tpu.memref_slice %arg10[%dma_wait3A_92, %dma_wait3A_93] : memref<128x128xf32, #tpu.memory_space<vmem>> -> memref<120x128xf32, #tpu.memory_space<vmem>>
      %dma_wait3A_95 = arith.constant 0 : i32
      %dma_wait3A_96 = tpu.memref_slice %arg7[%add3A_74, %dma_wait3A_95] : memref<10112x128xf32, #tpu.memory_space<vmem_shared>> -> memref<120x128xf32, #tpu.memory_space<vmem_shared>>
      tpu.wait_dma2 semaphore(%run_scoped3A : memref<!tpu.dma_semaphore, #tpu.memory_space<semaphore_mem>>) src(%dma_wait3A_96 : memref<120x128xf32, #tpu.memory_space<vmem_shared>>) dst(%dma_wait3A_94 : memref<120x128xf32, #tpu.memory_space<vmem>>)
      tpu.yield
    }) : () -> ()
    %mul3A_75 = arith.constant 632 : i32
    %mul3A_76 = arith.muli %arg1, %mul3A_75 : i32
    %add3A_77 = arith.constant 512 : i32
    %add3A_78 = arith.addi %mul3A_76, %add3A_77 : i32
    "tpu.region"() ({
      %run_scoped3A = tpu.sem_alloc : memref<!tpu.dma_semaphore, #tpu.memory_space<semaphore_mem>>
      %dma_start3A = arith.constant 0 : i32
      %dma_start3A_79 = arith.constant 0 : i32
      %dma_start3A_80 = tpu.memref_slice %arg10[%dma_start3A, %dma_start3A_79] : memref<128x128xf32, #tpu.memory_space<vmem>> -> memref<120x128xf32, #tpu.memory_space<vmem>>
      %dma_start3A_81 = arith.constant 0 : i32
      %dma_start3A_82 = tpu.memref_slice %arg6[%arg0, %add3A_78, %dma_start3A_81] : memref<2x10112x128xf32, #tpu.memory_space<hbm>> -> memref<1x120x128xf32, #tpu.memory_space<hbm>>
      %dma_start3A_83 = tpu.memref_squeeze %dma_start3A_82 : memref<1x120x128xf32, #tpu.memory_space<hbm>> -> memref<120x128xf32, #tpu.memory_space<hbm>>
      %dma_start3A_84 = arith.constant 0 : i32
      %dma_start3A_85 = tpu.memref_slice %arg6[%arg0, %add3A_78, %dma_start3A_84] : memref<2x10112x128xf32, #tpu.memory_space<hbm>> -> memref<1x120x128xf32, #tpu.memory_space<hbm>>
      %dma_start3A_86 = tpu.memref_squeeze %dma_start3A_85 : memref<1x120x128xf32, #tpu.memory_space<hbm>> -> memref<120x128xf32, #tpu.memory_space<hbm>>
      %dma_start3A_87 = arith.constant 0 : i32
      %dma_start3A_88 = arith.constant 0 : i32
      %dma_start3A_89 = tpu.memref_slice %arg10[%dma_start3A_87, %dma_start3A_88] : memref<128x128xf32, #tpu.memory_space<vmem>> -> memref<120x128xf32, #tpu.memory_space<vmem>>
      tpu.enqueue_dma source(%dma_start3A_89 : memref<120x128xf32, #tpu.memory_space<vmem>>) target(%dma_start3A_86 : memref<120x128xf32, #tpu.memory_space<hbm>>) target_semaphore(%run_scoped3A : memref<!tpu.dma_semaphore, #tpu.memory_space<semaphore_mem>>)
      %dma_wait3A = arith.constant 0 : i32
      %dma_wait3A_90 = arith.constant 0 : i32
      %dma_wait3A_91 = tpu.memref_slice %arg10[%dma_wait3A, %dma_wait3A_90] : memref<128x128xf32, #tpu.memory_space<vmem>> -> memref<120x128xf32, #tpu.memory_space<vmem>>
      %dma_wait3A_92 = arith.constant 0 : i32
      %dma_wait3A_93 = tpu.memref_slice %arg6[%arg0, %add3A_78, %dma_wait3A_92] : memref<2x10112x128xf32, #tpu.memory_space<hbm>> -> memref<1x120x128xf32, #tpu.memory_space<hbm>>
      %dma_wait3A_94 = tpu.memref_squeeze %dma_wait3A_93 : memref<1x120x128xf32, #tpu.memory_space<hbm>> -> memref<120x128xf32, #tpu.memory_space<hbm>>
      %dma_wait3A_95 = arith.constant 0 : i32
      %dma_wait3A_96 = tpu.memref_slice %arg6[%arg0, %add3A_78, %dma_wait3A_95] : memref<2x10112x128xf32, #tpu.memory_space<hbm>> -> memref<1x120x128xf32, #tpu.memory_space<hbm>>
      %dma_wait3A_97 = tpu.memref_squeeze %dma_wait3A_96 : memref<1x120x128xf32, #tpu.memory_space<hbm>> -> memref<120x128xf32, #tpu.memory_space<hbm>>
      %dma_wait3A_98 = arith.constant 0 : i32
      %dma_wait3A_99 = arith.constant 0 : i32
      %dma_wait3A_100 = tpu.memref_slice %arg10[%dma_wait3A_98, %dma_wait3A_99] : memref<128x128xf32, #tpu.memory_space<vmem>> -> memref<120x128xf32, #tpu.memory_space<vmem>>
      tpu.wait_dma2 semaphore(%run_scoped3A : memref<!tpu.dma_semaphore, #tpu.memory_space<semaphore_mem>>) src(%dma_wait3A_100 : memref<120x128xf32, #tpu.memory_space<vmem>>) dst(%dma_wait3A_97 : memref<120x128xf32, #tpu.memory_space<hbm>>)
      tpu.yield
    }) : () -> ()
    return
  }
}

module attributes {stable_mosaic.version = 14 : i64} {
  func.func @_tcmm_body(%arg0: memref<10000x128xf32, #tpu.memory_space<vmem>>, %arg1: memref<128x128xf32, #tpu.memory_space<vmem>>, %arg2: memref<10000x128xf32, #tpu.memory_space<vmem>>) attributes {dimension_semantics = [], scalar_prefetch = 0 : i64, scratch_operands = 0 : i64, tpu.core_type = #tpu.core_type<tc>} {
    %get3A = arith.constant 0 : index
    %get3A_0 = arith.constant 0 : index
    %get3A_1 = vector.load %arg0[%get3A, %get3A_0] : memref<10000x128xf32, #tpu.memory_space<vmem>>, vector<10000x128xf32>
    %get3A_2 = arith.constant 0 : index
    %get3A_3 = arith.constant 0 : index
    %get3A_4 = vector.load %arg1[%get3A_2, %get3A_3] : memref<128x128xf32, #tpu.memory_space<vmem>>, vector<128x128xf32>
    %dot_general3A = arith.constant dense<0.000000e+00> : vector<10000x128xf32>
    %dot_general3A_5 = tpu.matmul %get3A_1, %get3A_4, %dot_general3A {dimension_numbers = #tpu.dot_dimension_numbers<[1], [0], [0], [1], [0, 0, 1, 1], [], []>, transpose_lhs_hint = false} : vector<10000x128xf32>, vector<128x128xf32>, vector<10000x128xf32> -> vector<10000x128xf32>
    %swap3A = arith.constant 0 : index
    %swap3A_6 = arith.constant 0 : index
    %swap3A_7 = vector.load %arg2[%swap3A, %swap3A_6] : memref<10000x128xf32, #tpu.memory_space<vmem>>, vector<10000x128xf32>
    tpu.vector_store %arg2[%swap3A, %swap3A_6], %dot_general3A_5 {strides = array<i32>} : memref<10000x128xf32, #tpu.memory_space<vmem>>, vector<10000x128xf32>,
    return
  }
}

module attributes {stable_mosaic.version = 14 : i64} {
  func.func @_tc1_body(%arg0: memref<10000x128xf32, #tpu.memory_space<vmem>>, %arg1: memref<2x2x10240xf32, #tpu.memory_space<vmem>>, %arg2: memref<10000x128xf32, #tpu.memory_space<vmem>>, %arg3: memref<10000x128xf32, #tpu.memory_space<vmem>>) attributes {dimension_semantics = [], scalar_prefetch = 0 : i64, scratch_operands = 0 : i64, tpu.core_type = #tpu.core_type<tc>} {
    %get3A = arith.constant 0 : index
    %get3A_0 = arith.constant 0 : index
    %get3A_1 = vector.load %arg0[%get3A, %get3A_0] : memref<10000x128xf32, #tpu.memory_space<vmem>>, vector<10000x128xf32>
    %get3A_2 = arith.constant 0 : index
    %get3A_3 = arith.constant 0 : index
    %get3A_4 = arith.constant 0 : index
    %get3A_5 = vector.load %arg1[%get3A_2, %get3A_3, %get3A_4] : memref<2x2x10240xf32, #tpu.memory_space<vmem>>, vector<2x2x10240xf32>
    %slice3A = vector.extract_strided_slice %get3A_5 {offsets = [0, 0, 0], sizes = [1, 2, 10240], strides = [1, 1, 1]} : vector<2x2x10240xf32> to vector<1x2x10240xf32>
    %squeeze3A = vector.shape_cast %slice3A : vector<1x2x10240xf32> to vector<2x10240xf32>
    %slice3A_6 = vector.extract_strided_slice %get3A_5 {offsets = [1, 0, 0], sizes = [1, 2, 10240], strides = [1, 1, 1]} : vector<2x2x10240xf32> to vector<1x2x10240xf32>
    %squeeze3A_7 = vector.shape_cast %slice3A_6 : vector<1x2x10240xf32> to vector<2x10240xf32>
    %add3A = arith.addf %squeeze3A, %squeeze3A_7 : vector<2x10240xf32>
    %slice3A_8 = vector.extract_strided_slice %add3A {offsets = [0, 0], sizes = [1, 10000], strides = [1, 1]} : vector<2x10240xf32> to vector<1x10000xf32>
    %squeeze3A_9 = vector.shape_cast %slice3A_8 : vector<1x10000xf32> to vector<10000xf32>
    %add3A_10 = arith.constant 1.000000e+00 : f32
    %add3A_11 = vector.broadcast %add3A_10 : f32 to vector<10000xf32>
    %add3A_12 = arith.addf %squeeze3A_9, %add3A_11 : vector<10000xf32>
    %rsqrt3A = math.rsqrt %add3A_12 : vector<10000xf32>
    %broadcast_in_dim3A = vector.shape_cast %rsqrt3A : vector<10000xf32> to vector<10000x1xf32>
    %slice3A_13 = vector.extract_strided_slice %add3A {offsets = [1, 0], sizes = [1, 10000], strides = [1, 1]} : vector<2x10240xf32> to vector<1x10000xf32>
    %squeeze3A_14 = vector.shape_cast %slice3A_13 : vector<1x10000xf32> to vector<10000xf32>
    %add3A_15 = arith.constant 1.000000e+00 : f32
    %add3A_16 = vector.broadcast %add3A_15 : f32 to vector<10000xf32>
    %add3A_17 = arith.addf %squeeze3A_14, %add3A_16 : vector<10000xf32>
    %rsqrt3A_18 = math.rsqrt %add3A_17 : vector<10000xf32>
    %broadcast_in_dim3A_19 = vector.shape_cast %rsqrt3A_18 : vector<10000xf32> to vector<10000x1xf32>
    %mul3A = vector.broadcast %broadcast_in_dim3A : vector<10000x1xf32> to vector<10000x128xf32>
    %mul3A_20 = arith.mulf %get3A_1, %mul3A : vector<10000x128xf32>
    %swap3A = arith.constant 0 : index
    %swap3A_21 = arith.constant 0 : index
    %swap3A_22 = vector.load %arg2[%swap3A, %swap3A_21] : memref<10000x128xf32, #tpu.memory_space<vmem>>, vector<10000x128xf32>
    tpu.vector_store %arg2[%swap3A, %swap3A_21], %mul3A_20 {strides = array<i32>} : memref<10000x128xf32, #tpu.memory_space<vmem>>, vector<10000x128xf32>,
    %mul3A_23 = vector.broadcast %broadcast_in_dim3A_19 : vector<10000x1xf32> to vector<10000x128xf32>
    %mul3A_24 = arith.mulf %get3A_1, %mul3A_23 : vector<10000x128xf32>
    %swap3A_25 = arith.constant 0 : index
    %swap3A_26 = arith.constant 0 : index
    %swap3A_27 = vector.load %arg3[%swap3A_25, %swap3A_26] : memref<10000x128xf32, #tpu.memory_space<vmem>>, vector<10000x128xf32>
    tpu.vector_store %arg3[%swap3A_25, %swap3A_26], %mul3A_24 {strides = array<i32>} : memref<10000x128xf32, #tpu.memory_space<vmem>>, vector<10000x128xf32>,
    return
  }
}

module attributes {stable_mosaic.version = 14 : i64} {
  func.func @_tc2a_body(%arg0: memref<2x10112x128xf32, #tpu.memory_space<vmem>>, %arg1: memref<10000x128xf32, #tpu.memory_space<vmem>>, %arg2: memref<2x2x10240xf32, #tpu.memory_space<vmem>>, %arg3: memref<128xf32, #tpu.memory_space<vmem>>, %arg4: memref<128x128xf32, #tpu.memory_space<vmem>>, %arg5: memref<128xf32, #tpu.memory_space<vmem>>, %arg6: memref<128xf32, #tpu.memory_space<vmem>>, %arg7: memref<128xf32, #tpu.memory_space<vmem>>, %arg8: memref<10000x128xf32, #tpu.memory_space<vmem>>) attributes {dimension_semantics = [], scalar_prefetch = 0 : i64, scratch_operands = 0 : i64, tpu.core_type = #tpu.core_type<tc>} {
    %get3A = arith.constant 0 : index
    %get3A_0 = arith.constant 0 : index
    %get3A_1 = arith.constant 0 : index
    %get3A_2 = vector.load %arg2[%get3A, %get3A_0, %get3A_1] : memref<2x2x10240xf32, #tpu.memory_space<vmem>>, vector<2x2x10240xf32>
    %slice3A = vector.extract_strided_slice %get3A_2 {offsets = [0, 0, 0], sizes = [1, 2, 10240], strides = [1, 1, 1]} : vector<2x2x10240xf32> to vector<1x2x10240xf32>
    %squeeze3A = vector.shape_cast %slice3A : vector<1x2x10240xf32> to vector<2x10240xf32>
    %slice3A_3 = vector.extract_strided_slice %get3A_2 {offsets = [1, 0, 0], sizes = [1, 2, 10240], strides = [1, 1, 1]} : vector<2x2x10240xf32> to vector<1x2x10240xf32>
    %squeeze3A_4 = vector.shape_cast %slice3A_3 : vector<1x2x10240xf32> to vector<2x10240xf32>
    %add3A = arith.addf %squeeze3A, %squeeze3A_4 : vector<2x10240xf32>
    %slice3A_5 = vector.extract_strided_slice %add3A {offsets = [1, 0], sizes = [1, 10000], strides = [1, 1]} : vector<2x10240xf32> to vector<1x10000xf32>
    %squeeze3A_6 = vector.shape_cast %slice3A_5 : vector<1x10000xf32> to vector<10000xf32>
    %add3A_7 = arith.constant 1.000000e+00 : f32
    %add3A_8 = vector.broadcast %add3A_7 : f32 to vector<10000xf32>
    %add3A_9 = arith.addf %squeeze3A_6, %add3A_8 : vector<10000xf32>
    %rsqrt3A = math.rsqrt %add3A_9 : vector<10000xf32>
    %broadcast_in_dim3A = vector.shape_cast %rsqrt3A : vector<10000xf32> to vector<10000x1xf32>
    %get3A_10 = arith.constant 0 : index
    %get3A_11 = arith.constant 0 : index
    %get3A_12 = arith.constant 0 : index
    %get3A_13 = vector.load %arg0[%get3A_10, %get3A_11, %get3A_12] : memref<2x10112x128xf32, #tpu.memory_space<vmem>>, vector<1x10000x128xf32>
    %get3A_14 = vector.shape_cast %get3A_13 : vector<1x10000x128xf32> to vector<10000x128xf32>
    %get3A_15 = arith.constant 1 : index
    %get3A_16 = arith.constant 0 : index
    %get3A_17 = arith.constant 0 : index
    %get3A_18 = vector.load %arg0[%get3A_15, %get3A_16, %get3A_17] : memref<2x10112x128xf32, #tpu.memory_space<vmem>>, vector<1x10000x128xf32>
    %get3A_19 = vector.shape_cast %get3A_18 : vector<1x10000x128xf32> to vector<10000x128xf32>
    %add3A_20 = arith.addf %get3A_14, %get3A_19 : vector<10000x128xf32>
    %get3A_21 = arith.constant 0 : index
    %get3A_22 = arith.constant 0 : index
    %get3A_23 = vector.load %arg1[%get3A_21, %get3A_22] : memref<10000x128xf32, #tpu.memory_space<vmem>>, vector<10000x128xf32>
    %add3A_24 = arith.addf %add3A_20, %get3A_23 : vector<10000x128xf32>
    %mul3A = vector.broadcast %broadcast_in_dim3A : vector<10000x1xf32> to vector<10000x128xf32>
    %mul3A_25 = arith.mulf %add3A_24, %mul3A : vector<10000x128xf32>
    %get3A_26 = arith.constant 0 : index
    %get3A_27 = vector.load %arg3[%get3A_26] : memref<128xf32, #tpu.memory_space<vmem>>, vector<128xf32>
    %broadcast_in_dim3A_28 = vector.shape_cast %get3A_27 : vector<128xf32> to vector<1x128xf32>
    %add3A_29 = vector.broadcast %broadcast_in_dim3A_28 : vector<1x128xf32> to vector<10000x128xf32>
    %add3A_30 = arith.addf %mul3A_25, %add3A_29 : vector<10000x128xf32>
    %get3A_31 = arith.constant 0 : index
    %get3A_32 = arith.constant 0 : index
    %get3A_33 = vector.load %arg4[%get3A_31, %get3A_32] : memref<128x128xf32, #tpu.memory_space<vmem>>, vector<128x128xf32>
    %dot_general3A = arith.constant dense<0.000000e+00> : vector<10000x128xf32>
    %dot_general3A_34 = tpu.matmul %add3A_30, %get3A_33, %dot_general3A {dimension_numbers = #tpu.dot_dimension_numbers<[1], [0], [0], [1], [0, 0, 1, 1], [], []>, transpose_lhs_hint = false} : vector<10000x128xf32>, vector<128x128xf32>, vector<10000x128xf32> -> vector<10000x128xf32>
    %get3A_35 = arith.constant 0 : index
    %get3A_36 = vector.load %arg5[%get3A_35] : memref<128xf32, #tpu.memory_space<vmem>>, vector<128xf32>
    %broadcast_in_dim3A_37 = vector.shape_cast %get3A_36 : vector<128xf32> to vector<1x128xf32>
    %add3A_38 = vector.broadcast %broadcast_in_dim3A_37 : vector<1x128xf32> to vector<10000x128xf32>
    %add3A_39 = arith.addf %dot_general3A_34, %add3A_38 : vector<10000x128xf32>
    %get3A_40 = arith.constant 0 : index
    %get3A_41 = vector.load %arg6[%get3A_40] : memref<128xf32, #tpu.memory_space<vmem>>, vector<128xf32>
    %get3A_42 = arith.constant 0 : index
    %get3A_43 = vector.load %arg7[%get3A_42] : memref<128xf32, #tpu.memory_space<vmem>>, vector<128xf32>
    %reduce_sum3A = arith.constant dense<0.000000e+00> : vector<128xf32>
    %reduce_sum3A_44 = vector.multi_reduction <add>, %add3A_39, %reduce_sum3A [0] : vector<10000x128xf32> to vector<128xf32>
    %div3A = arith.constant 1.000000e+04 : f32
    %div3A_45 = vector.broadcast %div3A : f32 to vector<128xf32>
    %div3A_46 = arith.divf %reduce_sum3A_44, %div3A_45 : vector<128xf32>
    %broadcast_in_dim3A_47 = vector.shape_cast %div3A_46 : vector<128xf32> to vector<1x128xf32>
    %sub3A = vector.broadcast %broadcast_in_dim3A_47 : vector<1x128xf32> to vector<10000x128xf32>
    %sub3A_48 = arith.subf %add3A_39, %sub3A : vector<10000x128xf32>
    %integer_pow3A = arith.mulf %sub3A_48, %sub3A_48 : vector<10000x128xf32>
    %reduce_sum3A_49 = arith.constant dense<0.000000e+00> : vector<128xf32>
    %reduce_sum3A_50 = vector.multi_reduction <add>, %integer_pow3A, %reduce_sum3A_49 [0] : vector<10000x128xf32> to vector<128xf32>
    %div3A_51 = arith.constant 1.000000e+04 : f32
    %div3A_52 = vector.broadcast %div3A_51 : f32 to vector<128xf32>
    %div3A_53 = arith.divf %reduce_sum3A_50, %div3A_52 : vector<128xf32>
    %broadcast_in_dim3A_54 = vector.shape_cast %div3A_46 : vector<128xf32> to vector<1x128xf32>
    %sub3A_55 = vector.broadcast %broadcast_in_dim3A_54 : vector<1x128xf32> to vector<10000x128xf32>
    %sub3A_56 = arith.subf %add3A_39, %sub3A_55 : vector<10000x128xf32>
    %add3A_57 = arith.constant 9.99999974E-6 : f32
    %add3A_58 = vector.broadcast %add3A_57 : f32 to vector<128xf32>
    %add3A_59 = arith.addf %div3A_53, %add3A_58 : vector<128xf32>
    %sqrt3A = math.sqrt %add3A_59 : vector<128xf32>
    %broadcast_in_dim3A_60 = vector.shape_cast %sqrt3A : vector<128xf32> to vector<1x128xf32>
    %div3A_61 = vector.broadcast %broadcast_in_dim3A_60 : vector<1x128xf32> to vector<10000x128xf32>
    %div3A_62 = arith.divf %sub3A_56, %div3A_61 : vector<10000x128xf32>
    %broadcast_in_dim3A_63 = vector.shape_cast %get3A_41 : vector<128xf32> to vector<1x128xf32>
    %mul3A_64 = vector.broadcast %broadcast_in_dim3A_63 : vector<1x128xf32> to vector<10000x128xf32>
    %mul3A_65 = arith.mulf %div3A_62, %mul3A_64 : vector<10000x128xf32>
    %broadcast_in_dim3A_66 = vector.shape_cast %get3A_43 : vector<128xf32> to vector<1x128xf32>
    %add3A_67 = vector.broadcast %broadcast_in_dim3A_66 : vector<1x128xf32> to vector<10000x128xf32>
    %add3A_68 = arith.addf %mul3A_65, %add3A_67 : vector<10000x128xf32>
    %swap3A = arith.constant 0 : index
    %swap3A_69 = arith.constant 0 : index
    %swap3A_70 = vector.load %arg8[%swap3A, %swap3A_69] : memref<10000x128xf32, #tpu.memory_space<vmem>>, vector<10000x128xf32>
    tpu.vector_store %arg8[%swap3A, %swap3A_69], %add3A_68 {strides = array<i32>} : memref<10000x128xf32, #tpu.memory_space<vmem>>, vector<10000x128xf32>,
    return
  }
}

module attributes {stable_mosaic.version = 14 : i64} {
  func.func @_tc2b_body(%arg0: memref<2x10112x128xf32, #tpu.memory_space<vmem>>, %arg1: memref<10000x128xf32, #tpu.memory_space<vmem>>, %arg2: memref<10000x128xf32, #tpu.memory_space<vmem>>, %arg3: memref<2x2x10240xf32, #tpu.memory_space<vmem>>, %arg4: memref<128xf32, #tpu.memory_space<vmem>>, %arg5: memref<128xf32, #tpu.memory_space<vmem>>, %arg6: memref<128xf32, #tpu.memory_space<vmem>>, %arg7: memref<128x128xf32, #tpu.memory_space<vmem>>, %arg8: memref<10000x128xf32, #tpu.memory_space<vmem>>) attributes {dimension_semantics = [], scalar_prefetch = 0 : i64, scratch_operands = 0 : i64, tpu.core_type = #tpu.core_type<tc>} {
    %get3A = arith.constant 0 : index
    %get3A_0 = arith.constant 0 : index
    %get3A_1 = arith.constant 0 : index
    %get3A_2 = vector.load %arg3[%get3A, %get3A_0, %get3A_1] : memref<2x2x10240xf32, #tpu.memory_space<vmem>>, vector<2x2x10240xf32>
    %slice3A = vector.extract_strided_slice %get3A_2 {offsets = [0, 0, 0], sizes = [1, 2, 10240], strides = [1, 1, 1]} : vector<2x2x10240xf32> to vector<1x2x10240xf32>
    %squeeze3A = vector.shape_cast %slice3A : vector<1x2x10240xf32> to vector<2x10240xf32>
    %slice3A_3 = vector.extract_strided_slice %get3A_2 {offsets = [1, 0, 0], sizes = [1, 2, 10240], strides = [1, 1, 1]} : vector<2x2x10240xf32> to vector<1x2x10240xf32>
    %squeeze3A_4 = vector.shape_cast %slice3A_3 : vector<1x2x10240xf32> to vector<2x10240xf32>
    %add3A = arith.addf %squeeze3A, %squeeze3A_4 : vector<2x10240xf32>
    %slice3A_5 = vector.extract_strided_slice %add3A {offsets = [0, 0], sizes = [1, 10000], strides = [1, 1]} : vector<2x10240xf32> to vector<1x10000xf32>
    %squeeze3A_6 = vector.shape_cast %slice3A_5 : vector<1x10000xf32> to vector<10000xf32>
    %add3A_7 = arith.constant 1.000000e+00 : f32
    %add3A_8 = vector.broadcast %add3A_7 : f32 to vector<10000xf32>
    %add3A_9 = arith.addf %squeeze3A_6, %add3A_8 : vector<10000xf32>
    %rsqrt3A = math.rsqrt %add3A_9 : vector<10000xf32>
    %broadcast_in_dim3A = vector.shape_cast %rsqrt3A : vector<10000xf32> to vector<10000x1xf32>
    %get3A_10 = arith.constant 0 : index
    %get3A_11 = arith.constant 0 : index
    %get3A_12 = arith.constant 0 : index
    %get3A_13 = vector.load %arg0[%get3A_10, %get3A_11, %get3A_12] : memref<2x10112x128xf32, #tpu.memory_space<vmem>>, vector<1x10000x128xf32>
    %get3A_14 = vector.shape_cast %get3A_13 : vector<1x10000x128xf32> to vector<10000x128xf32>
    %get3A_15 = arith.constant 1 : index
    %get3A_16 = arith.constant 0 : index
    %get3A_17 = arith.constant 0 : index
    %get3A_18 = vector.load %arg0[%get3A_15, %get3A_16, %get3A_17] : memref<2x10112x128xf32, #tpu.memory_space<vmem>>, vector<1x10000x128xf32>
    %get3A_19 = vector.shape_cast %get3A_18 : vector<1x10000x128xf32> to vector<10000x128xf32>
    %add3A_20 = arith.addf %get3A_14, %get3A_19 : vector<10000x128xf32>
    %get3A_21 = arith.constant 0 : index
    %get3A_22 = arith.constant 0 : index
    %get3A_23 = vector.load %arg1[%get3A_21, %get3A_22] : memref<10000x128xf32, #tpu.memory_space<vmem>>, vector<10000x128xf32>
    %add3A_24 = arith.addf %add3A_20, %get3A_23 : vector<10000x128xf32>
    %mul3A = vector.broadcast %broadcast_in_dim3A : vector<10000x1xf32> to vector<10000x128xf32>
    %mul3A_25 = arith.mulf %add3A_24, %mul3A : vector<10000x128xf32>
    %get3A_26 = arith.constant 0 : index
    %get3A_27 = vector.load %arg4[%get3A_26] : memref<128xf32, #tpu.memory_space<vmem>>, vector<128xf32>
    %broadcast_in_dim3A_28 = vector.shape_cast %get3A_27 : vector<128xf32> to vector<1x128xf32>
    %add3A_29 = vector.broadcast %broadcast_in_dim3A_28 : vector<1x128xf32> to vector<10000x128xf32>
    %add3A_30 = arith.addf %mul3A_25, %add3A_29 : vector<10000x128xf32>
    %get3A_31 = arith.constant 0 : index
    %get3A_32 = arith.constant 0 : index
    %get3A_33 = vector.load %arg2[%get3A_31, %get3A_32] : memref<10000x128xf32, #tpu.memory_space<vmem>>, vector<10000x128xf32>
    %add3A_34 = arith.addf %add3A_30, %get3A_33 : vector<10000x128xf32>
    %get3A_35 = arith.constant 0 : index
    %get3A_36 = vector.load %arg5[%get3A_35] : memref<128xf32, #tpu.memory_space<vmem>>, vector<128xf32>
    %get3A_37 = arith.constant 0 : index
    %get3A_38 = vector.load %arg6[%get3A_37] : memref<128xf32, #tpu.memory_space<vmem>>, vector<128xf32>
    %reduce_sum3A = arith.constant dense<0.000000e+00> : vector<128xf32>
    %reduce_sum3A_39 = vector.multi_reduction <add>, %add3A_34, %reduce_sum3A [0] : vector<10000x128xf32> to vector<128xf32>
    %div3A = arith.constant 1.000000e+04 : f32
    %div3A_40 = vector.broadcast %div3A : f32 to vector<128xf32>
    %div3A_41 = arith.divf %reduce_sum3A_39, %div3A_40 : vector<128xf32>
    %broadcast_in_dim3A_42 = vector.shape_cast %div3A_41 : vector<128xf32> to vector<1x128xf32>
    %sub3A = vector.broadcast %broadcast_in_dim3A_42 : vector<1x128xf32> to vector<10000x128xf32>
    %sub3A_43 = arith.subf %add3A_34, %sub3A : vector<10000x128xf32>
    %integer_pow3A = arith.mulf %sub3A_43, %sub3A_43 : vector<10000x128xf32>
    %reduce_sum3A_44 = arith.constant dense<0.000000e+00> : vector<128xf32>
    %reduce_sum3A_45 = vector.multi_reduction <add>, %integer_pow3A, %reduce_sum3A_44 [0] : vector<10000x128xf32> to vector<128xf32>
    %div3A_46 = arith.constant 1.000000e+04 : f32
    %div3A_47 = vector.broadcast %div3A_46 : f32 to vector<128xf32>
    %div3A_48 = arith.divf %reduce_sum3A_45, %div3A_47 : vector<128xf32>
    %broadcast_in_dim3A_49 = vector.shape_cast %div3A_41 : vector<128xf32> to vector<1x128xf32>
    %sub3A_50 = vector.broadcast %broadcast_in_dim3A_49 : vector<1x128xf32> to vector<10000x128xf32>
    %sub3A_51 = arith.subf %add3A_34, %sub3A_50 : vector<10000x128xf32>
    %add3A_52 = arith.constant 9.99999974E-6 : f32
    %add3A_53 = vector.broadcast %add3A_52 : f32 to vector<128xf32>
    %add3A_54 = arith.addf %div3A_48, %add3A_53 : vector<128xf32>
    %sqrt3A = math.sqrt %add3A_54 : vector<128xf32>
    %broadcast_in_dim3A_55 = vector.shape_cast %sqrt3A : vector<128xf32> to vector<1x128xf32>
    %div3A_56 = vector.broadcast %broadcast_in_dim3A_55 : vector<1x128xf32> to vector<10000x128xf32>
    %div3A_57 = arith.divf %sub3A_51, %div3A_56 : vector<10000x128xf32>
    %broadcast_in_dim3A_58 = vector.shape_cast %get3A_36 : vector<128xf32> to vector<1x128xf32>
    %mul3A_59 = vector.broadcast %broadcast_in_dim3A_58 : vector<1x128xf32> to vector<10000x128xf32>
    %mul3A_60 = arith.mulf %div3A_57, %mul3A_59 : vector<10000x128xf32>
    %broadcast_in_dim3A_61 = vector.shape_cast %get3A_38 : vector<128xf32> to vector<1x128xf32>
    %add3A_62 = vector.broadcast %broadcast_in_dim3A_61 : vector<1x128xf32> to vector<10000x128xf32>
    %add3A_63 = arith.addf %mul3A_60, %add3A_62 : vector<10000x128xf32>
    %ge3A = arith.constant 0.000000e+00 : f32
    %ge3A_64 = vector.broadcast %ge3A : f32 to vector<10000x128xf32>
    %ge3A_65 = arith.cmpf oge, %add3A_63, %ge3A_64 : vector<10000x128xf32>
    %mul3A_66 = arith.constant 1.000000e-01 : f32
    %mul3A_67 = vector.broadcast %mul3A_66 : f32 to vector<10000x128xf32>
    %mul3A_68 = arith.mulf %mul3A_67, %add3A_63 : vector<10000x128xf32>
    %select_n3A = arith.select %ge3A_65, %add3A_63, %mul3A_68 : vector<10000x128xi1>, vector<10000x128xf32>
    %get3A_69 = arith.constant 0 : index
    %get3A_70 = arith.constant 0 : index
    %get3A_71 = vector.load %arg7[%get3A_69, %get3A_70] : memref<128x128xf32, #tpu.memory_space<vmem>>, vector<128x128xf32>
    %dot_general3A = arith.constant dense<0.000000e+00> : vector<10000x128xf32>
    %dot_general3A_72 = tpu.matmul %select_n3A, %get3A_71, %dot_general3A {dimension_numbers = #tpu.dot_dimension_numbers<[1], [0], [0], [1], [0, 0, 1, 1], [], []>, transpose_lhs_hint = false} : vector<10000x128xf32>, vector<128x128xf32>, vector<10000x128xf32> -> vector<10000x128xf32>
    %mul3A_73 = vector.broadcast %broadcast_in_dim3A : vector<10000x1xf32> to vector<10000x128xf32>
    %mul3A_74 = arith.mulf %dot_general3A_72, %mul3A_73 : vector<10000x128xf32>
    %swap3A = arith.constant 0 : index
    %swap3A_75 = arith.constant 0 : index
    %swap3A_76 = vector.load %arg8[%swap3A, %swap3A_75] : memref<10000x128xf32, #tpu.memory_space<vmem>>, vector<10000x128xf32>
    tpu.vector_store %arg8[%swap3A, %swap3A_75], %mul3A_74 {strides = array<i32>} : memref<10000x128xf32, #tpu.memory_space<vmem>>, vector<10000x128xf32>,
    return
  }
}

module attributes {stable_mosaic.version = 14 : i64} {
  func.func @_tc3_body(%arg0: memref<2x10112x128xf32, #tpu.memory_space<vmem>>, %arg1: memref<10000x128xf32, #tpu.memory_space<vmem>>, %arg2: memref<2x2x10240xf32, #tpu.memory_space<vmem>>, %arg3: memref<128xf32, #tpu.memory_space<vmem>>, %arg4: memref<128xf32, #tpu.memory_space<vmem>>, %arg5: memref<128xf32, #tpu.memory_space<vmem>>, %arg6: memref<1x1xf32, #tpu.memory_space<vmem>>, %arg7: memref<1x1xf32, #tpu.memory_space<vmem>>, %arg8: memref<128x10xf32, #tpu.memory_space<vmem>>, %arg9: memref<10xf32, #tpu.memory_space<vmem>>, %arg10: memref<8x10xf32, #tpu.memory_space<vmem>>, %arg11: memref<1x8xi32, #tpu.memory_space<vmem>>) attributes {dimension_semantics = [], scalar_prefetch = 0 : i64, scratch_operands = 0 : i64, tpu.core_type = #tpu.core_type<tc>} {
    %get3A = arith.constant 0 : index
    %get3A_0 = arith.constant 0 : index
    %get3A_1 = arith.constant 0 : index
    %get3A_2 = vector.load %arg2[%get3A, %get3A_0, %get3A_1] : memref<2x2x10240xf32, #tpu.memory_space<vmem>>, vector<2x2x10240xf32>
    %slice3A = vector.extract_strided_slice %get3A_2 {offsets = [0, 0, 0], sizes = [1, 2, 10240], strides = [1, 1, 1]} : vector<2x2x10240xf32> to vector<1x2x10240xf32>
    %squeeze3A = vector.shape_cast %slice3A : vector<1x2x10240xf32> to vector<2x10240xf32>
    %slice3A_3 = vector.extract_strided_slice %get3A_2 {offsets = [1, 0, 0], sizes = [1, 2, 10240], strides = [1, 1, 1]} : vector<2x2x10240xf32> to vector<1x2x10240xf32>
    %squeeze3A_4 = vector.shape_cast %slice3A_3 : vector<1x2x10240xf32> to vector<2x10240xf32>
    %add3A = arith.addf %squeeze3A, %squeeze3A_4 : vector<2x10240xf32>
    %slice3A_5 = vector.extract_strided_slice %add3A {offsets = [0, 0], sizes = [1, 10000], strides = [1, 1]} : vector<2x10240xf32> to vector<1x10000xf32>
    %squeeze3A_6 = vector.shape_cast %slice3A_5 : vector<1x10000xf32> to vector<10000xf32>
    %add3A_7 = arith.constant 1.000000e+00 : f32
    %add3A_8 = vector.broadcast %add3A_7 : f32 to vector<10000xf32>
    %add3A_9 = arith.addf %squeeze3A_6, %add3A_8 : vector<10000xf32>
    %rsqrt3A = math.rsqrt %add3A_9 : vector<10000xf32>
    %broadcast_in_dim3A = vector.shape_cast %rsqrt3A : vector<10000xf32> to vector<10000x1xf32>
    %get3A_10 = arith.constant 0 : index
    %get3A_11 = arith.constant 0 : index
    %get3A_12 = arith.constant 0 : index
    %get3A_13 = vector.load %arg0[%get3A_10, %get3A_11, %get3A_12] : memref<2x10112x128xf32, #tpu.memory_space<vmem>>, vector<1x10000x128xf32>
    %get3A_14 = vector.shape_cast %get3A_13 : vector<1x10000x128xf32> to vector<10000x128xf32>
    %get3A_15 = arith.constant 1 : index
    %get3A_16 = arith.constant 0 : index
    %get3A_17 = arith.constant 0 : index
    %get3A_18 = vector.load %arg0[%get3A_15, %get3A_16, %get3A_17] : memref<2x10112x128xf32, #tpu.memory_space<vmem>>, vector<1x10000x128xf32>
    %get3A_19 = vector.shape_cast %get3A_18 : vector<1x10000x128xf32> to vector<10000x128xf32>
    %add3A_20 = arith.addf %get3A_14, %get3A_19 : vector<10000x128xf32>
    %get3A_21 = arith.constant 0 : index
    %get3A_22 = arith.constant 0 : index
    %get3A_23 = vector.load %arg1[%get3A_21, %get3A_22] : memref<10000x128xf32, #tpu.memory_space<vmem>>, vector<10000x128xf32>
    %add3A_24 = arith.addf %add3A_20, %get3A_23 : vector<10000x128xf32>
    %mul3A = vector.broadcast %broadcast_in_dim3A : vector<10000x1xf32> to vector<10000x128xf32>
    %mul3A_25 = arith.mulf %add3A_24, %mul3A : vector<10000x128xf32>
    %get3A_26 = arith.constant 0 : index
    %get3A_27 = vector.load %arg3[%get3A_26] : memref<128xf32, #tpu.memory_space<vmem>>, vector<128xf32>
    %broadcast_in_dim3A_28 = vector.shape_cast %get3A_27 : vector<128xf32> to vector<1x128xf32>
    %add3A_29 = vector.broadcast %broadcast_in_dim3A_28 : vector<1x128xf32> to vector<10000x128xf32>
    %add3A_30 = arith.addf %mul3A_25, %add3A_29 : vector<10000x128xf32>
    %get3A_31 = arith.constant 0 : index
    %get3A_32 = vector.load %arg4[%get3A_31] : memref<128xf32, #tpu.memory_space<vmem>>, vector<128xf32>
    %get3A_33 = arith.constant 0 : index
    %get3A_34 = vector.load %arg5[%get3A_33] : memref<128xf32, #tpu.memory_space<vmem>>, vector<128xf32>
    %reduce_sum3A = arith.constant dense<0.000000e+00> : vector<128xf32>
    %reduce_sum3A_35 = vector.multi_reduction <add>, %add3A_30, %reduce_sum3A [0] : vector<10000x128xf32> to vector<128xf32>
    %div3A = arith.constant 1.000000e+04 : f32
    %div3A_36 = vector.broadcast %div3A : f32 to vector<128xf32>
    %div3A_37 = arith.divf %reduce_sum3A_35, %div3A_36 : vector<128xf32>
    %broadcast_in_dim3A_38 = vector.shape_cast %div3A_37 : vector<128xf32> to vector<1x128xf32>
    %sub3A = vector.broadcast %broadcast_in_dim3A_38 : vector<1x128xf32> to vector<10000x128xf32>
    %sub3A_39 = arith.subf %add3A_30, %sub3A : vector<10000x128xf32>
    %integer_pow3A = arith.mulf %sub3A_39, %sub3A_39 : vector<10000x128xf32>
    %reduce_sum3A_40 = arith.constant dense<0.000000e+00> : vector<128xf32>
    %reduce_sum3A_41 = vector.multi_reduction <add>, %integer_pow3A, %reduce_sum3A_40 [0] : vector<10000x128xf32> to vector<128xf32>
    %div3A_42 = arith.constant 1.000000e+04 : f32
    %div3A_43 = vector.broadcast %div3A_42 : f32 to vector<128xf32>
    %div3A_44 = arith.divf %reduce_sum3A_41, %div3A_43 : vector<128xf32>
    %broadcast_in_dim3A_45 = vector.shape_cast %div3A_37 : vector<128xf32> to vector<1x128xf32>
    %sub3A_46 = vector.broadcast %broadcast_in_dim3A_45 : vector<1x128xf32> to vector<10000x128xf32>
    %sub3A_47 = arith.subf %add3A_30, %sub3A_46 : vector<10000x128xf32>
    %add3A_48 = arith.constant 9.99999974E-6 : f32
    %add3A_49 = vector.broadcast %add3A_48 : f32 to vector<128xf32>
    %add3A_50 = arith.addf %div3A_44, %add3A_49 : vector<128xf32>
    %sqrt3A = math.sqrt %add3A_50 : vector<128xf32>
    %broadcast_in_dim3A_51 = vector.shape_cast %sqrt3A : vector<128xf32> to vector<1x128xf32>
    %div3A_52 = vector.broadcast %broadcast_in_dim3A_51 : vector<1x128xf32> to vector<10000x128xf32>
    %div3A_53 = arith.divf %sub3A_47, %div3A_52 : vector<10000x128xf32>
    %broadcast_in_dim3A_54 = vector.shape_cast %get3A_32 : vector<128xf32> to vector<1x128xf32>
    %mul3A_55 = vector.broadcast %broadcast_in_dim3A_54 : vector<1x128xf32> to vector<10000x128xf32>
    %mul3A_56 = arith.mulf %div3A_53, %mul3A_55 : vector<10000x128xf32>
    %broadcast_in_dim3A_57 = vector.shape_cast %get3A_34 : vector<128xf32> to vector<1x128xf32>
    %add3A_58 = vector.broadcast %broadcast_in_dim3A_57 : vector<1x128xf32> to vector<10000x128xf32>
    %add3A_59 = arith.addf %mul3A_56, %add3A_58 : vector<10000x128xf32>
    %ge3A = arith.constant 0.000000e+00 : f32
    %ge3A_60 = vector.broadcast %ge3A : f32 to vector<10000x128xf32>
    %ge3A_61 = arith.cmpf oge, %add3A_59, %ge3A_60 : vector<10000x128xf32>
    %mul3A_62 = arith.constant 1.000000e-01 : f32
    %mul3A_63 = vector.broadcast %mul3A_62 : f32 to vector<10000x128xf32>
    %mul3A_64 = arith.mulf %mul3A_63, %add3A_59 : vector<10000x128xf32>
    %select_n3A = arith.select %ge3A_61, %add3A_59, %mul3A_64 : vector<10000x128xi1>, vector<10000x128xf32>
    %get3A_65 = arith.constant 0 : index
    %get3A_66 = arith.constant 0 : index
    %get3A_67 = vector.load %arg7[%get3A_65, %get3A_66] : memref<1x1xf32, #tpu.memory_space<vmem>>, vector<1x1xf32>
    %get3A_68 = vector.extract %get3A_67[0, 0] : f32 from vector<1x1xf32>
    %add3A_69 = vector.broadcast %get3A_68 : f32 to vector<10000x128xf32>
    %add3A_70 = arith.addf %select_n3A, %add3A_69 : vector<10000x128xf32>
    %get3A_71 = arith.constant 0 : index
    %get3A_72 = arith.constant 0 : index
    %get3A_73 = vector.load %arg6[%get3A_71, %get3A_72] : memref<1x1xf32, #tpu.memory_space<vmem>>, vector<1x1xf32>
    %get3A_74 = vector.extract %get3A_73[0, 0] : f32 from vector<1x1xf32>
    %slice3A_75 = vector.extract_strided_slice %add3A_70 {offsets = [0, 0], sizes = [1250, 128], strides = [1, 1]} : vector<10000x128xf32> to vector<1250x128xf32>
    %jit3A = arith.constant 0.000000e+00 : f32
    %jit3A_76 = arith.constant 1.000000e+02 : f32
    %max3A = vector.broadcast %jit3A : f32 to vector<1250x128xf32>
    %max3A_77 = arith.maximumf %max3A, %slice3A_75 : vector<1250x128xf32>
    %min3A = vector.broadcast %jit3A_76 : f32 to vector<1250x128xf32>
    %min3A_78 = arith.minimumf %min3A, %max3A_77 : vector<1250x128xf32>
    %add3A_79 = arith.constant 9.99999996E-13 : f32
    %add3A_80 = vector.broadcast %add3A_79 : f32 to vector<1250x128xf32>
    %add3A_81 = arith.addf %min3A_78, %add3A_80 : vector<1250x128xf32>
    %log3A = math.log %add3A_81 : vector<1250x128xf32>
    %mul3A_82 = vector.broadcast %get3A_74 : f32 to vector<1250x128xf32>
    %mul3A_83 = arith.mulf %mul3A_82, %log3A : vector<1250x128xf32>
    %exp3A = math.exp %mul3A_83 : vector<1250x128xf32>
    %reduce_sum3A_84 = arith.constant dense<0.000000e+00> : vector<128xf32>
    %reduce_sum3A_85 = vector.multi_reduction <add>, %exp3A, %reduce_sum3A_84 [0] : vector<1250x128xf32> to vector<128xf32>
    %broadcast_in_dim3A_86 = vector.shape_cast %reduce_sum3A_85 : vector<128xf32> to vector<1x128xf32>
    %div3A_87 = arith.constant 1.250000e+03 : f32
    %div3A_88 = vector.broadcast %div3A_87 : f32 to vector<1x128xf32>
    %div3A_89 = arith.divf %broadcast_in_dim3A_86, %div3A_88 : vector<1x128xf32>
    %slice3A_90 = vector.extract_strided_slice %add3A_70 {offsets = [1250, 0], sizes = [1250, 128], strides = [1, 1]} : vector<10000x128xf32> to vector<1250x128xf32>
    %jit3A_91 = arith.constant 0.000000e+00 : f32
    %jit3A_92 = arith.constant 1.000000e+02 : f32
    %max3A_93 = vector.broadcast %jit3A_91 : f32 to vector<1250x128xf32>
    %max3A_94 = arith.maximumf %max3A_93, %slice3A_90 : vector<1250x128xf32>
    %min3A_95 = vector.broadcast %jit3A_92 : f32 to vector<1250x128xf32>
    %min3A_96 = arith.minimumf %min3A_95, %max3A_94 : vector<1250x128xf32>
    %add3A_97 = arith.constant 9.99999996E-13 : f32
    %add3A_98 = vector.broadcast %add3A_97 : f32 to vector<1250x128xf32>
    %add3A_99 = arith.addf %min3A_96, %add3A_98 : vector<1250x128xf32>
    %log3A_100 = math.log %add3A_99 : vector<1250x128xf32>
    %mul3A_101 = vector.broadcast %get3A_74 : f32 to vector<1250x128xf32>
    %mul3A_102 = arith.mulf %mul3A_101, %log3A_100 : vector<1250x128xf32>
    %exp3A_103 = math.exp %mul3A_102 : vector<1250x128xf32>
    %reduce_sum3A_104 = arith.constant dense<0.000000e+00> : vector<128xf32>
    %reduce_sum3A_105 = vector.multi_reduction <add>, %exp3A_103, %reduce_sum3A_104 [0] : vector<1250x128xf32> to vector<128xf32>
    %broadcast_in_dim3A_106 = vector.shape_cast %reduce_sum3A_105 : vector<128xf32> to vector<1x128xf32>
    %div3A_107 = arith.constant 1.250000e+03 : f32
    %div3A_108 = vector.broadcast %div3A_107 : f32 to vector<1x128xf32>
    %div3A_109 = arith.divf %broadcast_in_dim3A_106, %div3A_108 : vector<1x128xf32>
    %slice3A_110 = vector.extract_strided_slice %add3A_70 {offsets = [2500, 0], sizes = [1250, 128], strides = [1, 1]} : vector<10000x128xf32> to vector<1250x128xf32>
    %jit3A_111 = arith.constant 0.000000e+00 : f32
    %jit3A_112 = arith.constant 1.000000e+02 : f32
    %max3A_113 = vector.broadcast %jit3A_111 : f32 to vector<1250x128xf32>
    %max3A_114 = arith.maximumf %max3A_113, %slice3A_110 : vector<1250x128xf32>
    %min3A_115 = vector.broadcast %jit3A_112 : f32 to vector<1250x128xf32>
    %min3A_116 = arith.minimumf %min3A_115, %max3A_114 : vector<1250x128xf32>
    %add3A_117 = arith.constant 9.99999996E-13 : f32
    %add3A_118 = vector.broadcast %add3A_117 : f32 to vector<1250x128xf32>
    %add3A_119 = arith.addf %min3A_116, %add3A_118 : vector<1250x128xf32>
    %log3A_120 = math.log %add3A_119 : vector<1250x128xf32>
    %mul3A_121 = vector.broadcast %get3A_74 : f32 to vector<1250x128xf32>
    %mul3A_122 = arith.mulf %mul3A_121, %log3A_120 : vector<1250x128xf32>
    %exp3A_123 = math.exp %mul3A_122 : vector<1250x128xf32>
    %reduce_sum3A_124 = arith.constant dense<0.000000e+00> : vector<128xf32>
    %reduce_sum3A_125 = vector.multi_reduction <add>, %exp3A_123, %reduce_sum3A_124 [0] : vector<1250x128xf32> to vector<128xf32>
    %broadcast_in_dim3A_126 = vector.shape_cast %reduce_sum3A_125 : vector<128xf32> to vector<1x128xf32>
    %div3A_127 = arith.constant 1.250000e+03 : f32
    %div3A_128 = vector.broadcast %div3A_127 : f32 to vector<1x128xf32>
    %div3A_129 = arith.divf %broadcast_in_dim3A_126, %div3A_128 : vector<1x128xf32>
    %slice3A_130 = vector.extract_strided_slice %add3A_70 {offsets = [3750, 0], sizes = [1250, 128], strides = [1, 1]} : vector<10000x128xf32> to vector<1250x128xf32>
    %jit3A_131 = arith.constant 0.000000e+00 : f32
    %jit3A_132 = arith.constant 1.000000e+02 : f32
    %max3A_133 = vector.broadcast %jit3A_131 : f32 to vector<1250x128xf32>
    %max3A_134 = arith.maximumf %max3A_133, %slice3A_130 : vector<1250x128xf32>
    %min3A_135 = vector.broadcast %jit3A_132 : f32 to vector<1250x128xf32>
    %min3A_136 = arith.minimumf %min3A_135, %max3A_134 : vector<1250x128xf32>
    %add3A_137 = arith.constant 9.99999996E-13 : f32
    %add3A_138 = vector.broadcast %add3A_137 : f32 to vector<1250x128xf32>
    %add3A_139 = arith.addf %min3A_136, %add3A_138 : vector<1250x128xf32>
    %log3A_140 = math.log %add3A_139 : vector<1250x128xf32>
    %mul3A_141 = vector.broadcast %get3A_74 : f32 to vector<1250x128xf32>
    %mul3A_142 = arith.mulf %mul3A_141, %log3A_140 : vector<1250x128xf32>
    %exp3A_143 = math.exp %mul3A_142 : vector<1250x128xf32>
    %reduce_sum3A_144 = arith.constant dense<0.000000e+00> : vector<128xf32>
    %reduce_sum3A_145 = vector.multi_reduction <add>, %exp3A_143, %reduce_sum3A_144 [0] : vector<1250x128xf32> to vector<128xf32>
    %broadcast_in_dim3A_146 = vector.shape_cast %reduce_sum3A_145 : vector<128xf32> to vector<1x128xf32>
    %div3A_147 = arith.constant 1.250000e+03 : f32
    %div3A_148 = vector.broadcast %div3A_147 : f32 to vector<1x128xf32>
    %div3A_149 = arith.divf %broadcast_in_dim3A_146, %div3A_148 : vector<1x128xf32>
    %slice3A_150 = vector.extract_strided_slice %add3A_70 {offsets = [5000, 0], sizes = [1250, 128], strides = [1, 1]} : vector<10000x128xf32> to vector<1250x128xf32>
    %jit3A_151 = arith.constant 0.000000e+00 : f32
    %jit3A_152 = arith.constant 1.000000e+02 : f32
    %max3A_153 = vector.broadcast %jit3A_151 : f32 to vector<1250x128xf32>
    %max3A_154 = arith.maximumf %max3A_153, %slice3A_150 : vector<1250x128xf32>
    %min3A_155 = vector.broadcast %jit3A_152 : f32 to vector<1250x128xf32>
    %min3A_156 = arith.minimumf %min3A_155, %max3A_154 : vector<1250x128xf32>
    %add3A_157 = arith.constant 9.99999996E-13 : f32
    %add3A_158 = vector.broadcast %add3A_157 : f32 to vector<1250x128xf32>
    %add3A_159 = arith.addf %min3A_156, %add3A_158 : vector<1250x128xf32>
    %log3A_160 = math.log %add3A_159 : vector<1250x128xf32>
    %mul3A_161 = vector.broadcast %get3A_74 : f32 to vector<1250x128xf32>
    %mul3A_162 = arith.mulf %mul3A_161, %log3A_160 : vector<1250x128xf32>
    %exp3A_163 = math.exp %mul3A_162 : vector<1250x128xf32>
    %reduce_sum3A_164 = arith.constant dense<0.000000e+00> : vector<128xf32>
    %reduce_sum3A_165 = vector.multi_reduction <add>, %exp3A_163, %reduce_sum3A_164 [0] : vector<1250x128xf32> to vector<128xf32>
    %broadcast_in_dim3A_166 = vector.shape_cast %reduce_sum3A_165 : vector<128xf32> to vector<1x128xf32>
    %div3A_167 = arith.constant 1.250000e+03 : f32
    %div3A_168 = vector.broadcast %div3A_167 : f32 to vector<1x128xf32>
    %div3A_169 = arith.divf %broadcast_in_dim3A_166, %div3A_168 : vector<1x128xf32>
    %slice3A_170 = vector.extract_strided_slice %add3A_70 {offsets = [6250, 0], sizes = [1250, 128], strides = [1, 1]} : vector<10000x128xf32> to vector<1250x128xf32>
    %jit3A_171 = arith.constant 0.000000e+00 : f32
    %jit3A_172 = arith.constant 1.000000e+02 : f32
    %max3A_173 = vector.broadcast %jit3A_171 : f32 to vector<1250x128xf32>
    %max3A_174 = arith.maximumf %max3A_173, %slice3A_170 : vector<1250x128xf32>
    %min3A_175 = vector.broadcast %jit3A_172 : f32 to vector<1250x128xf32>
    %min3A_176 = arith.minimumf %min3A_175, %max3A_174 : vector<1250x128xf32>
    %add3A_177 = arith.constant 9.99999996E-13 : f32
    %add3A_178 = vector.broadcast %add3A_177 : f32 to vector<1250x128xf32>
    %add3A_179 = arith.addf %min3A_176, %add3A_178 : vector<1250x128xf32>
    %log3A_180 = math.log %add3A_179 : vector<1250x128xf32>
    %mul3A_181 = vector.broadcast %get3A_74 : f32 to vector<1250x128xf32>
    %mul3A_182 = arith.mulf %mul3A_181, %log3A_180 : vector<1250x128xf32>
    %exp3A_183 = math.exp %mul3A_182 : vector<1250x128xf32>
    %reduce_sum3A_184 = arith.constant dense<0.000000e+00> : vector<128xf32>
    %reduce_sum3A_185 = vector.multi_reduction <add>, %exp3A_183, %reduce_sum3A_184 [0] : vector<1250x128xf32> to vector<128xf32>
    %broadcast_in_dim3A_186 = vector.shape_cast %reduce_sum3A_185 : vector<128xf32> to vector<1x128xf32>
    %div3A_187 = arith.constant 1.250000e+03 : f32
    %div3A_188 = vector.broadcast %div3A_187 : f32 to vector<1x128xf32>
    %div3A_189 = arith.divf %broadcast_in_dim3A_186, %div3A_188 : vector<1x128xf32>
    %slice3A_190 = vector.extract_strided_slice %add3A_70 {offsets = [7500, 0], sizes = [1250, 128], strides = [1, 1]} : vector<10000x128xf32> to vector<1250x128xf32>
    %jit3A_191 = arith.constant 0.000000e+00 : f32
    %jit3A_192 = arith.constant 1.000000e+02 : f32
    %max3A_193 = vector.broadcast %jit3A_191 : f32 to vector<1250x128xf32>
    %max3A_194 = arith.maximumf %max3A_193, %slice3A_190 : vector<1250x128xf32>
    %min3A_195 = vector.broadcast %jit3A_192 : f32 to vector<1250x128xf32>
    %min3A_196 = arith.minimumf %min3A_195, %max3A_194 : vector<1250x128xf32>
    %add3A_197 = arith.constant 9.99999996E-13 : f32
    %add3A_198 = vector.broadcast %add3A_197 : f32 to vector<1250x128xf32>
    %add3A_199 = arith.addf %min3A_196, %add3A_198 : vector<1250x128xf32>
    %log3A_200 = math.log %add3A_199 : vector<1250x128xf32>
    %mul3A_201 = vector.broadcast %get3A_74 : f32 to vector<1250x128xf32>
    %mul3A_202 = arith.mulf %mul3A_201, %log3A_200 : vector<1250x128xf32>
    %exp3A_203 = math.exp %mul3A_202 : vector<1250x128xf32>
    %reduce_sum3A_204 = arith.constant dense<0.000000e+00> : vector<128xf32>
    %reduce_sum3A_205 = vector.multi_reduction <add>, %exp3A_203, %reduce_sum3A_204 [0] : vector<1250x128xf32> to vector<128xf32>
    %broadcast_in_dim3A_206 = vector.shape_cast %reduce_sum3A_205 : vector<128xf32> to vector<1x128xf32>
    %div3A_207 = arith.constant 1.250000e+03 : f32
    %div3A_208 = vector.broadcast %div3A_207 : f32 to vector<1x128xf32>
    %div3A_209 = arith.divf %broadcast_in_dim3A_206, %div3A_208 : vector<1x128xf32>
    %slice3A_210 = vector.extract_strided_slice %add3A_70 {offsets = [8750, 0], sizes = [1250, 128], strides = [1, 1]} : vector<10000x128xf32> to vector<1250x128xf32>
    %jit3A_211 = arith.constant 0.000000e+00 : f32
    %jit3A_212 = arith.constant 1.000000e+02 : f32
    %max3A_213 = vector.broadcast %jit3A_211 : f32 to vector<1250x128xf32>
    %max3A_214 = arith.maximumf %max3A_213, %slice3A_210 : vector<1250x128xf32>
    %min3A_215 = vector.broadcast %jit3A_212 : f32 to vector<1250x128xf32>
    %min3A_216 = arith.minimumf %min3A_215, %max3A_214 : vector<1250x128xf32>
    %add3A_217 = arith.constant 9.99999996E-13 : f32
    %add3A_218 = vector.broadcast %add3A_217 : f32 to vector<1250x128xf32>
    %add3A_219 = arith.addf %min3A_216, %add3A_218 : vector<1250x128xf32>
    %log3A_220 = math.log %add3A_219 : vector<1250x128xf32>
    %mul3A_221 = vector.broadcast %get3A_74 : f32 to vector<1250x128xf32>
    %mul3A_222 = arith.mulf %mul3A_221, %log3A_220 : vector<1250x128xf32>
    %exp3A_223 = math.exp %mul3A_222 : vector<1250x128xf32>
    %reduce_sum3A_224 = arith.constant dense<0.000000e+00> : vector<128xf32>
    %reduce_sum3A_225 = vector.multi_reduction <add>, %exp3A_223, %reduce_sum3A_224 [0] : vector<1250x128xf32> to vector<128xf32>
    %broadcast_in_dim3A_226 = vector.shape_cast %reduce_sum3A_225 : vector<128xf32> to vector<1x128xf32>
    %div3A_227 = arith.constant 1.250000e+03 : f32
    %div3A_228 = vector.broadcast %div3A_227 : f32 to vector<1x128xf32>
    %div3A_229 = arith.divf %broadcast_in_dim3A_226, %div3A_228 : vector<1x128xf32>
    %concatenate3A = tpu.concatenate %div3A_89, %div3A_109, %div3A_129, %div3A_149, %div3A_169, %div3A_189, %div3A_209, %div3A_229 in 0 : vector<1x128xf32>, vector<1x128xf32>, vector<1x128xf32>, vector<1x128xf32>, vector<1x128xf32>, vector<1x128xf32>, vector<1x128xf32>, vector<1x128xf32> -> vector<8x128xf32>
    %jit3A_230 = arith.constant 0.000000e+00 : f32
    %jit3A_231 = arith.constant 1.000000e+02 : f32
    %max3A_232 = vector.broadcast %jit3A_230 : f32 to vector<8x128xf32>
    %max3A_233 = arith.maximumf %max3A_232, %concatenate3A : vector<8x128xf32>
    %min3A_234 = vector.broadcast %jit3A_231 : f32 to vector<8x128xf32>
    %min3A_235 = arith.minimumf %min3A_234, %max3A_233 : vector<8x128xf32>
    %add3A_236 = arith.constant 9.99999996E-13 : f32
    %add3A_237 = vector.broadcast %add3A_236 : f32 to vector<8x128xf32>
    %add3A_238 = arith.addf %min3A_235, %add3A_237 : vector<8x128xf32>
    %log3A_239 = math.log %add3A_238 : vector<8x128xf32>
    %div3A_240 = vector.broadcast %get3A_74 : f32 to vector<8x128xf32>
    %div3A_241 = arith.divf %log3A_239, %div3A_240 : vector<8x128xf32>
    %exp3A_242 = math.exp %div3A_241 : vector<8x128xf32>
    %get3A_243 = arith.constant 0 : index
    %get3A_244 = arith.constant 0 : index
    %get3A_245 = vector.load %arg8[%get3A_243, %get3A_244] : memref<128x10xf32, #tpu.memory_space<vmem>>, vector<128x10xf32>
    %dot_general3A = arith.constant dense<0.000000e+00> : vector<8x10xf32>
    %dot_general3A_246 = tpu.matmul %exp3A_242, %get3A_245, %dot_general3A {dimension_numbers = #tpu.dot_dimension_numbers<[1], [0], [0], [1], [0, 0, 1, 1], [], []>, transpose_lhs_hint = false} : vector<8x128xf32>, vector<128x10xf32>, vector<8x10xf32> -> vector<8x10xf32>
    %get3A_247 = arith.constant 0 : index
    %get3A_248 = vector.load %arg9[%get3A_247] : memref<10xf32, #tpu.memory_space<vmem>>, vector<10xf32>
    %broadcast_in_dim3A_249 = vector.shape_cast %get3A_248 : vector<10xf32> to vector<1x10xf32>
    %add3A_250 = vector.broadcast %broadcast_in_dim3A_249 : vector<1x10xf32> to vector<8x10xf32>
    %add3A_251 = arith.addf %dot_general3A_246, %add3A_250 : vector<8x10xf32>
    %swap3A = arith.constant 0 : index
    %swap3A_252 = arith.constant 0 : index
    %swap3A_253 = vector.load %arg10[%swap3A, %swap3A_252] : memref<8x10xf32, #tpu.memory_space<vmem>>, vector<8x10xf32>
    tpu.vector_store %arg10[%swap3A, %swap3A_252], %add3A_251 {strides = array<i32>} : memref<8x10xf32, #tpu.memory_space<vmem>>, vector<8x10xf32>,
    %reduce_max3A = arith.constant dense<0xFF800000> : vector<8xf32>
    %reduce_max3A_254 = vector.multi_reduction <maximumf>, %add3A_251, %reduce_max3A [1] : vector<8x10xf32> to vector<8xf32>
    %broadcast_in_dim3A_255 = vector.shape_cast %reduce_max3A_254 : vector<8xf32> to vector<8x1xf32>
    %iota3A = tpu.iota {dimensions = array<i32: 1>} : vector<8x10xi32>
    %ge3A_256 = vector.broadcast %broadcast_in_dim3A_255 : vector<8x1xf32> to vector<8x10xf32>
    %ge3A_257 = arith.cmpf oge, %add3A_251, %ge3A_256 : vector<8x10xf32>
    %jit3A_258 = arith.constant 10 : i32
    %broadcast_in_dim3A_259 = vector.broadcast %jit3A_258 : i32 to vector<8x10xi32>
    %select_n3A_260 = arith.select %ge3A_257, %iota3A, %broadcast_in_dim3A_259 : vector<8x10xi1>, vector<8x10xi32>
    %reduce_min3A = arith.constant dense<2147483647> : vector<8xi32>
    %reduce_min3A_261 = vector.multi_reduction <minsi>, %select_n3A_260, %reduce_min3A [1] : vector<8x10xi32> to vector<8xi32>
    %broadcast_in_dim3A_262 = vector.shape_cast %reduce_min3A_261 : vector<8xi32> to vector<1x8xi32>
    %swap3A_263 = arith.constant 0 : index
    %swap3A_264 = arith.constant 0 : index
    %swap3A_265 = vector.load %arg11[%swap3A_263, %swap3A_264] : memref<1x8xi32, #tpu.memory_space<vmem>>, vector<1x8xi32>
    tpu.vector_store %arg11[%swap3A_263, %swap3A_264], %broadcast_in_dim3A_262 {strides = array<i32>} : memref<1x8xi32, #tpu.memory_space<vmem>>, vector<1x8xi32>,
    return
  }
}

</mosaic_0001>

<sc_bundles>
// kernel: kernel.11.cloned.1.call-start
scs
__scs_entry_jumppad:
0x0: {  	(pc) =	sbr.rel $0x88, $3  }
0x1: {  	(tag) =	ssettag $0x0;
	lr =	simm.s32 $0x1  }
0x2: {  	[smem:$0x3F8E] =	sst lr;
	_ =	strace $0xD0000000  }
0x3: {  	_ = 	snop  }
0x4: {  	_ = 	snop  }
0x5: {  	_ = 	snop  }
0x6: {  	_ = 	snop  }
0x7: {  	_ = 	snop  }
__scs_overlays_trampoline_lowered:
0x8: {  	[smem:$0x3F9D] =	sst s0  }
0x9: {  	[smem:$0x3F9E] =	sst s1  }
0xa: {  	[smem:$0x3F9F] =	sst s2  }
0xb: {  	[smem:$0x3FA0] =	sst s3  }
0xc: {  	[smem:$0x3FA1] =	sst s4  }
0xd: {  	[smem:$0x3FA2] =	sst s5  }
0xe: {  	[smem:$0x3FA3] =	sst s6  }
0xf: {  	[smem:$0x3FA4] =	sst s7  }
0x10: {  	[smem:$0x3FA5] =	sst s8  }
0x11: {  	[smem:$0x3FA6] =	sst s9;
	s0 =	simm.s32 @!p0 $0x0  }
0x12: {  	s1 =	sld [smem:$0x3F8C];
	s0 =	simm.s32 @p0 $0x1  }
0x13: {  	[smem:$0x3FA7] =	sst s0;
	s0 =	simm.s32 @!p1 $0x0  }
0x14: {  	s2 =	sld [smem:$0x3F8B];
	s0 =	simm.s32 @p1 $0x1  }
0x15: {  	[smem:$0x3FA8] =	sst s0;
	s0 =	simm.s32 @!p2 $0x0  }
0x16: {  	s3 =	sld [smem:$0x3FDB];
	s0 =	simm.s32 @p2 $0x1  }
0x17: {  	s4 =	simm.s32 $0x1BF5;
	[smem:$0x3FAA] =	sst s0  }
0x18: {  	s0 =	sld [smem:$0x3F8D];
	_ =	swait.ge [sflag:s4], $0x0  }
0x19: {  	s7 =	sld [smem:$0x3F8E]  }
0x1a: {  	s8 =	sadd.s32 $0xFFFFE003, lr  }
0x1b: {  	s9 =	sadd.s32 $0xFFFFFEF7, lr;
	s5 =	simm.s32 $0xFFFFFFFF;
	p2 =	slt.u32 s8, $0xFFFFF086  }
0x1c: {  	p1 =	slt.u32 s9, $0xF7A;
	s5 =	simm.s32 @!p2 $0x0  }
0x1d: {  	s5 =	simm.s32 @p1 $0x1;
	p0 =	seq.s32 s7, s2  }
0x1e: {  	s7 =	smul.u32 @!p0 $0xF7A, s2;
	p2 =	seq.s32 @!p0 s5, $0x0  }
0x1f: {  	s9 =	smul.u32 $0xF7A, s1;
	s8 =	simm.s32 @!p0 $0x1BF5;
	p2 =	por !p2, p0  }
0x20: {  	[sflag:s8] =	ssyncset.s32 @!p0 $0xFFFFF086;
	s6 =	sadd.s32 @!p0 s3, s7;
	s7 =	simm.s32 @!p0 $0x108  }
0x21: {  	s3 =	sadd.s32 s3, s9;
	s6 =	sadd.s32 @!p0 $0x88, s6;
	s7 =	simm.s32 @p2 $0x1082  }
0x22: {  	[simem:s7], [sflag:s8] =	dma.local @!p0 [hbm:s6], $0xF7A  }
0x23: {  	s9 =	sor.u32 $0xD0000000, s2;
	s6 =	simm.s32 $0x108;
	_ =	swait.ge @!p0 [sflag:s8], $0x0  }
0x24: {  	s3 =	sadd.s32 $0x88, s3;
	s6 =	simm.s32 @!p1 $0x1082;
	[sflag:s4] =	ssyncset.s32 $0xFFFFF086  }
0x25: {  	[simem:s6], [sflag:s4] =	dma.local [hbm:s3], $0xF7A  }
0x26: {  	[smem:$0x3F8E] =	sst s1;
	(tag) =	ssettag s2;
	_ =	strace s9  }
0x27: {  	s1 =	sld [smem:$0x3F9E]  }
0x28: {  	s2 =	sld [smem:$0x3F9F]  }
0x29: {  	s4 =	sld [smem:$0x3FA1]  }
0x2a: {  	p0 =	seq.s32 s5, $0x0;
	s5 =	sld [smem:$0x3FA2]  }
0x2b: {  	s6 =	sld [smem:$0x3FA3]  }
0x2c: {  	s7 =	sld [smem:$0x3FA4]  }
0x2d: {  	s3 =	simm.s32 $0x108;
	s8 =	sld [smem:$0x3FA5]  }
0x2e: {  	s3 =	simm.s32 @!p0 $0x1082;
	s9 =	sld [smem:$0x3FA6]  }
0x2f: {  	lr =	sadd.s32 s0, s3;
	s0 =	sld [smem:$0x3F9D]  }
0x30: {  	s3 =	sld [smem:$0x3FA0]  }
0x31: {  	[smem:$0x3FA9] =	sst s10  }
0x32: {  	s10 =	sld [smem:$0x3FA7];
	_ =	sdelay $0x3  }
0x33: {  	p0 =	seq.s32 s10, $0x1;
	s10 =	sld [smem:$0x3FA9];
	_ =	sdelay $0x3  }
0x34: {  	[smem:$0x3FA9] =	sst s10  }
0x35: {  	s10 =	sld [smem:$0x3FA8];
	_ =	sdelay $0x3  }
0x36: {  	p1 =	seq.s32 s10, $0x1;
	s10 =	sld [smem:$0x3FA9];
	_ =	sdelay $0x3  }
0x37: {  	[smem:$0x3FA9] =	sst s10  }
0x38: {  	s10 =	sld [smem:$0x3FAA]  }
0x39: {  	_ = 	snop;
	(pc) =	sbr.ind lr, $3  }
0x3a: {  	_ = 	snop  }
0x3b: {  	_ = 	snop  }
0x3c: {  	p2 =	seq.s32 s10, $0x1;
	s10 =	sld [smem:$0x3FA9]  }
0x3d: {  	_ =	shalt  }
0x3e: {  	_ =	shalt  }
0x3f: {  	_ =	shalt  }
0x40: {  	_ =	shalt  }
0x41: {  	_ =	shalt  }
0x42: {  	_ =	shalt  }
0x43: {  	_ =	shalt  }
0x44: {  	_ =	shalt  }
0x45: {  	_ =	shalt  }
0x46: {  	_ =	shalt  }
0x47: {  	_ =	shalt  }
0x48: {  	_ =	shalt  }
0x49: {  	_ =	shalt  }
0x4a: {  	_ =	shalt  }
0x4b: {  	_ =	shalt  }
0x4c: {  	_ =	shalt  }
0x4d: {  	_ =	shalt  }
0x4e: {  	_ =	shalt  }
0x4f: {  	_ =	shalt  }
0x50: {  	_ =	shalt  }
0x51: {  	_ =	shalt  }
0x52: {  	_ =	shalt  }
0x53: {  	_ =	shalt  }
0x54: {  	_ =	shalt  }
0x55: {  	_ =	shalt  }
0x56: {  	_ =	shalt  }
0x57: {  	_ =	shalt  }
0x58: {  	_ =	shalt  }
0x59: {  	_ =	shalt  }
0x5a: {  	_ =	shalt  }
0x5b: {  	_ =	shalt  }
0x5c: {  	_ =	shalt  }
0x5d: {  	_ =	shalt  }
0x5e: {  	_ =	shalt  }
0x5f: {  	_ =	shalt  }
0x60: {  	_ =	shalt  }
0x61: {  	_ =	shalt  }
0x62: {  	_ =	shalt  }
0x63: {  	_ =	shalt  }
0x64: {  	_ =	shalt  }
0x65: {  	_ =	shalt  }
0x66: {  	_ =	shalt  }
0x67: {  	_ =	shalt  }
0x68: {  	_ =	shalt  }
0x69: {  	_ =	shalt  }
0x6a: {  	_ =	shalt  }
0x6b: {  	_ =	shalt  }
0x6c: {  	_ =	shalt  }
0x6d: {  	_ =	shalt  }
0x6e: {  	_ =	shalt  }
0x6f: {  	_ =	shalt  }
0x70: {  	_ =	shalt  }
0x71: {  	_ =	shalt  }
0x72: {  	_ =	shalt  }
0x73: {  	_ =	shalt  }
0x74: {  	_ =	shalt  }
0x75: {  	_ =	shalt  }
0x76: {  	_ =	shalt  }
0x77: {  	_ =	shalt  }
0x78: {  	_ =	shalt  }
0x79: {  	_ =	shalt  }
0x7a: {  	_ =	shalt  }
0x7b: {  	_ =	shalt  }
0x7c: {  	_ =	shalt  }
0x7d: {  	_ =	shalt  }
0x7e: {  	_ =	shalt  }
0x7f: {  	_ =	shalt  }
0x80: {  	_ =	shalt  }
0x81: {  	_ =	shalt  }
0x82: {  	_ =	shalt  }
0x83: {  	_ =	shalt  }
0x84: {  	_ =	shalt  }
0x85: {  	_ =	shalt  }
0x86: {  	_ =	shalt  }
0x87: {  	_ =	shalt  }
.Lfunc_end0:
.L_simem_size_0:
called_computation_lowered:
.L_overlay_start_0:
0x88: {  	s2 =	sld [smem:$0x3FD9]  }
0x89: {  	s3 =	sld [smem:$0x3FFE];
	_ =	sdelay $0x1  }
0x8a: {  	s1 =	srdreg.scid  }
0x8b: {  	s0 =	sand.u32 $0x1, s1  }
0x8c: {  	s14 =	sshll.u32 s0, $0xA;
	s2 =	sadd.s32 s3, s2  }
0x8d: {  	s2 =	sadd.s32 s2, s14  }
0x8e: {  	[smem:$0x3FB5] =	sst s2  }
0x8f: {  	_ = 	snop  }
0x90: {  	s2 =	sld [smem:$0x3FD0];
	_ =	sdelay $0x2  }
0x91: {  	s15 =	simm.s32 $0xB;
	s4 =	simm.s32 $0x10  }
0x92: {  	[smem:s4], [sflag:s15] =	dma.local [hbm:s2], $0x1  }
0x93: {  	_ =	swait.eq [sflag:s15], $0x1  }
0x94: {  	[sflag:s15] =	ssyncset.done $0x0  }
0x95: {  	[sflag:s15] =	ssyncadd.s32 $0xFFFFFFFF  }
0x96: {  	s16 =	sld [smem:$0x10];
	(tm) =	ssettm $0x1  }
0x97: {  	s17 =	sld [smem:$0x3FFB];
	_ =	sdelay $0x3  }
0x98: {  	_ =	strace s17  }
0x99: {  	s3 =	sld [smem:$0x3FFC];
	_ =	sdelay $0x3  }
0x9a: {  	_ =	strace s3  }
0x9b: {  	s3 =	sld [smem:$0x3FFD];
	_ =	sdelay $0x3  }
0x9c: {  	_ =	strace s3  }
0x9d: {  	_ =	strace $0x8FFFFFFF  }
0x9e: {  	s18 =	sld [smem:$0x3FDB];
	_ =	sdelay $0x1  }
0x9f: {  	s19 =	simm.s32 $_scs_section_size  }
0xa0: {  	s5 =	simm.s32 $_size__tile_overlayer_lowered;
	s6 =	simm.s32 $_tile_overlayer_lowered  }
0xa1: {  	s22 =	simm.s32 $0x1BFF;
	s21 =	sshll.u32 s6, $0x1;
	s3 =	sadd.s32 s19, s18  }
0xa2: {  	s7 =	simm.s32 $0x0;
	s20 =	sshll.u32 s5, $0x1;
	s5 =	sadd.s32 s21, s3  }
0xa3: {  	[timem:s7], [sflag:s22] =	dma.local [hbm:s5], s20  }
0xa4: {  	_ =	swait.ge [sflag:s22], s20  }
0xa5: {  	s4 =	ssub.s32 $0x0, s20;
	[sflag:s22] =	ssyncset.done $0x0  }
0xa6: {  	[sflag:s22] =	ssyncadd.s32 s4;
	_ =	sdelay $0x1  }
0xa7: {  	s23 =	simm.s32 $0x1B8B  }
0xa8: {  	_ =	swait.ge [sflag:s23], $0x1  }
0xa9: {  	[sflag:s23] =	ssyncset.done $0x0  }
0xaa: {  	s25 =	simm.s32 $0x1B8E;
	s24 =	sld [smem:$0x3FFE];
	[sflag:s23] =	ssyncadd.s32 $0xFFFFFFFF  }
0xab: {  	s26 =	simm.s32 $execute0_lowered;
	[smem:$0x3FD2] =	sst s25  }
0xac: {  	s5 =	sshll.u32 s26, $0x1;
	_ =	strace $0x80000046;
	[dreg:$0x1] =	wrdreg $0xFFFFFFFF  }
0xad: {  	s28 =	simm.s32 $_size_execute0_lowered;
	s3 =	sadd.s32 s3, s5;
	[dreg:$0x0] =	wrdreg $0x0  }
0xae: {  	s5 =	sshll.u32 s28, $0x1;
	[dreg:$0x2] =	wrdreg s3  }
0xaf: {  	[dreg:$0x3] =	wrdreg s5  }
0xb0: {  	[dreg:$0x4] =	wrdreg $0xC0  }
0xb1: {  	_ =	task [dreg:s7], $0x5FFFF  }
0xb2: {  	[dreg:$0x1] =	wrdreg $0xFFFFFFFF  }
0xb3: {  	[dreg:$0x0] =	wrdreg $0x60  }
0xb4: {  	[dreg:$0x2] =	wrdreg s24  }
0xb5: {  	[dreg:$0x3] =	wrdreg s16  }
0xb6: {  	[dreg:$0x4] =	wrdreg $0x0  }
0xb7: {  	[dreg:$0x5] =	wrdreg $0x2800  }
0xb8: {  	[dreg:$0x6] =	wrdreg $0x9  }
0xb9: {  	_ =	task.clear_ibuf [dreg:s7], $0x7FFFF;
	_ =	strace $0x90000046  }
0xba: {  	s29 =	simm.s32 $0x9;
	_ =	strace $0x80000048  }
0xbb: {  	_ =	swait.ge [sflag:s29], $0x1  }
0xbc: {  	[sflag:s29] =	ssyncadd.s32 $0xFFFFFFFF  }
0xbd: {  	_ =	strace $0x90000048  }
0xbe: {  	_ =	sfence  }
0xbf: {  	s30 =	sld [smem:$0x0];
	_ =	sdelay $0x2  }
0xc0: {  	s31 =	sshll.u32 s1, $0xD;
	s1 =	sshrl.u32 s1, $0x2  }
0xc1: {  	s3 =	sand.u32 $0x4000, s31;
	s1 =	sadd.s32 s1, s30  }
0xc2: {  	s0 =	sor.u32 s3, s0;
	s1 =	sshll.u32 s1, $0x11  }
0xc3: {  	s0 =	sor.u32 s1, s0  }
0xc4: {  	s0 =	sadd.s32 $0x8F2B, s0  }
0xc5: {  	[sflag:s0] =	ssyncadd.remote.s32 $0x1  }
0xc6: {  	_ =	sfence.sel $0xFFFF  }
0xc7: {  	[dreg:$0x0] =	wrdreg $0xFFFFFFFF;
	(pc) =	sbr.abs _section_cstart, $3  }
0xc8: {  	[dreg:$0x1] =	wrdreg $0xFFFFFFFF  }
0xc9: {  	_ =	task.clear_ibuf [dreg:s7], $0x2FFFF;
	_ =	strace $0x9FFFFFFF  }
0xca: {  	(tm) =	ssettm $0x7FFFFFFF  }
0xcb: {  	_ =	shalt  }
tec
execute0_lowered:
.L_overlay_start_1:
0x0: {  	(tag) =	ssettag $0x1  }
0x1: {  	s6 =	rddreg [dreg:$0x0]  }
0x2: {  	s0 =	rddreg [dreg:$0x1]  }
0x3: {  	s2 =	rddreg [dreg:$0x2];
	s1 =	srdreg.scid  }
0x4: {  	s4 =	rddreg [dreg:$0x3];
	s3 =	stileid.u32  }
0x5: {  	s5 =	simm.s32 $0x0;
	s7 =	sand.u32 $0x1, s1;
	s10 =	smul.u32 $0x280, s3  }
0x6: {  	s16 =	simm.s32 $0x80;
	s17 =	simm.s32 $0x580;
	s8 =	smul.u32 $0x4F00, s7  }
0x7: {  	s18 =	simm.s32 $0x0;
	s1 =	rddreg [dreg:$0x4];
	s9 =	smul.u32 $0x5000, s7  }
0x8: {  	[smem:$0x7FF] =	sst s5;
	s11 =	smul.u32 $0x2800, s7;
	s7 =	ssub.s32 $0x2, s7  }
0x9: {  	s15 =	smul.u32 $0x4F0, s3;
	_ =	strace $0x80000047;
	s30 =	sshrl.u32 s7, $0x1  }
0xa: {  	s12 =	sadd.s32 s8, s6;
	s29 =	sadd.s32 s10, s9;
	s11 =	sadd.s32 s11, s6  }
0xb: {  	s14 =	ssub.s32 s7, s30;
	s7 =	sadd.s32 s10, s4;
	s8 =	sshrl.u32 s29, $0x3  }
0xc: {  	s12 =	sadd.s32 s15, s12;
	s31 =	sadd.s32 s10, s11;
	s15 =	simm.s32 $0x500  }
0xd: {  	s13 =	sadd.s32 s8, s6;
	s6 =	sadd.s32 s10, s2;
	s10 =	smax.u32 s14, $0x1  }
0xe: {  	s11 =	sadd.s32 $0x4200, s12;
	s12 =	sadd.s32 $0xE000, s31;
	s14 =	simm.s32 $0x1  }
0xf: {  	v0 =	vimm.f32 $1.000000000e+00;
	s8 =	sadd.s32 $0x13000, s13;
	s9 =	sadd.s32 $0x13500, s13;
	s13 =	simm.s32 $0x600  }
.LBB2_1:
0x10: {  	[tilespmem:s13], [sflag:$0x1] =	stream.linear.gather [hbm4b:s0+s5], $0x280, $0x38;
	[tilespmem:$0x880] =	vst v63  }
0x11: {  	_ =	swait.ge [sflag:s14], $0x280  }
0x12: {  	[sflag:s14] =	ssyncset.done $0x0  }
0x13: {  	[sflag:s14] =	ssyncadd.s32 $0xFFFFFD80  }
0x14: {  	[spmem:s6] =	stream.linear.scatter [tilespmem:s13], [sflag:$0x1], $0x280, $0x38;
	[tilespmem:$0x880] =	vst v63  }
0x15: {  	_ =	swait.ge [sflag:s14], $0x280  }
0x16: {  	[sflag:s14] =	ssyncset.done $0x0  }
0x17: {  	[sflag:s14] =	ssyncadd.s32 $0xFFFFFD80  }
0x18: {  	[spmem:s7] =	stream.linear.scatter [tilespmem:s13], [sflag:$0x1], $0x280, $0x38;
	[tilespmem:$0x880] =	vst v63  }
0x19: {  	_ =	swait.ge [sflag:s14], $0x280  }
0x1a: {  	[sflag:s14] =	ssyncset.done $0x0  }
0x1b: {  	[sflag:s14] =	ssyncadd.s32 $0xFFFFFD80  }
0x1c: {  	[tilespmem:$0x580] =	vst v0  }
0x1d: {  	[tilespmem:$0x590] =	vst v0  }
0x1e: {  	[tilespmem:$0x5A0] =	vst v0  }
0x1f: {  	[tilespmem:$0x5B0] =	vst v0  }
0x20: {  	[tilespmem:$0x5C0] =	vst v0  }
0x21: {  	[tilespmem:$0x5D0] =	vst v0  }
0x22: {  	[tilespmem:$0x5E0] =	vst v0  }
0x23: {  	[tilespmem:$0x5F0] =	vst v0  }
0x24: {  	s19 =	sadd.s32 $0x0, s11;
	[bflag:$0x0] =	sbarrier.arrive $0xFFFF  }
0x25: {  	[tilespmem:s15], [sflag:$0x1] =	stream.linear.gather [hbm4b:s19+s5], $0x80, $0x38;
	[tilespmem:$0x880] =	vst v63  }
0x26: {  	_ =	swait.ge [sflag:s14], $0x80  }
0x27: {  	[sflag:s14] =	ssyncset.done $0x0  }
0x28: {  	[sflag:s14] =	ssyncadd.s32 $0xFFFFFF80  }
0x29: {  	[spmem:s2] =	stream.indirect.scatter.add.f32 [tilespmem:s17], [sflag:$0x1], $0x1, s15, s16, $0xb8;
	[tilespmem:$0x880] =	vst v63  }
0x2a: {  	_ =	swait.ge [sflag:s14], $0x80  }
0x2b: {  	s21 =	sadd.s32 $0x10, s11;
	s20 =	simm.s32 $0x20;
	[sflag:s14] =	ssyncset.done $0x0  }
.LBB2_2:
0x2c: {  	s22 =	sadd.s32 s20, s11;
	s19 =	simm.s32 $0x0;
	[sflag:s14] =	ssyncadd.s32 $0xFFFFFF80  }
0x2d: {  	[tilespmem:s15], [sflag:$0x1] =	stream.linear.gather [hbm4b:s21+s19], $0x80, $0x38;
	[tilespmem:$0x880] =	vst v63  }
0x2e: {  	p0 =	sne.s32 s20, $0x4E0;
	s20 =	sadd.s32 $0x10, s20;
	_ =	swait.ge [sflag:s14], $0x80  }
.Ltmp0:
0x2f: {  	s21 =	smov.u32 s22;
	[sflag:s14] =	ssyncset.done $0x0;
	(pc) =	sbr.rel @p0 .LBB2_2-.Ltmp0, $4  }
0x30: {  	[sflag:s14] =	ssyncadd.s32 $0xFFFFFF80  }
0x31: {  	[spmem:s2] =	stream.indirect.scatter.add.f32 [tilespmem:s17], [sflag:$0x1], $0x1, s15, s16, $0xb8;
	[tilespmem:$0x880] =	vst v63  }
0x32: {  	_ =	swait.ge [sflag:s14], $0x80  }
0x33: {  	[sflag:s14] =	ssyncset.done $0x0  }
0x34: {  	[sflag:s14] =	ssyncadd.s32 $0xFFFFFF80  }
0x35: {  	[tilespmem:s15], [sflag:$0x1] =	stream.linear.gather [hbm4b:s21+s19], $0x80, $0x38;
	[tilespmem:$0x880] =	vst v63  }
0x36: {  	_ =	swait.ge [sflag:s14], $0x80  }
0x37: {  	p1 =	por $0x1, $0x1;
	[sflag:s14] =	ssyncset.done $0x0  }
.Ltmp1:
0x38: {  	[sflag:s14] =	ssyncadd.s32 $0xFFFFFF80;
	(pc) =	sbr.rel @!p1 .LBB2_8-.Ltmp1, $4  }
0x39: {  	[spmem:s2] =	stream.indirect.scatter.add.f32 [tilespmem:s17], [sflag:$0x1], $0x1, s15, s16, $0xb8;
	[tilespmem:$0x880] =	vst v63  }
0x3a: {  	_ =	swait.ge [sflag:s14], $0x80  }
0x3b: {  	[sflag:s14] =	ssyncset.done $0x0  }
0x3c: {  	s20 =	simm.s32 $0x10;
	p0 =	por $0x0, $0x0;
	[sflag:s14] =	ssyncadd.s32 $0xFFFFFF80  }
0x3d: {  	s19 =	sadd.s32 $0x0, s12  }
0x3e: {  	[tilespmem:s15], [sflag:$0x1] =	stream.linear.gather [hbm4b:s19+s5], $0x80, $0x38;
	[tilespmem:$0x880] =	vst v63  }
0x3f: {  	p1 =	por $0x1, $0x1;
	_ =	swait.ge [sflag:s14], $0x80  }
.Ltmp2:
0x40: {  	[sflag:s14] =	ssyncset.done $0x0;
	(pc) =	sbr.rel @!p1 .LBB2_5-.Ltmp2, $4  }
0x41: {  	[sflag:s14] =	ssyncadd.s32 $0xFFFFFF80  }
0x42: {  	[spmem:s4] =	stream.indirect.scatter.add.f32 [tilespmem:s17], [sflag:$0x1], $0x1, s15, s16, $0xb8;
	[tilespmem:$0x880] =	vst v63  }
0x43: {  	_ =	swait.ge [sflag:s14], $0x80  }
0x44: {  	p0 =	por $0x1, $0x1;
	s19 =	simm.s32 $0x20;
	[sflag:s14] =	ssyncset.done $0x0  }
.LBB2_6:
0x45: {  	s21 =	sadd.s32 s20, s12  }
0x46: {  	[sflag:s14] =	ssyncadd.s32 $0xFFFFFF80;
	s20 =	smov.u32 s19;
	s22 =	sadd.s32 $0x10, s19  }
0x47: {  	[tilespmem:s15], [sflag:$0x1] =	stream.linear.gather [hbm4b:s21+s5], $0x80, $0x38;
	[tilespmem:$0x880] =	vst v63  }
0x48: {  	p1 =	sne.s32 s19, $0x270;
	_ =	swait.ge [sflag:s14], $0x80  }
.Ltmp3:
0x49: {  	[sflag:s14] =	ssyncset.done $0x0;
	(pc) =	sbr.rel @p1 .LBB2_6-.Ltmp3, $4  }
0x4a: {  	[sflag:s14] =	ssyncadd.s32 $0xFFFFFF80  }
0x4b: {  	[spmem:s4] =	stream.indirect.scatter.add.f32 [tilespmem:s17], [sflag:$0x1], $0x1, s15, s16, $0xb8;
	[tilespmem:$0x880] =	vst v63  }
0x4c: {  	_ =	swait.ge [sflag:s14], $0x80  }
0x4d: {  	s19 =	smov.u32 s22;
	[sflag:s14] =	ssyncset.done $0x0  }
0x4e: {  	s19 =	smov.u32 s20  }
.LBB2_8:
0x4f: {  	s19 =	sadd.s32 s19, s12;
	[sflag:s14] =	ssyncadd.s32 @p0 $0xFFFFFF80  }
0x50: {  	[tilespmem:s15], [sflag:$0x1] =	stream.linear.gather [hbm4b:s19+s5], $0x80, $0x38;
	[tilespmem:$0x880] =	vst v63  }
0x51: {  	_ =	swait.ge [sflag:s14], $0x80  }
0x52: {  	[sflag:s14] =	ssyncset.done $0x0  }
0x53: {  	[sflag:s14] =	ssyncadd.s32 $0xFFFFFF80  }
0x54: {  	[spmem:s4] =	stream.indirect.scatter.add.f32 [tilespmem:s17], [sflag:$0x1], $0x1, s15, s16, $0xb8;
	[tilespmem:$0x880] =	vst v63  }
0x55: {  	_ =	swait.ge [sflag:s14], $0x80  }
0x56: {  	[sflag:s14] =	ssyncset.done $0x0  }
0x57: {  	[sflag:s14] =	ssyncadd.s32 $0xFFFFFF80  }
0x58: {  	[bflag:$0x0] =	sbarrier.arrive $0xFFFF  }
0x59: {  	[tilespmem:s13], [sflag:$0x1] =	stream.linear.gather [spmem:s6], $0x280, $0x38;
	[tilespmem:$0x880] =	vst v63  }
0x5a: {  	_ =	swait.ge [sflag:s14], $0x280  }
0x5b: {  	[sflag:s14] =	ssyncset.done $0x0  }
0x5c: {  	[sflag:s14] =	ssyncadd.s32 $0xFFFFFD80  }
0x5d: {  	[hbm4b:s8+s5] =	stream.linear.scatter [tilespmem:s13], [sflag:$0x1], $0x280, $0x38;
	[tilespmem:$0x880] =	vst v63  }
0x5e: {  	_ =	swait.ge [sflag:s14], $0x280  }
0x5f: {  	[sflag:s14] =	ssyncset.done $0x0  }
0x60: {  	[sflag:s14] =	ssyncadd.s32 $0xFFFFFD80  }
0x61: {  	[tilespmem:s13], [sflag:$0x1] =	stream.linear.gather [spmem:s7], $0x280, $0x38;
	[tilespmem:$0x880] =	vst v63  }
0x62: {  	_ =	swait.ge [sflag:s14], $0x280  }
0x63: {  	s18 =	sadd.s32 $0x1, s18;
	[sflag:s14] =	ssyncset.done $0x0  }
0x64: {  	p0 =	sne.s32 s18, s10;
	[sflag:s14] =	ssyncadd.s32 $0xFFFFFD80  }
0x65: {  	[hbm4b:s9+s5] =	stream.linear.scatter [tilespmem:s13], [sflag:$0x1], $0x280, $0x38;
	[tilespmem:$0x880] =	vst v63  }
.Ltmp4:
0x66: {  	_ = 	snop;
	(pc) =	sbr.rel @p0 .LBB2_1-.Ltmp4, $4  }
.Ltmp5:
0x67: {  	_ = 	snop;
	(pc) =	sbr.rel @!p0 .LBB2_9-.Ltmp5, $4  }
0x68: {  	_ =	swait.ge [sflag:s14], $0x280  }
0x69: {  	[sflag:s14] =	ssyncset.done $0x0  }
0x6a: {  	[sflag:s14] =	ssyncadd.s32 $0xFFFFFD80  }
0x6b: {  	_ = 	snop  }
.LBB2_5:
.Ltmp6:
0x6c: {  	(pc) =	sbr.rel .LBB2_8-.Ltmp6, $2  }
0x6d: {  	_ =	sdelay $0x2  }
0x6e: {  	s19 =	simm.s32 $0x10  }
.LBB2_9:
0x6f: {  	_ =	sfence.sel $0x180000  }
0x70: {  	[bflag:$0x0] =	sbarrier.arrive $0xFFFF  }
0x71: {  	p0 =	sne.s32 s3, $0x0;
	_ =	strace $0x90000047  }
0x72: {  	s0 =	sadd.s32 @!p0 $0x100000, s1;
	[bflag:$0x2] =	sbarrier.arrive $0xFFFF  }
0x73: {  	[sflag:s0] =	ssyncadd.tile.s32 @!p0 $0x1;
	_ =	shalt  }
.Lfunc_end2:
_tile_overlayer_lowered:
.L_overlay_start_2:
0x74: {  	(tag) =	ssettag $0x2  }
0x75: {  	s0 =	rddreg [dreg:$0x0];
	s2 =	stileid.u32  }
0x76: {  	s1 =	rddreg [dreg:$0x1];
	p0 =	sne.s32 s2, $0x0  }
0x77: {  	s3 =	rddreg [dreg:$0x2];
	[bflag:$0x3] =	sbarrier.arrive $0xFFFF;
	s2 =	simm.s32 @!p0 $0x1C01  }
0x78: {  	[timem:s3], [sflag:s2] =	dma.local @!p0 [hbm:s0], s1  }
0x79: {  	s0 =	simm.s32 @!p0 $0x1  }
0x7a: {  	_ =	swait.ge @!p0 [sflag:s0], s1  }
0x7b: {  	s1 =	ssub.s32 @!p0 $0x0, s1;
	[sflag:s0] =	ssyncset.done @!p0 $0x0  }
0x7c: {  	[sflag:s0] =	ssyncadd.s32 @!p0 s1  }
0x7d: {  	[bflag:$0x3] =	sbarrier.arrive $0xFFFF  }
0x7e: {  	_ =	shalt  }

// kernel: kernel.14.cloned.1.call-start
scs
__scs_entry_jumppad:
0x0: {  	(pc) =	sbr.rel $0x88, $3  }
0x1: {  	(tag) =	ssettag $0x0;
	lr =	simm.s32 $0x1  }
0x2: {  	[smem:$0x3F8E] =	sst lr;
	_ =	strace $0xD0000000  }
0x3: {  	_ = 	snop  }
0x4: {  	_ = 	snop  }
0x5: {  	_ = 	snop  }
0x6: {  	_ = 	snop  }
0x7: {  	_ = 	snop  }
__scs_overlays_trampoline_lowered:
0x8: {  	[smem:$0x3F9D] =	sst s0  }
0x9: {  	[smem:$0x3F9E] =	sst s1  }
0xa: {  	[smem:$0x3F9F] =	sst s2  }
0xb: {  	[smem:$0x3FA0] =	sst s3  }
0xc: {  	[smem:$0x3FA1] =	sst s4  }
0xd: {  	[smem:$0x3FA2] =	sst s5  }
0xe: {  	[smem:$0x3FA3] =	sst s6  }
0xf: {  	[smem:$0x3FA4] =	sst s7  }
0x10: {  	[smem:$0x3FA5] =	sst s8  }
0x11: {  	[smem:$0x3FA6] =	sst s9;
	s0 =	simm.s32 @!p0 $0x0  }
0x12: {  	s1 =	sld [smem:$0x3F8C];
	s0 =	simm.s32 @p0 $0x1  }
0x13: {  	[smem:$0x3FA7] =	sst s0;
	s0 =	simm.s32 @!p1 $0x0  }
0x14: {  	s2 =	sld [smem:$0x3F8B];
	s0 =	simm.s32 @p1 $0x1  }
0x15: {  	[smem:$0x3FA8] =	sst s0;
	s0 =	simm.s32 @!p2 $0x0  }
0x16: {  	s3 =	sld [smem:$0x3FDB];
	s0 =	simm.s32 @p2 $0x1  }
0x17: {  	s4 =	simm.s32 $0x1BF5;
	[smem:$0x3FAA] =	sst s0  }
0x18: {  	s0 =	sld [smem:$0x3F8D];
	_ =	swait.ge [sflag:s4], $0x0  }
0x19: {  	s7 =	sld [smem:$0x3F8E]  }
0x1a: {  	s8 =	sadd.s32 $0xFFFFE003, lr  }
0x1b: {  	s9 =	sadd.s32 $0xFFFFFEF7, lr;
	s5 =	simm.s32 $0xFFFFFFFF;
	p2 =	slt.u32 s8, $0xFFFFF086  }
0x1c: {  	p1 =	slt.u32 s9, $0xF7A;
	s5 =	simm.s32 @!p2 $0x0  }
0x1d: {  	s5 =	simm.s32 @p1 $0x1;
	p0 =	seq.s32 s7, s2  }
0x1e: {  	s7 =	smul.u32 @!p0 $0xF7A, s2;
	p2 =	seq.s32 @!p0 s5, $0x0  }
0x1f: {  	s9 =	smul.u32 $0xF7A, s1;
	s8 =	simm.s32 @!p0 $0x1BF5;
	p2 =	por !p2, p0  }
0x20: {  	[sflag:s8] =	ssyncset.s32 @!p0 $0xFFFFF086;
	s6 =	sadd.s32 @!p0 s3, s7;
	s7 =	simm.s32 @!p0 $0x108  }
0x21: {  	s3 =	sadd.s32 s3, s9;
	s6 =	sadd.s32 @!p0 $0x88, s6;
	s7 =	simm.s32 @p2 $0x1082  }
0x22: {  	[simem:s7], [sflag:s8] =	dma.local @!p0 [hbm:s6], $0xF7A  }
0x23: {  	s9 =	sor.u32 $0xD0000000, s2;
	s6 =	simm.s32 $0x108;
	_ =	swait.ge @!p0 [sflag:s8], $0x0  }
0x24: {  	s3 =	sadd.s32 $0x88, s3;
	s6 =	simm.s32 @!p1 $0x1082;
	[sflag:s4] =	ssyncset.s32 $0xFFFFF086  }
0x25: {  	[simem:s6], [sflag:s4] =	dma.local [hbm:s3], $0xF7A  }
0x26: {  	[smem:$0x3F8E] =	sst s1;
	(tag) =	ssettag s2;
	_ =	strace s9  }
0x27: {  	s1 =	sld [smem:$0x3F9E]  }
0x28: {  	s2 =	sld [smem:$0x3F9F]  }
0x29: {  	s4 =	sld [smem:$0x3FA1]  }
0x2a: {  	p0 =	seq.s32 s5, $0x0;
	s5 =	sld [smem:$0x3FA2]  }
0x2b: {  	s6 =	sld [smem:$0x3FA3]  }
0x2c: {  	s7 =	sld [smem:$0x3FA4]  }
0x2d: {  	s3 =	simm.s32 $0x108;
	s8 =	sld [smem:$0x3FA5]  }
0x2e: {  	s3 =	simm.s32 @!p0 $0x1082;
	s9 =	sld [smem:$0x3FA6]  }
0x2f: {  	lr =	sadd.s32 s0, s3;
	s0 =	sld [smem:$0x3F9D]  }
0x30: {  	s3 =	sld [smem:$0x3FA0]  }
0x31: {  	[smem:$0x3FA9] =	sst s10  }
0x32: {  	s10 =	sld [smem:$0x3FA7];
	_ =	sdelay $0x3  }
0x33: {  	p0 =	seq.s32 s10, $0x1;
	s10 =	sld [smem:$0x3FA9];
	_ =	sdelay $0x3  }
0x34: {  	[smem:$0x3FA9] =	sst s10  }
0x35: {  	s10 =	sld [smem:$0x3FA8];
	_ =	sdelay $0x3  }
0x36: {  	p1 =	seq.s32 s10, $0x1;
	s10 =	sld [smem:$0x3FA9];
	_ =	sdelay $0x3  }
0x37: {  	[smem:$0x3FA9] =	sst s10  }
0x38: {  	s10 =	sld [smem:$0x3FAA]  }
0x39: {  	_ = 	snop;
	(pc) =	sbr.ind lr, $3  }
0x3a: {  	_ = 	snop  }
0x3b: {  	_ = 	snop  }
0x3c: {  	p2 =	seq.s32 s10, $0x1;
	s10 =	sld [smem:$0x3FA9]  }
0x3d: {  	_ =	shalt  }
0x3e: {  	_ =	shalt  }
0x3f: {  	_ =	shalt  }
0x40: {  	_ =	shalt  }
0x41: {  	_ =	shalt  }
0x42: {  	_ =	shalt  }
0x43: {  	_ =	shalt  }
0x44: {  	_ =	shalt  }
0x45: {  	_ =	shalt  }
0x46: {  	_ =	shalt  }
0x47: {  	_ =	shalt  }
0x48: {  	_ =	shalt  }
0x49: {  	_ =	shalt  }
0x4a: {  	_ =	shalt  }
0x4b: {  	_ =	shalt  }
0x4c: {  	_ =	shalt  }
0x4d: {  	_ =	shalt  }
0x4e: {  	_ =	shalt  }
0x4f: {  	_ =	shalt  }
0x50: {  	_ =	shalt  }
0x51: {  	_ =	shalt  }
0x52: {  	_ =	shalt  }
0x53: {  	_ =	shalt  }
0x54: {  	_ =	shalt  }
0x55: {  	_ =	shalt  }
0x56: {  	_ =	shalt  }
0x57: {  	_ =	shalt  }
0x58: {  	_ =	shalt  }
0x59: {  	_ =	shalt  }
0x5a: {  	_ =	shalt  }
0x5b: {  	_ =	shalt  }
0x5c: {  	_ =	shalt  }
0x5d: {  	_ =	shalt  }
0x5e: {  	_ =	shalt  }
0x5f: {  	_ =	shalt  }
0x60: {  	_ =	shalt  }
0x61: {  	_ =	shalt  }
0x62: {  	_ =	shalt  }
0x63: {  	_ =	shalt  }
0x64: {  	_ =	shalt  }
0x65: {  	_ =	shalt  }
0x66: {  	_ =	shalt  }
0x67: {  	_ =	shalt  }
0x68: {  	_ =	shalt  }
0x69: {  	_ =	shalt  }
0x6a: {  	_ =	shalt  }
0x6b: {  	_ =	shalt  }
0x6c: {  	_ =	shalt  }
0x6d: {  	_ =	shalt  }
0x6e: {  	_ =	shalt  }
0x6f: {  	_ =	shalt  }
0x70: {  	_ =	shalt  }
0x71: {  	_ =	shalt  }
0x72: {  	_ =	shalt  }
0x73: {  	_ =	shalt  }
0x74: {  	_ =	shalt  }
0x75: {  	_ =	shalt  }
0x76: {  	_ =	shalt  }
0x77: {  	_ =	shalt  }
0x78: {  	_ =	shalt  }
0x79: {  	_ =	shalt  }
0x7a: {  	_ =	shalt  }
0x7b: {  	_ =	shalt  }
0x7c: {  	_ =	shalt  }
0x7d: {  	_ =	shalt  }
0x7e: {  	_ =	shalt  }
0x7f: {  	_ =	shalt  }
0x80: {  	_ =	shalt  }
0x81: {  	_ =	shalt  }
0x82: {  	_ =	shalt  }
0x83: {  	_ =	shalt  }
0x84: {  	_ =	shalt  }
0x85: {  	_ =	shalt  }
0x86: {  	_ =	shalt  }
0x87: {  	_ =	shalt  }
.Lfunc_end0:
.L_simem_size_0:
called_computation.1_lowered:
.L_overlay_start_0:
0x88: {  	s2 =	sld [smem:$0x3FD9]  }
0x89: {  	s3 =	sld [smem:$0x3FFE];
	_ =	sdelay $0x1  }
0x8a: {  	s1 =	srdreg.scid  }
0x8b: {  	s0 =	sand.u32 $0x1, s1  }
0x8c: {  	s16 =	sshll.u32 s0, $0xA;
	s2 =	sadd.s32 s3, s2  }
0x8d: {  	s2 =	sadd.s32 s2, s16  }
0x8e: {  	[smem:$0x3FB5] =	sst s2  }
0x8f: {  	_ = 	snop  }
0x90: {  	(tm) =	ssettm $0x1  }
0x91: {  	s17 =	sld [smem:$0x3FFB];
	_ =	sdelay $0x3  }
0x92: {  	_ =	strace s17  }
0x93: {  	s2 =	sld [smem:$0x3FFC];
	_ =	sdelay $0x3  }
0x94: {  	_ =	strace s2  }
0x95: {  	s2 =	sld [smem:$0x3FFD];
	_ =	sdelay $0x3  }
0x96: {  	_ =	strace s2  }
0x97: {  	_ =	strace $0x8FFFFFFF  }
0x98: {  	s18 =	sld [smem:$0x3FDB];
	_ =	sdelay $0x1  }
0x99: {  	s19 =	simm.s32 $_scs_section_size  }
0x9a: {  	s4 =	simm.s32 $_size__tile_overlayer_lowered;
	s5 =	simm.s32 $_tile_overlayer_lowered  }
0x9b: {  	s22 =	simm.s32 $0x1BFF;
	s21 =	sshll.u32 s5, $0x1;
	s2 =	sadd.s32 s19, s18  }
0x9c: {  	s6 =	simm.s32 $0x0;
	s20 =	sshll.u32 s4, $0x1;
	s4 =	sadd.s32 s21, s2  }
0x9d: {  	[timem:s6], [sflag:s22] =	dma.local [hbm:s4], s20  }
0x9e: {  	_ =	swait.ge [sflag:s22], s20  }
0x9f: {  	s3 =	ssub.s32 $0x0, s20;
	[sflag:s22] =	ssyncset.done $0x0  }
0xa0: {  	[sflag:s22] =	ssyncadd.s32 s3;
	_ =	sdelay $0x1  }
0xa1: {  	s23 =	simm.s32 $0x1B8B  }
0xa2: {  	_ =	swait.ge [sflag:s23], $0x1  }
0xa3: {  	[sflag:s23] =	ssyncset.done $0x0  }
0xa4: {  	s25 =	simm.s32 $0x1B8E;
	s24 =	sld [smem:$0x3FFE];
	[sflag:s23] =	ssyncadd.s32 $0xFFFFFFFF  }
0xa5: {  	s26 =	simm.s32 $execute0_lowered;
	[smem:$0x3FD2] =	sst s25  }
0xa6: {  	s4 =	sshll.u32 s26, $0x1;
	_ =	strace $0x80000049;
	[dreg:$0x1] =	wrdreg $0xFFFFFFFF  }
0xa7: {  	s28 =	simm.s32 $_size_execute0_lowered;
	s2 =	sadd.s32 s2, s4;
	[dreg:$0x0] =	wrdreg $0x0  }
0xa8: {  	s4 =	sshll.u32 s28, $0x1;
	[dreg:$0x2] =	wrdreg s2  }
0xa9: {  	[dreg:$0x3] =	wrdreg s4  }
0xaa: {  	[dreg:$0x4] =	wrdreg $0xC0  }
0xab: {  	_ =	task [dreg:s6], $0x5FFFF  }
0xac: {  	[dreg:$0x1] =	wrdreg $0xFFFFFFFF  }
0xad: {  	[dreg:$0x0] =	wrdreg $0x60  }
0xae: {  	[dreg:$0x2] =	wrdreg s24  }
0xaf: {  	[dreg:$0x3] =	wrdreg $0x0  }
0xb0: {  	[dreg:$0x4] =	wrdreg $0x9  }
0xb1: {  	_ =	task.clear_ibuf [dreg:s6], $0x5FFFF;
	_ =	strace $0x90000049  }
0xb2: {  	s29 =	simm.s32 $0x9;
	_ =	strace $0x8000004B  }
0xb3: {  	_ =	swait.ge [sflag:s29], $0x1  }
0xb4: {  	[sflag:s29] =	ssyncadd.s32 $0xFFFFFFFF  }
0xb5: {  	_ =	strace $0x9000004B  }
0xb6: {  	_ =	sfence  }
0xb7: {  	s30 =	sld [smem:$0x0];
	_ =	sdelay $0x2  }
0xb8: {  	s31 =	sshll.u32 s1, $0xD;
	s1 =	sshrl.u32 s1, $0x2  }
0xb9: {  	s3 =	sand.u32 $0x4000, s31;
	s1 =	sadd.s32 s1, s30  }
0xba: {  	s0 =	sor.u32 s3, s0;
	s1 =	sshll.u32 s1, $0x11  }
0xbb: {  	s0 =	sor.u32 s1, s0  }
0xbc: {  	s0 =	sadd.s32 $0x8F2B, s0  }
0xbd: {  	[sflag:s0] =	ssyncadd.remote.s32 $0x1  }
0xbe: {  	_ =	sfence.sel $0xFFFF  }
0xbf: {  	[dreg:$0x0] =	wrdreg $0xFFFFFFFF;
	(pc) =	sbr.abs _section_cstart, $3  }
0xc0: {  	[dreg:$0x1] =	wrdreg $0xFFFFFFFF  }
0xc1: {  	_ =	task.clear_ibuf [dreg:s6], $0x2FFFF;
	_ =	strace $0x9FFFFFFF  }
0xc2: {  	(tm) =	ssettm $0x7FFFFFFF  }
0xc3: {  	_ =	shalt  }
tec
execute0_lowered:
.L_overlay_start_1:
0x0: {  	(tag) =	ssettag $0x1  }
0x1: {  	s0 =	stileid.u32;
	s6 =	rddreg [dreg:$0x0]  }
0x2: {  	s1 =	srdreg.scid;
	s2 =	rddreg [dreg:$0x1];
	s22 =	simm.s32 $0x13C00  }
0x3: {  	s23 =	simm.s32 $0x13C80;
	s24 =	simm.s32 $0x80;
	s3 =	smul.u32 $0x17, s0  }
0x4: {  	s25 =	simm.s32 $0x1;
	s26 =	simm.s32 $0x0;
	s4 =	smul.u32 $0x39, s0  }
0x5: {  	s8 =	sand.u32 $0x1, s1;
	s1 =	rddreg [dreg:$0x2];
	s9 =	smul.u32 $0x4F000, s0  }
0x6: {  	s16 =	sadd.s32 $0x67800, s6;
	s11 =	smul.u32 $0x13C00, s0;
	p0 =	seq.s32 s8, $0x0  }
0x7: {  	s7 =	ssub.s32 $0x2, s8;
	s18 =	smul.u32 $0x13C000, s8;
	s5 =	sadd.s32 $0x390, s3  }
0x8: {  	s3 =	simm.s32 $0x0;
	s30 =	sshrl.u32 s7, $0x1;
	s31 =	sshrl.u32 s9, $0x2  }
0x9: {  	s12 =	sadd.s32 $0x4000, s11;
	s14 =	sadd.s32 $0x8000, s11;
	s15 =	sadd.s32 $0xC000, s11  }
0xa: {  	s20 =	sadd.s32 $0x10000, s11;
	s5 =	smov.u32 @p0 s4;
	[smem:$0x7FF] =	sst s3  }
0xb: {  	s4 =	sadd.s32 $0x19400, s6;
	s17 =	ssub.s32 s7, s30;
	s7 =	sadd.s32 s31, s2  }
0xc: {  	s8 =	sadd.s32 s12, s2;
	s9 =	sadd.s32 s14, s2;
	s10 =	sadd.s32 s15, s2  }
0xd: {  	s13 =	sadd.s32 s11, s18;
	s12 =	sadd.s32 s18, s12;
	s11 =	sadd.s32 s20, s2  }
0xe: {  	s14 =	sadd.s32 s18, s14;
	s15 =	sadd.s32 s18, s15;
	s18 =	sadd.s32 s18, s20  }
0xf: {  	s20 =	simm.s32 $0x13D00;
	s5 =	sshll.u32 s5, $0x4;
	_ =	strace $0x8000004A  }
0x10: {  	s13 =	sshrl.u32 s13, $0x3;
	s21 =	sshrl.u32 s12, $0x3;
	s14 =	sshrl.u32 s14, $0x3  }
0x11: {  	s15 =	sshrl.u32 s15, $0x3;
	s18 =	sshrl.u32 s18, $0x3;
	s17 =	smax.u32 s17, $0x1  }
0x12: {  	s19 =	sadd.s32 s5, s6;
	s5 =	sadd.s32 $0x13000, s6;
	s6 =	simm.s32 $0x39  }
0x13: {  	s12 =	sadd.s32 s16, s13;
	s13 =	sadd.s32 s16, s21;
	s14 =	sadd.s32 s16, s14  }
0x14: {  	s15 =	sadd.s32 s16, s15;
	s16 =	sadd.s32 s16, s18;
	s21 =	simm.s32 $0x2  }
0x15: {  	s6 =	simm.s32 @!p0 $0x17;
	s18 =	sadd.s32 $0xE000, s19;
	s19 =	sadd.s32 $0x14400, s19  }
.LBB2_1:
0x16: {  	[tilespmem:s20], [sflag:$0x2] =	stream.linear.gather [hbm4b:s5+s3], $0x4000, $0x38;
	[tilespmem:$0x17D00] =	vst v63  }
0x17: {  	_ =	swait.ge [sflag:s21], $0x4000  }
0x18: {  	[sflag:s21] =	ssyncset.done $0x0  }
0x19: {  	[sflag:s21] =	ssyncadd.s32 $0xFFFFC000  }
0x1a: {  	[spmem:s7] =	stream.linear.scatter [tilespmem:s20], [sflag:$0x2], $0x4000, $0x38;
	[tilespmem:$0x17D00] =	vst v63  }
0x1b: {  	_ =	swait.ge [sflag:s21], $0x4000  }
0x1c: {  	[sflag:s21] =	ssyncset.done $0x0  }
0x1d: {  	[sflag:s21] =	ssyncadd.s32 $0xFFFFC000  }
0x1e: {  	[spmem:s8] =	stream.linear.scatter [tilespmem:s20], [sflag:$0x2], $0x4000, $0x38;
	[tilespmem:$0x17D00] =	vst v63  }
0x1f: {  	_ =	swait.ge [sflag:s21], $0x4000  }
0x20: {  	[sflag:s21] =	ssyncset.done $0x0  }
0x21: {  	[sflag:s21] =	ssyncadd.s32 $0xFFFFC000  }
0x22: {  	[spmem:s9] =	stream.linear.scatter [tilespmem:s20], [sflag:$0x2], $0x4000, $0x38;
	[tilespmem:$0x17D00] =	vst v63  }
0x23: {  	_ =	swait.ge [sflag:s21], $0x4000  }
0x24: {  	[sflag:s21] =	ssyncset.done $0x0  }
0x25: {  	[sflag:s21] =	ssyncadd.s32 $0xFFFFC000  }
0x26: {  	[spmem:s10] =	stream.linear.scatter [tilespmem:s20], [sflag:$0x2], $0x4000, $0x38;
	[tilespmem:$0x17D00] =	vst v63  }
0x27: {  	_ =	swait.ge [sflag:s21], $0x4000  }
0x28: {  	[sflag:s21] =	ssyncset.done $0x0  }
0x29: {  	[sflag:s21] =	ssyncadd.s32 $0xFFFFC000  }
0x2a: {  	[spmem:s11] =	stream.linear.scatter [tilespmem:s20], [sflag:$0x2], $0x3C00, $0x38;
	[tilespmem:$0x17D00] =	vst v63  }
0x2b: {  	_ =	swait.ge [sflag:s21], $0x3C00  }
0x2c: {  	[sflag:s21] =	ssyncset.done $0x0  }
0x2d: {  	[sflag:s21] =	ssyncadd.s32 $0xFFFFC400  }
0x2e: {  	[bflag:$0x0] =	sbarrier.arrive $0xFFFF  }
0x2f: {  	[tilespmem:s22], [sflag:$0x2] =	stream.linear.gather [hbm4b:s19+s3], $0x80, $0x38;
	[tilespmem:$0x17D00] =	vst v63  }
0x30: {  	_ =	swait.ge [sflag:s21], $0x80  }
0x31: {  	[sflag:s21] =	ssyncset.done $0x0  }
0x32: {  	[sflag:s21] =	ssyncadd.s32 $0xFFFFFF80  }
0x33: {  	[tilespmem:s23], [sflag:$0x2] =	stream.linear.gather [hbm4b:s18+s3], $0x80, $0x38;
	[tilespmem:$0x17D00] =	vst v63  }
0x34: {  	_ =	swait.ge [sflag:s21], $0x80  }
0x35: {  	[sflag:s21] =	ssyncset.done $0x0  }
0x36: {  	[sflag:s21] =	ssyncadd.s32 $0xFFFFFF80  }
0x37: {  	[tilespmem:s20], [sflag:$0x1] =	stream.indirect.gather [hbm4b:s4+s24], $0x80, s22, s24, $0xb8;
	[tilespmem:$0x17D00] =	vst v63  }
0x38: {  	p0 =	sne.s32 s6, $0x1;
	_ =	swait.ge [sflag:s25], $0x4000  }
.Ltmp0:
0x39: {  	[sflag:s25] =	ssyncset.done $0x0;
	(pc) =	sbr.rel @!p0 .LBB2_3-.Ltmp0, $4  }
0x3a: {  	[sflag:s25] =	ssyncadd.s32 $0xFFFFC000  }
0x3b: {  	[spmem:s2] =	stream.indirect.scatter.add.f32 [tilespmem:s20], [sflag:$0x2], $0x80, s23, s24, $0xb8;
	[tilespmem:$0x17D00] =	vst v63  }
0x3c: {  	s28 =	sadd.s32 $0xFFFFFFFF, s6;
	_ =	swait.ge [sflag:s21], $0x4000  }
0x3d: {  	s29 =	smov.u32 s18;
	s30 =	smov.u32 s19;
	[sflag:s21] =	ssyncset.done $0x0  }
.LBB2_2:
0x3e: {  	[sflag:s21] =	ssyncadd.s32 $0xFFFFC000;
	s29 =	sadd.s32 $0x10, s29;
	s30 =	sadd.s32 $0x10, s30  }
0x3f: {  	[tilespmem:s22], [sflag:$0x2] =	stream.linear.gather [hbm4b:s30+s3], $0x80, $0x38;
	[tilespmem:$0x17D00] =	vst v63  }
0x40: {  	p0 =	sne.s32 s28, $0x1;
	s28 =	sadd.s32 $0xFFFFFFFF, s28;
	_ =	swait.ge [sflag:s21], $0x80  }
0x41: {  	[sflag:s21] =	ssyncset.done $0x0  }
0x42: {  	[sflag:s21] =	ssyncadd.s32 $0xFFFFFF80  }
0x43: {  	[tilespmem:s23], [sflag:$0x2] =	stream.linear.gather [hbm4b:s29+s3], $0x80, $0x38;
	[tilespmem:$0x17D00] =	vst v63  }
0x44: {  	_ =	swait.ge [sflag:s21], $0x80  }
0x45: {  	[sflag:s21] =	ssyncset.done $0x0  }
0x46: {  	[sflag:s21] =	ssyncadd.s32 $0xFFFFFF80  }
0x47: {  	[tilespmem:s20], [sflag:$0x1] =	stream.indirect.gather [hbm4b:s4+s24], $0x80, s22, s24, $0xb8;
	[tilespmem:$0x17D00] =	vst v63  }
0x48: {  	_ =	swait.ge [sflag:s25], $0x4000  }
.Ltmp1:
0x49: {  	[sflag:s25] =	ssyncset.done $0x0;
	(pc) =	sbr.rel @p0 .LBB2_2-.Ltmp1, $4  }
0x4a: {  	[sflag:s25] =	ssyncadd.s32 $0xFFFFC000  }
0x4b: {  	[spmem:s2] =	stream.indirect.scatter.add.f32 [tilespmem:s20], [sflag:$0x2], $0x80, s23, s24, $0xb8;
	[tilespmem:$0x17D00] =	vst v63  }
0x4c: {  	_ =	swait.ge [sflag:s21], $0x4000  }
0x4d: {  	[sflag:s21] =	ssyncset.done $0x0  }
.LBB2_3:
0x4e: {  	[sflag:s21] =	ssyncadd.s32 $0xFFFFC000  }
0x4f: {  	[bflag:$0x0] =	sbarrier.arrive $0xFFFF  }
0x50: {  	[tilespmem:s20], [sflag:$0x2] =	stream.linear.gather [spmem:s7], $0x4000, $0x38;
	[tilespmem:$0x17D00] =	vst v63  }
0x51: {  	_ =	swait.ge [sflag:s21], $0x4000  }
0x52: {  	[sflag:s21] =	ssyncset.done $0x0  }
0x53: {  	[sflag:s21] =	ssyncadd.s32 $0xFFFFC000  }
0x54: {  	[hbm4b:s12+s3] =	stream.linear.scatter [tilespmem:s20], [sflag:$0x2], $0x4000, $0x38;
	[tilespmem:$0x17D00] =	vst v63  }
0x55: {  	_ =	swait.ge [sflag:s21], $0x4000  }
0x56: {  	[sflag:s21] =	ssyncset.done $0x0  }
0x57: {  	[sflag:s21] =	ssyncadd.s32 $0xFFFFC000  }
0x58: {  	[tilespmem:s20], [sflag:$0x2] =	stream.linear.gather [spmem:s8], $0x4000, $0x38;
	[tilespmem:$0x17D00] =	vst v63  }
0x59: {  	_ =	swait.ge [sflag:s21], $0x4000  }
0x5a: {  	[sflag:s21] =	ssyncset.done $0x0  }
0x5b: {  	[sflag:s21] =	ssyncadd.s32 $0xFFFFC000  }
0x5c: {  	[hbm4b:s13+s3] =	stream.linear.scatter [tilespmem:s20], [sflag:$0x2], $0x4000, $0x38;
	[tilespmem:$0x17D00] =	vst v63  }
0x5d: {  	_ =	swait.ge [sflag:s21], $0x4000  }
0x5e: {  	[sflag:s21] =	ssyncset.done $0x0  }
0x5f: {  	[sflag:s21] =	ssyncadd.s32 $0xFFFFC000  }
0x60: {  	[tilespmem:s20], [sflag:$0x2] =	stream.linear.gather [spmem:s9], $0x4000, $0x38;
	[tilespmem:$0x17D00] =	vst v63  }
0x61: {  	_ =	swait.ge [sflag:s21], $0x4000  }
0x62: {  	[sflag:s21] =	ssyncset.done $0x0  }
0x63: {  	[sflag:s21] =	ssyncadd.s32 $0xFFFFC000  }
0x64: {  	[hbm4b:s14+s3] =	stream.linear.scatter [tilespmem:s20], [sflag:$0x2], $0x4000, $0x38;
	[tilespmem:$0x17D00] =	vst v63  }
0x65: {  	_ =	swait.ge [sflag:s21], $0x4000  }
0x66: {  	[sflag:s21] =	ssyncset.done $0x0  }
0x67: {  	[sflag:s21] =	ssyncadd.s32 $0xFFFFC000  }
0x68: {  	[tilespmem:s20], [sflag:$0x2] =	stream.linear.gather [spmem:s10], $0x4000, $0x38;
	[tilespmem:$0x17D00] =	vst v63  }
0x69: {  	_ =	swait.ge [sflag:s21], $0x4000  }
0x6a: {  	[sflag:s21] =	ssyncset.done $0x0  }
0x6b: {  	[sflag:s21] =	ssyncadd.s32 $0xFFFFC000  }
0x6c: {  	[hbm4b:s15+s3] =	stream.linear.scatter [tilespmem:s20], [sflag:$0x2], $0x4000, $0x38;
	[tilespmem:$0x17D00] =	vst v63  }
0x6d: {  	_ =	swait.ge [sflag:s21], $0x4000  }
0x6e: {  	[sflag:s21] =	ssyncset.done $0x0  }
0x6f: {  	[sflag:s21] =	ssyncadd.s32 $0xFFFFC000  }
0x70: {  	[tilespmem:s20], [sflag:$0x2] =	stream.linear.gather [spmem:s11], $0x3C00, $0x38;
	[tilespmem:$0x17D00] =	vst v63  }
0x71: {  	s26 =	sadd.s32 $0x1, s26;
	_ =	swait.ge [sflag:s21], $0x3C00  }
0x72: {  	p0 =	sne.s32 s26, s17;
	[sflag:s21] =	ssyncset.done $0x0  }
.Ltmp2:
0x73: {  	[sflag:s21] =	ssyncadd.s32 $0xFFFFC400;
	(pc) =	sbr.rel @p0 .LBB2_1-.Ltmp2, $4  }
0x74: {  	[hbm4b:s16+s3] =	stream.linear.scatter [tilespmem:s20], [sflag:$0x2], $0x3C00, $0x38;
	[tilespmem:$0x17D00] =	vst v63  }
0x75: {  	_ =	swait.ge [sflag:s21], $0x3C00  }
0x76: {  	[sflag:s21] =	ssyncset.done $0x0  }
0x77: {  	[sflag:s21] =	ssyncadd.s32 $0xFFFFC400  }
0x78: {  	_ =	sfence.sel $0x180000  }
0x79: {  	[bflag:$0x0] =	sbarrier.arrive $0xFFFF  }
0x7a: {  	p0 =	sne.s32 s0, $0x0;
	_ =	strace $0x9000004A  }
0x7b: {  	s0 =	sadd.s32 @!p0 $0x100000, s1;
	[bflag:$0x2] =	sbarrier.arrive $0xFFFF  }
0x7c: {  	[sflag:s0] =	ssyncadd.tile.s32 @!p0 $0x1;
	_ =	shalt  }
.Lfunc_end2:
_tile_overlayer_lowered:
.L_overlay_start_2:
0x7d: {  	(tag) =	ssettag $0x2  }
0x7e: {  	s0 =	rddreg [dreg:$0x0];
	s2 =	stileid.u32  }
0x7f: {  	s1 =	rddreg [dreg:$0x1];
	p0 =	sne.s32 s2, $0x0  }
0x80: {  	s3 =	rddreg [dreg:$0x2];
	[bflag:$0x3] =	sbarrier.arrive $0xFFFF;
	s2 =	simm.s32 @!p0 $0x1C02  }
0x81: {  	[timem:s3], [sflag:s2] =	dma.local @!p0 [hbm:s0], s1  }
0x82: {  	s0 =	simm.s32 @!p0 $0x2  }
0x83: {  	_ =	swait.ge @!p0 [sflag:s0], s1  }
0x84: {  	s1 =	ssub.s32 @!p0 $0x0, s1;
	[sflag:s0] =	ssyncset.done @!p0 $0x0  }
0x85: {  	[sflag:s0] =	ssyncadd.s32 @!p0 s1  }
0x86: {  	[bflag:$0x3] =	sbarrier.arrive $0xFFFF  }
0x87: {  	_ =	shalt  }

// kernel: kernel.17.cloned.1.call-start
scs
__scs_entry_jumppad:
0x0: {  	(pc) =	sbr.rel $0x88, $3  }
0x1: {  	(tag) =	ssettag $0x0;
	lr =	simm.s32 $0x1  }
0x2: {  	[smem:$0x3F8E] =	sst lr;
	_ =	strace $0xD0000000  }
0x3: {  	_ = 	snop  }
0x4: {  	_ = 	snop  }
0x5: {  	_ = 	snop  }
0x6: {  	_ = 	snop  }
0x7: {  	_ = 	snop  }
__scs_overlays_trampoline_lowered:
0x8: {  	[smem:$0x3F9D] =	sst s0  }
0x9: {  	[smem:$0x3F9E] =	sst s1  }
0xa: {  	[smem:$0x3F9F] =	sst s2  }
0xb: {  	[smem:$0x3FA0] =	sst s3  }
0xc: {  	[smem:$0x3FA1] =	sst s4  }
0xd: {  	[smem:$0x3FA2] =	sst s5  }
0xe: {  	[smem:$0x3FA3] =	sst s6  }
0xf: {  	[smem:$0x3FA4] =	sst s7  }
0x10: {  	[smem:$0x3FA5] =	sst s8  }
0x11: {  	[smem:$0x3FA6] =	sst s9;
	s0 =	simm.s32 @!p0 $0x0  }
0x12: {  	s1 =	sld [smem:$0x3F8C];
	s0 =	simm.s32 @p0 $0x1  }
0x13: {  	[smem:$0x3FA7] =	sst s0;
	s0 =	simm.s32 @!p1 $0x0  }
0x14: {  	s2 =	sld [smem:$0x3F8B];
	s0 =	simm.s32 @p1 $0x1  }
0x15: {  	[smem:$0x3FA8] =	sst s0;
	s0 =	simm.s32 @!p2 $0x0  }
0x16: {  	s3 =	sld [smem:$0x3FDB];
	s0 =	simm.s32 @p2 $0x1  }
0x17: {  	s4 =	simm.s32 $0x1BF5;
	[smem:$0x3FAA] =	sst s0  }
0x18: {  	s0 =	sld [smem:$0x3F8D];
	_ =	swait.ge [sflag:s4], $0x0  }
0x19: {  	s7 =	sld [smem:$0x3F8E]  }
0x1a: {  	s8 =	sadd.s32 $0xFFFFE003, lr  }
0x1b: {  	s9 =	sadd.s32 $0xFFFFFEF7, lr;
	s5 =	simm.s32 $0xFFFFFFFF;
	p2 =	slt.u32 s8, $0xFFFFF086  }
0x1c: {  	p1 =	slt.u32 s9, $0xF7A;
	s5 =	simm.s32 @!p2 $0x0  }
0x1d: {  	s5 =	simm.s32 @p1 $0x1;
	p0 =	seq.s32 s7, s2  }
0x1e: {  	s7 =	smul.u32 @!p0 $0xF7A, s2;
	p2 =	seq.s32 @!p0 s5, $0x0  }
0x1f: {  	s9 =	smul.u32 $0xF7A, s1;
	s8 =	simm.s32 @!p0 $0x1BF5;
	p2 =	por !p2, p0  }
0x20: {  	[sflag:s8] =	ssyncset.s32 @!p0 $0xFFFFF086;
	s6 =	sadd.s32 @!p0 s3, s7;
	s7 =	simm.s32 @!p0 $0x108  }
0x21: {  	s3 =	sadd.s32 s3, s9;
	s6 =	sadd.s32 @!p0 $0x88, s6;
	s7 =	simm.s32 @p2 $0x1082  }
0x22: {  	[simem:s7], [sflag:s8] =	dma.local @!p0 [hbm:s6], $0xF7A  }
0x23: {  	s9 =	sor.u32 $0xD0000000, s2;
	s6 =	simm.s32 $0x108;
	_ =	swait.ge @!p0 [sflag:s8], $0x0  }
0x24: {  	s3 =	sadd.s32 $0x88, s3;
	s6 =	simm.s32 @!p1 $0x1082;
	[sflag:s4] =	ssyncset.s32 $0xFFFFF086  }
0x25: {  	[simem:s6], [sflag:s4] =	dma.local [hbm:s3], $0xF7A  }
0x26: {  	[smem:$0x3F8E] =	sst s1;
	(tag) =	ssettag s2;
	_ =	strace s9  }
0x27: {  	s1 =	sld [smem:$0x3F9E]  }
0x28: {  	s2 =	sld [smem:$0x3F9F]  }
0x29: {  	s4 =	sld [smem:$0x3FA1]  }
0x2a: {  	p0 =	seq.s32 s5, $0x0;
	s5 =	sld [smem:$0x3FA2]  }
0x2b: {  	s6 =	sld [smem:$0x3FA3]  }
0x2c: {  	s7 =	sld [smem:$0x3FA4]  }
0x2d: {  	s3 =	simm.s32 $0x108;
	s8 =	sld [smem:$0x3FA5]  }
0x2e: {  	s3 =	simm.s32 @!p0 $0x1082;
	s9 =	sld [smem:$0x3FA6]  }
0x2f: {  	lr =	sadd.s32 s0, s3;
	s0 =	sld [smem:$0x3F9D]  }
0x30: {  	s3 =	sld [smem:$0x3FA0]  }
0x31: {  	[smem:$0x3FA9] =	sst s10  }
0x32: {  	s10 =	sld [smem:$0x3FA7];
	_ =	sdelay $0x3  }
0x33: {  	p0 =	seq.s32 s10, $0x1;
	s10 =	sld [smem:$0x3FA9];
	_ =	sdelay $0x3  }
0x34: {  	[smem:$0x3FA9] =	sst s10  }
0x35: {  	s10 =	sld [smem:$0x3FA8];
	_ =	sdelay $0x3  }
0x36: {  	p1 =	seq.s32 s10, $0x1;
	s10 =	sld [smem:$0x3FA9];
	_ =	sdelay $0x3  }
0x37: {  	[smem:$0x3FA9] =	sst s10  }
0x38: {  	s10 =	sld [smem:$0x3FAA]  }
0x39: {  	_ = 	snop;
	(pc) =	sbr.ind lr, $3  }
0x3a: {  	_ = 	snop  }
0x3b: {  	_ = 	snop  }
0x3c: {  	p2 =	seq.s32 s10, $0x1;
	s10 =	sld [smem:$0x3FA9]  }
0x3d: {  	_ =	shalt  }
0x3e: {  	_ =	shalt  }
0x3f: {  	_ =	shalt  }
0x40: {  	_ =	shalt  }
0x41: {  	_ =	shalt  }
0x42: {  	_ =	shalt  }
0x43: {  	_ =	shalt  }
0x44: {  	_ =	shalt  }
0x45: {  	_ =	shalt  }
0x46: {  	_ =	shalt  }
0x47: {  	_ =	shalt  }
0x48: {  	_ =	shalt  }
0x49: {  	_ =	shalt  }
0x4a: {  	_ =	shalt  }
0x4b: {  	_ =	shalt  }
0x4c: {  	_ =	shalt  }
0x4d: {  	_ =	shalt  }
0x4e: {  	_ =	shalt  }
0x4f: {  	_ =	shalt  }
0x50: {  	_ =	shalt  }
0x51: {  	_ =	shalt  }
0x52: {  	_ =	shalt  }
0x53: {  	_ =	shalt  }
0x54: {  	_ =	shalt  }
0x55: {  	_ =	shalt  }
0x56: {  	_ =	shalt  }
0x57: {  	_ =	shalt  }
0x58: {  	_ =	shalt  }
0x59: {  	_ =	shalt  }
0x5a: {  	_ =	shalt  }
0x5b: {  	_ =	shalt  }
0x5c: {  	_ =	shalt  }
0x5d: {  	_ =	shalt  }
0x5e: {  	_ =	shalt  }
0x5f: {  	_ =	shalt  }
0x60: {  	_ =	shalt  }
0x61: {  	_ =	shalt  }
0x62: {  	_ =	shalt  }
0x63: {  	_ =	shalt  }
0x64: {  	_ =	shalt  }
0x65: {  	_ =	shalt  }
0x66: {  	_ =	shalt  }
0x67: {  	_ =	shalt  }
0x68: {  	_ =	shalt  }
0x69: {  	_ =	shalt  }
0x6a: {  	_ =	shalt  }
0x6b: {  	_ =	shalt  }
0x6c: {  	_ =	shalt  }
0x6d: {  	_ =	shalt  }
0x6e: {  	_ =	shalt  }
0x6f: {  	_ =	shalt  }
0x70: {  	_ =	shalt  }
0x71: {  	_ =	shalt  }
0x72: {  	_ =	shalt  }
0x73: {  	_ =	shalt  }
0x74: {  	_ =	shalt  }
0x75: {  	_ =	shalt  }
0x76: {  	_ =	shalt  }
0x77: {  	_ =	shalt  }
0x78: {  	_ =	shalt  }
0x79: {  	_ =	shalt  }
0x7a: {  	_ =	shalt  }
0x7b: {  	_ =	shalt  }
0x7c: {  	_ =	shalt  }
0x7d: {  	_ =	shalt  }
0x7e: {  	_ =	shalt  }
0x7f: {  	_ =	shalt  }
0x80: {  	_ =	shalt  }
0x81: {  	_ =	shalt  }
0x82: {  	_ =	shalt  }
0x83: {  	_ =	shalt  }
0x84: {  	_ =	shalt  }
0x85: {  	_ =	shalt  }
0x86: {  	_ =	shalt  }
0x87: {  	_ =	shalt  }
.Lfunc_end0:
.L_simem_size_0:
called_computation.2_lowered:
.L_overlay_start_0:
0x88: {  	s2 =	sld [smem:$0x3FD9]  }
0x89: {  	s3 =	sld [smem:$0x3FFE];
	_ =	sdelay $0x1  }
0x8a: {  	s1 =	srdreg.scid  }
0x8b: {  	s0 =	sand.u32 $0x1, s1  }
0x8c: {  	s17 =	sshll.u32 s0, $0xA;
	s2 =	sadd.s32 s3, s2  }
0x8d: {  	s2 =	sadd.s32 s2, s17  }
0x8e: {  	[smem:$0x3FB5] =	sst s2  }
0x8f: {  	_ = 	snop  }
0x90: {  	(tm) =	ssettm $0x1  }
0x91: {  	s18 =	sld [smem:$0x3FFB];
	_ =	sdelay $0x3  }
0x92: {  	_ =	strace s18  }
0x93: {  	s2 =	sld [smem:$0x3FFC];
	_ =	sdelay $0x3  }
0x94: {  	_ =	strace s2  }
0x95: {  	s2 =	sld [smem:$0x3FFD];
	_ =	sdelay $0x3  }
0x96: {  	_ =	strace s2  }
0x97: {  	_ =	strace $0x8FFFFFFF  }
0x98: {  	s19 =	sld [smem:$0x3FDB];
	_ =	sdelay $0x1  }
0x99: {  	s20 =	simm.s32 $_scs_section_size  }
0x9a: {  	s4 =	simm.s32 $_size__tile_overlayer_lowered;
	s5 =	simm.s32 $_tile_overlayer_lowered  }
0x9b: {  	s6 =	simm.s32 $0x1BFF;
	s21 =	sshll.u32 s5, $0x1;
	s3 =	sadd.s32 s20, s19  }
0x9c: {  	s22 =	simm.s32 $0x0;
	s4 =	sshll.u32 s4, $0x1;
	s5 =	sadd.s32 s21, s3  }
0x9d: {  	[timem:s22], [sflag:s6] =	dma.local [hbm:s5], s4  }
0x9e: {  	_ =	swait.ge [sflag:s6], s4  }
0x9f: {  	s4 =	ssub.s32 $0x0, s4;
	[sflag:s6] =	ssyncset.done $0x0  }
0xa0: {  	[sflag:s6] =	ssyncadd.s32 s4;
	_ =	sdelay $0x1  }
0xa1: {  	s23 =	simm.s32 $0x1B8B  }
0xa2: {  	_ =	swait.ge [sflag:s23], $0x1  }
0xa3: {  	[sflag:s23] =	ssyncset.done $0x0  }
0xa4: {  	[sflag:s23] =	ssyncadd.s32 $0xFFFFFFFF  }
0xa5: {  	s4 =	sld [smem:$0x0]  }
0xa6: {  	s5 =	sand.u32 $0xFFFFFFFE, s1  }
0xa7: {  	p0 =	sne.s32 s1, s5  }
0xa8: {  	s5 =	sshll.u32 @p0 s5, $0xE  }
0xa9: {  	s5 =	sadd.s32 @p0 $0x11B8D, s5;
	s6 =	sshll.u32 @p0 s4, $0x11  }
0xaa: {  	s5 =	sor.u32 @p0 s6, s5  }
0xab: {  	[sflag:s5] =	ssyncadd.remote.s32 @p0 $0x1;
	_ =	sdelay $0x1  }
0xac: {  	s5 =	simm.s32 @p0 $0x1B8D  }
0xad: {  	_ =	swait.eq @p0 [sflag:s5], $0x1  }
0xae: {  	[sflag:s5] =	ssyncadd.s32 @p0 $0xFFFFFFFF  }
0xaf: {  	s6 =	sshll.u32 @!p0 s1, $0xE  }
0xb0: {  	s6 =	sor.u32 @!p0 $0x4000, s6;
	s5 =	simm.s32 @!p0 $0x1B8D  }
0xb1: {  	s4 =	sshll.u32 @!p0 s4, $0x11;
	s6 =	sadd.s32 @!p0 $0x11B8D, s6;
	_ =	swait.eq @!p0 [sflag:s5], $0x1  }
0xb2: {  	s4 =	sor.u32 @!p0 s4, s6;
	[sflag:s5] =	ssyncadd.s32 @!p0 $0xFFFFFFFF  }
0xb3: {  	s25 =	simm.s32 $0x1B8E;
	s24 =	sld [smem:$0x3FFE];
	[sflag:s4] =	ssyncadd.remote.s32 @!p0 $0x1  }
0xb4: {  	s26 =	simm.s32 $execute0_lowered;
	[smem:$0x3FD2] =	sst s25  }
0xb5: {  	s5 =	sshll.u32 s26, $0x1;
	_ =	strace $0x8000004C;
	[dreg:$0x1] =	wrdreg $0xFFFFFFFF  }
0xb6: {  	s28 =	simm.s32 $_size_execute0_lowered;
	s3 =	sadd.s32 s3, s5;
	[dreg:$0x0] =	wrdreg $0x0  }
0xb7: {  	s5 =	sshll.u32 s28, $0x1;
	[dreg:$0x2] =	wrdreg s3  }
0xb8: {  	[dreg:$0x3] =	wrdreg s5  }
0xb9: {  	[dreg:$0x4] =	wrdreg $0xC0  }
0xba: {  	_ =	task [dreg:s22], $0x5FFFF  }
0xbb: {  	[dreg:$0x1] =	wrdreg $0xFFFFFFFF  }
0xbc: {  	[dreg:$0x0] =	wrdreg $0x60  }
0xbd: {  	[dreg:$0x2] =	wrdreg s24  }
0xbe: {  	[dreg:$0x3] =	wrdreg $0x0  }
0xbf: {  	[dreg:$0x4] =	wrdreg $0xA  }
0xc0: {  	_ =	task.clear_ibuf [dreg:s22], $0x5FFFF;
	_ =	strace $0x9000004C  }
0xc1: {  	s29 =	simm.s32 $0xA;
	_ =	strace $0x8000004E  }
0xc2: {  	_ =	swait.ge [sflag:s29], $0x1  }
0xc3: {  	[sflag:s29] =	ssyncadd.s32 $0xFFFFFFFF  }
0xc4: {  	_ =	strace $0x9000004E  }
0xc5: {  	_ =	sfence  }
0xc6: {  	s30 =	sld [smem:$0x0];
	_ =	sdelay $0x2  }
0xc7: {  	s31 =	sshll.u32 s1, $0xD;
	s1 =	sshrl.u32 s1, $0x2  }
0xc8: {  	s4 =	sand.u32 $0x4000, s31;
	s1 =	sadd.s32 s1, s30  }
0xc9: {  	s0 =	sor.u32 s4, s0;
	s1 =	sshll.u32 s1, $0x11  }
0xca: {  	s0 =	sor.u32 s1, s0  }
0xcb: {  	s0 =	sadd.s32 $0x8F2B, s0  }
0xcc: {  	[sflag:s0] =	ssyncadd.remote.s32 $0x1  }
0xcd: {  	_ =	sfence.sel $0xFFFF  }
0xce: {  	[dreg:$0x0] =	wrdreg $0xFFFFFFFF;
	(pc) =	sbr.abs _section_cstart, $3  }
0xcf: {  	[dreg:$0x1] =	wrdreg $0xFFFFFFFF  }
0xd0: {  	_ =	task.clear_ibuf [dreg:s22], $0x2FFFF;
	_ =	strace $0x9FFFFFFF  }
0xd1: {  	(tm) =	ssettm $0x7FFFFFFF  }
tec
execute0_lowered:
.L_overlay_start_1:
0x0: {  	(tag) =	ssettag $0x1  }
0x1: {  	s0 =	stileid.u32;
	s6 =	rddreg [dreg:$0x0]  }
0x2: {  	s1 =	srdreg.scid;
	s2 =	rddreg [dreg:$0x1];
	s22 =	simm.s32 $0x13C00  }
0x3: {  	s23 =	simm.s32 $0x13C80;
	s24 =	simm.s32 $0x80;
	s3 =	smul.u32 $0x2E, s0  }
0x4: {  	s25 =	simm.s32 $0x1;
	s26 =	simm.s32 $0x0;
	s4 =	smul.u32 $0x70, s0  }
0x5: {  	s8 =	sand.u32 $0x1, s1;
	s1 =	rddreg [dreg:$0x2];
	s9 =	smul.u32 $0x4F000, s0  }
0x6: {  	s16 =	sadd.s32 $0xC0600, s6;
	s11 =	smul.u32 $0x13C00, s0;
	p0 =	seq.s32 s8, $0x0  }
0x7: {  	s7 =	ssub.s32 $0x2, s8;
	s18 =	smul.u32 $0x13C000, s8;
	s5 =	sadd.s32 $0x700, s3  }
0x8: {  	s3 =	simm.s32 $0x0;
	s30 =	sshrl.u32 s7, $0x1;
	s31 =	sshrl.u32 s9, $0x2  }
0x9: {  	s12 =	sadd.s32 $0x4000, s11;
	s14 =	sadd.s32 $0x8000, s11;
	s15 =	sadd.s32 $0xC000, s11  }
0xa: {  	s20 =	sadd.s32 $0x10000, s11;
	s5 =	smov.u32 @p0 s4;
	[smem:$0x7FF] =	sst s3  }
0xb: {  	s4 =	sadd.s32 $0x40600, s6;
	s17 =	ssub.s32 s7, s30;
	s7 =	sadd.s32 s31, s2  }
0xc: {  	s8 =	sadd.s32 s12, s2;
	s9 =	sadd.s32 s14, s2;
	s10 =	sadd.s32 s15, s2  }
0xd: {  	s13 =	sadd.s32 s11, s18;
	s12 =	sadd.s32 s18, s12;
	s11 =	sadd.s32 s20, s2  }
0xe: {  	s14 =	sadd.s32 s18, s14;
	s15 =	sadd.s32 s18, s15;
	s18 =	sadd.s32 s18, s20  }
0xf: {  	s20 =	simm.s32 $0x13D00;
	s5 =	sshll.u32 s5, $0x4;
	_ =	strace $0x8000004D  }
0x10: {  	s13 =	sshrl.u32 s13, $0x3;
	s21 =	sshrl.u32 s12, $0x3;
	s14 =	sshrl.u32 s14, $0x3  }
0x11: {  	s15 =	sshrl.u32 s15, $0x3;
	s18 =	sshrl.u32 s18, $0x3;
	s17 =	smax.u32 s17, $0x1  }
0x12: {  	s19 =	sadd.s32 s5, s6;
	s5 =	sadd.s32 $0x13000, s6;
	s6 =	simm.s32 $0x70  }
0x13: {  	s12 =	sadd.s32 s16, s13;
	s13 =	sadd.s32 s16, s21;
	s14 =	sadd.s32 s16, s14  }
0x14: {  	s15 =	sadd.s32 s16, s15;
	s16 =	sadd.s32 s16, s18;
	s21 =	simm.s32 $0x2  }
0x15: {  	s6 =	simm.s32 @!p0 $0x2E;
	s18 =	sadd.s32 $0x4200, s19;
	s19 =	sadd.s32 $0xB6800, s19  }
.LBB2_1:
0x16: {  	[tilespmem:s20], [sflag:$0x2] =	stream.linear.gather [hbm4b:s5+s3], $0x4000, $0x38;
	[tilespmem:$0x17D00] =	vst v63  }
0x17: {  	_ =	swait.ge [sflag:s21], $0x4000  }
0x18: {  	[sflag:s21] =	ssyncset.done $0x0  }
0x19: {  	[sflag:s21] =	ssyncadd.s32 $0xFFFFC000  }
0x1a: {  	[spmem:s7] =	stream.linear.scatter [tilespmem:s20], [sflag:$0x2], $0x4000, $0x38;
	[tilespmem:$0x17D00] =	vst v63  }
0x1b: {  	_ =	swait.ge [sflag:s21], $0x4000  }
0x1c: {  	[sflag:s21] =	ssyncset.done $0x0  }
0x1d: {  	[sflag:s21] =	ssyncadd.s32 $0xFFFFC000  }
0x1e: {  	[spmem:s8] =	stream.linear.scatter [tilespmem:s20], [sflag:$0x2], $0x4000, $0x38;
	[tilespmem:$0x17D00] =	vst v63  }
0x1f: {  	_ =	swait.ge [sflag:s21], $0x4000  }
0x20: {  	[sflag:s21] =	ssyncset.done $0x0  }
0x21: {  	[sflag:s21] =	ssyncadd.s32 $0xFFFFC000  }
0x22: {  	[spmem:s9] =	stream.linear.scatter [tilespmem:s20], [sflag:$0x2], $0x4000, $0x38;
	[tilespmem:$0x17D00] =	vst v63  }
0x23: {  	_ =	swait.ge [sflag:s21], $0x4000  }
0x24: {  	[sflag:s21] =	ssyncset.done $0x0  }
0x25: {  	[sflag:s21] =	ssyncadd.s32 $0xFFFFC000  }
0x26: {  	[spmem:s10] =	stream.linear.scatter [tilespmem:s20], [sflag:$0x2], $0x4000, $0x38;
	[tilespmem:$0x17D00] =	vst v63  }
0x27: {  	_ =	swait.ge [sflag:s21], $0x4000  }
0x28: {  	[sflag:s21] =	ssyncset.done $0x0  }
0x29: {  	[sflag:s21] =	ssyncadd.s32 $0xFFFFC000  }
0x2a: {  	[spmem:s11] =	stream.linear.scatter [tilespmem:s20], [sflag:$0x2], $0x3C00, $0x38;
	[tilespmem:$0x17D00] =	vst v63  }
0x2b: {  	_ =	swait.ge [sflag:s21], $0x3C00  }
0x2c: {  	[sflag:s21] =	ssyncset.done $0x0  }
0x2d: {  	[sflag:s21] =	ssyncadd.s32 $0xFFFFC400  }
0x2e: {  	[bflag:$0x0] =	sbarrier.arrive $0xFFFF  }
0x2f: {  	[tilespmem:s22], [sflag:$0x2] =	stream.linear.gather [hbm4b:s19+s3], $0x80, $0x38;
	[tilespmem:$0x17D00] =	vst v63  }
0x30: {  	_ =	swait.ge [sflag:s21], $0x80  }
0x31: {  	[sflag:s21] =	ssyncset.done $0x0  }
0x32: {  	[sflag:s21] =	ssyncadd.s32 $0xFFFFFF80  }
0x33: {  	[tilespmem:s23], [sflag:$0x2] =	stream.linear.gather [hbm4b:s18+s3], $0x80, $0x38;
	[tilespmem:$0x17D00] =	vst v63  }
0x34: {  	_ =	swait.ge [sflag:s21], $0x80  }
0x35: {  	[sflag:s21] =	ssyncset.done $0x0  }
0x36: {  	[sflag:s21] =	ssyncadd.s32 $0xFFFFFF80  }
0x37: {  	[tilespmem:s20], [sflag:$0x1] =	stream.indirect.gather [hbm4b:s4+s24], $0x80, s22, s24, $0xb8;
	[tilespmem:$0x17D00] =	vst v63  }
0x38: {  	p0 =	sne.s32 s6, $0x1;
	_ =	swait.ge [sflag:s25], $0x4000  }
.Ltmp0:
0x39: {  	[sflag:s25] =	ssyncset.done $0x0;
	(pc) =	sbr.rel @!p0 .LBB2_3-.Ltmp0, $4  }
0x3a: {  	[sflag:s25] =	ssyncadd.s32 $0xFFFFC000  }
0x3b: {  	[spmem:s2] =	stream.indirect.scatter.add.f32 [tilespmem:s20], [sflag:$0x2], $0x80, s23, s24, $0xb8;
	[tilespmem:$0x17D00] =	vst v63  }
0x3c: {  	s28 =	sadd.s32 $0xFFFFFFFF, s6;
	_ =	swait.ge [sflag:s21], $0x4000  }
0x3d: {  	s29 =	smov.u32 s18;
	s30 =	smov.u32 s19;
	[sflag:s21] =	ssyncset.done $0x0  }
.LBB2_2:
0x3e: {  	[sflag:s21] =	ssyncadd.s32 $0xFFFFC000;
	s29 =	sadd.s32 $0x10, s29;
	s30 =	sadd.s32 $0x10, s30  }
0x3f: {  	[tilespmem:s22], [sflag:$0x2] =	stream.linear.gather [hbm4b:s30+s3], $0x80, $0x38;
	[tilespmem:$0x17D00] =	vst v63  }
0x40: {  	p0 =	sne.s32 s28, $0x1;
	s28 =	sadd.s32 $0xFFFFFFFF, s28;
	_ =	swait.ge [sflag:s21], $0x80  }
0x41: {  	[sflag:s21] =	ssyncset.done $0x0  }
0x42: {  	[sflag:s21] =	ssyncadd.s32 $0xFFFFFF80  }
0x43: {  	[tilespmem:s23], [sflag:$0x2] =	stream.linear.gather [hbm4b:s29+s3], $0x80, $0x38;
	[tilespmem:$0x17D00] =	vst v63  }
0x44: {  	_ =	swait.ge [sflag:s21], $0x80  }
0x45: {  	[sflag:s21] =	ssyncset.done $0x0  }
0x46: {  	[sflag:s21] =	ssyncadd.s32 $0xFFFFFF80  }
0x47: {  	[tilespmem:s20], [sflag:$0x1] =	stream.indirect.gather [hbm4b:s4+s24], $0x80, s22, s24, $0xb8;
	[tilespmem:$0x17D00] =	vst v63  }
0x48: {  	_ =	swait.ge [sflag:s25], $0x4000  }
.Ltmp1:
0x49: {  	[sflag:s25] =	ssyncset.done $0x0;
	(pc) =	sbr.rel @p0 .LBB2_2-.Ltmp1, $4  }
0x4a: {  	[sflag:s25] =	ssyncadd.s32 $0xFFFFC000  }
0x4b: {  	[spmem:s2] =	stream.indirect.scatter.add.f32 [tilespmem:s20], [sflag:$0x2], $0x80, s23, s24, $0xb8;
	[tilespmem:$0x17D00] =	vst v63  }
0x4c: {  	_ =	swait.ge [sflag:s21], $0x4000  }
0x4d: {  	[sflag:s21] =	ssyncset.done $0x0  }
.LBB2_3:
0x4e: {  	[sflag:s21] =	ssyncadd.s32 $0xFFFFC000  }
0x4f: {  	[bflag:$0x0] =	sbarrier.arrive $0xFFFF  }
0x50: {  	[tilespmem:s20], [sflag:$0x2] =	stream.linear.gather [spmem:s7], $0x4000, $0x38;
	[tilespmem:$0x17D00] =	vst v63  }
0x51: {  	_ =	swait.ge [sflag:s21], $0x4000  }
0x52: {  	[sflag:s21] =	ssyncset.done $0x0  }
0x53: {  	[sflag:s21] =	ssyncadd.s32 $0xFFFFC000  }
0x54: {  	[hbm4b:s12+s3] =	stream.linear.scatter [tilespmem:s20], [sflag:$0x2], $0x4000, $0x38;
	[tilespmem:$0x17D00] =	vst v63  }
0x55: {  	_ =	swait.ge [sflag:s21], $0x4000  }
0x56: {  	[sflag:s21] =	ssyncset.done $0x0  }
0x57: {  	[sflag:s21] =	ssyncadd.s32 $0xFFFFC000  }
0x58: {  	[tilespmem:s20], [sflag:$0x2] =	stream.linear.gather [spmem:s8], $0x4000, $0x38;
	[tilespmem:$0x17D00] =	vst v63  }
0x59: {  	_ =	swait.ge [sflag:s21], $0x4000  }
0x5a: {  	[sflag:s21] =	ssyncset.done $0x0  }
0x5b: {  	[sflag:s21] =	ssyncadd.s32 $0xFFFFC000  }
0x5c: {  	[hbm4b:s13+s3] =	stream.linear.scatter [tilespmem:s20], [sflag:$0x2], $0x4000, $0x38;
	[tilespmem:$0x17D00] =	vst v63  }
0x5d: {  	_ =	swait.ge [sflag:s21], $0x4000  }
0x5e: {  	[sflag:s21] =	ssyncset.done $0x0  }
0x5f: {  	[sflag:s21] =	ssyncadd.s32 $0xFFFFC000  }
0x60: {  	[tilespmem:s20], [sflag:$0x2] =	stream.linear.gather [spmem:s9], $0x4000, $0x38;
	[tilespmem:$0x17D00] =	vst v63  }
0x61: {  	_ =	swait.ge [sflag:s21], $0x4000  }
0x62: {  	[sflag:s21] =	ssyncset.done $0x0  }
0x63: {  	[sflag:s21] =	ssyncadd.s32 $0xFFFFC000  }
0x64: {  	[hbm4b:s14+s3] =	stream.linear.scatter [tilespmem:s20], [sflag:$0x2], $0x4000, $0x38;
	[tilespmem:$0x17D00] =	vst v63  }
0x65: {  	_ =	swait.ge [sflag:s21], $0x4000  }
0x66: {  	[sflag:s21] =	ssyncset.done $0x0  }
0x67: {  	[sflag:s21] =	ssyncadd.s32 $0xFFFFC000  }
0x68: {  	[tilespmem:s20], [sflag:$0x2] =	stream.linear.gather [spmem:s10], $0x4000, $0x38;
	[tilespmem:$0x17D00] =	vst v63  }
0x69: {  	_ =	swait.ge [sflag:s21], $0x4000  }
0x6a: {  	[sflag:s21] =	ssyncset.done $0x0  }
0x6b: {  	[sflag:s21] =	ssyncadd.s32 $0xFFFFC000  }
0x6c: {  	[hbm4b:s15+s3] =	stream.linear.scatter [tilespmem:s20], [sflag:$0x2], $0x4000, $0x38;
	[tilespmem:$0x17D00] =	vst v63  }
0x6d: {  	_ =	swait.ge [sflag:s21], $0x4000  }
0x6e: {  	[sflag:s21] =	ssyncset.done $0x0  }
0x6f: {  	[sflag:s21] =	ssyncadd.s32 $0xFFFFC000  }
0x70: {  	[tilespmem:s20], [sflag:$0x2] =	stream.linear.gather [spmem:s11], $0x3C00, $0x38;
	[tilespmem:$0x17D00] =	vst v63  }
0x71: {  	s26 =	sadd.s32 $0x1, s26;
	_ =	swait.ge [sflag:s21], $0x3C00  }
0x72: {  	p0 =	sne.s32 s26, s17;
	[sflag:s21] =	ssyncset.done $0x0  }
.Ltmp2:
0x73: {  	[sflag:s21] =	ssyncadd.s32 $0xFFFFC400;
	(pc) =	sbr.rel @p0 .LBB2_1-.Ltmp2, $4  }
0x74: {  	[hbm4b:s16+s3] =	stream.linear.scatter [tilespmem:s20], [sflag:$0x2], $0x3C00, $0x38;
	[tilespmem:$0x17D00] =	vst v63  }
0x75: {  	_ =	swait.ge [sflag:s21], $0x3C00  }
0x76: {  	[sflag:s21] =	ssyncset.done $0x0  }
0x77: {  	[sflag:s21] =	ssyncadd.s32 $0xFFFFC400  }
0x78: {  	_ =	sfence.sel $0x180000  }
0x79: {  	[bflag:$0x0] =	sbarrier.arrive $0xFFFF  }
0x7a: {  	p0 =	sne.s32 s0, $0x0;
	_ =	strace $0x9000004D  }
0x7b: {  	s0 =	sadd.s32 @!p0 $0x100000, s1;
	[bflag:$0x2] =	sbarrier.arrive $0xFFFF  }
0x7c: {  	[sflag:s0] =	ssyncadd.tile.s32 @!p0 $0x1;
	_ =	shalt  }
.Lfunc_end2:
_tile_overlayer_lowered:
.L_overlay_start_2:
0x7d: {  	(tag) =	ssettag $0x2  }
0x7e: {  	s0 =	rddreg [dreg:$0x0];
	s2 =	stileid.u32  }
0x7f: {  	s1 =	rddreg [dreg:$0x1];
	p0 =	sne.s32 s2, $0x0  }
0x80: {  	s3 =	rddreg [dreg:$0x2];
	[bflag:$0x3] =	sbarrier.arrive $0xFFFF;
	s2 =	simm.s32 @!p0 $0x1C02  }
0x81: {  	[timem:s3], [sflag:s2] =	dma.local @!p0 [hbm:s0], s1  }
0x82: {  	s0 =	simm.s32 @!p0 $0x2  }
0x83: {  	_ =	swait.ge @!p0 [sflag:s0], s1  }
0x84: {  	s1 =	ssub.s32 @!p0 $0x0, s1;
	[sflag:s0] =	ssyncset.done @!p0 $0x0  }
0x85: {  	[sflag:s0] =	ssyncadd.s32 @!p0 s1  }
0x86: {  	[bflag:$0x3] =	sbarrier.arrive $0xFFFF  }
0x87: {  	_ =	shalt  }

// kernel: kernel.20.cloned.1.call-start
scs
__scs_entry_jumppad:
0x0: {  	(pc) =	sbr.rel $0x88, $3  }
0x1: {  	(tag) =	ssettag $0x0;
	lr =	simm.s32 $0x1  }
0x2: {  	[smem:$0x3F8E] =	sst lr;
	_ =	strace $0xD0000000  }
0x3: {  	_ = 	snop  }
0x4: {  	_ = 	snop  }
0x5: {  	_ = 	snop  }
0x6: {  	_ = 	snop  }
0x7: {  	_ = 	snop  }
__scs_overlays_trampoline_lowered:
0x8: {  	[smem:$0x3F9D] =	sst s0  }
0x9: {  	[smem:$0x3F9E] =	sst s1  }
0xa: {  	[smem:$0x3F9F] =	sst s2  }
0xb: {  	[smem:$0x3FA0] =	sst s3  }
0xc: {  	[smem:$0x3FA1] =	sst s4  }
0xd: {  	[smem:$0x3FA2] =	sst s5  }
0xe: {  	[smem:$0x3FA3] =	sst s6  }
0xf: {  	[smem:$0x3FA4] =	sst s7  }
0x10: {  	[smem:$0x3FA5] =	sst s8  }
0x11: {  	[smem:$0x3FA6] =	sst s9;
	s0 =	simm.s32 @!p0 $0x0  }
0x12: {  	s1 =	sld [smem:$0x3F8C];
	s0 =	simm.s32 @p0 $0x1  }
0x13: {  	[smem:$0x3FA7] =	sst s0;
	s0 =	simm.s32 @!p1 $0x0  }
0x14: {  	s2 =	sld [smem:$0x3F8B];
	s0 =	simm.s32 @p1 $0x1  }
0x15: {  	[smem:$0x3FA8] =	sst s0;
	s0 =	simm.s32 @!p2 $0x0  }
0x16: {  	s3 =	sld [smem:$0x3FDB];
	s0 =	simm.s32 @p2 $0x1  }
0x17: {  	s4 =	simm.s32 $0x1BF5;
	[smem:$0x3FAA] =	sst s0  }
0x18: {  	s0 =	sld [smem:$0x3F8D];
	_ =	swait.ge [sflag:s4], $0x0  }
0x19: {  	s7 =	sld [smem:$0x3F8E]  }
0x1a: {  	s8 =	sadd.s32 $0xFFFFE003, lr  }
0x1b: {  	s9 =	sadd.s32 $0xFFFFFEF7, lr;
	s5 =	simm.s32 $0xFFFFFFFF;
	p2 =	slt.u32 s8, $0xFFFFF086  }
0x1c: {  	p1 =	slt.u32 s9, $0xF7A;
	s5 =	simm.s32 @!p2 $0x0  }
0x1d: {  	s5 =	simm.s32 @p1 $0x1;
	p0 =	seq.s32 s7, s2  }
0x1e: {  	s7 =	smul.u32 @!p0 $0xF7A, s2;
	p2 =	seq.s32 @!p0 s5, $0x0  }
0x1f: {  	s9 =	smul.u32 $0xF7A, s1;
	s8 =	simm.s32 @!p0 $0x1BF5;
	p2 =	por !p2, p0  }
0x20: {  	[sflag:s8] =	ssyncset.s32 @!p0 $0xFFFFF086;
	s6 =	sadd.s32 @!p0 s3, s7;
	s7 =	simm.s32 @!p0 $0x108  }
0x21: {  	s3 =	sadd.s32 s3, s9;
	s6 =	sadd.s32 @!p0 $0x88, s6;
	s7 =	simm.s32 @p2 $0x1082  }
0x22: {  	[simem:s7], [sflag:s8] =	dma.local @!p0 [hbm:s6], $0xF7A  }
0x23: {  	s9 =	sor.u32 $0xD0000000, s2;
	s6 =	simm.s32 $0x108;
	_ =	swait.ge @!p0 [sflag:s8], $0x0  }
0x24: {  	s3 =	sadd.s32 $0x88, s3;
	s6 =	simm.s32 @!p1 $0x1082;
	[sflag:s4] =	ssyncset.s32 $0xFFFFF086  }
0x25: {  	[simem:s6], [sflag:s4] =	dma.local [hbm:s3], $0xF7A  }
0x26: {  	[smem:$0x3F8E] =	sst s1;
	(tag) =	ssettag s2;
	_ =	strace s9  }
0x27: {  	s1 =	sld [smem:$0x3F9E]  }
0x28: {  	s2 =	sld [smem:$0x3F9F]  }
0x29: {  	s4 =	sld [smem:$0x3FA1]  }
0x2a: {  	p0 =	seq.s32 s5, $0x0;
	s5 =	sld [smem:$0x3FA2]  }
0x2b: {  	s6 =	sld [smem:$0x3FA3]  }
0x2c: {  	s7 =	sld [smem:$0x3FA4]  }
0x2d: {  	s3 =	simm.s32 $0x108;
	s8 =	sld [smem:$0x3FA5]  }
0x2e: {  	s3 =	simm.s32 @!p0 $0x1082;
	s9 =	sld [smem:$0x3FA6]  }
0x2f: {  	lr =	sadd.s32 s0, s3;
	s0 =	sld [smem:$0x3F9D]  }
0x30: {  	s3 =	sld [smem:$0x3FA0]  }
0x31: {  	[smem:$0x3FA9] =	sst s10  }
0x32: {  	s10 =	sld [smem:$0x3FA7];
	_ =	sdelay $0x3  }
0x33: {  	p0 =	seq.s32 s10, $0x1;
	s10 =	sld [smem:$0x3FA9];
	_ =	sdelay $0x3  }
0x34: {  	[smem:$0x3FA9] =	sst s10  }
0x35: {  	s10 =	sld [smem:$0x3FA8];
	_ =	sdelay $0x3  }
0x36: {  	p1 =	seq.s32 s10, $0x1;
	s10 =	sld [smem:$0x3FA9];
	_ =	sdelay $0x3  }
0x37: {  	[smem:$0x3FA9] =	sst s10  }
0x38: {  	s10 =	sld [smem:$0x3FAA]  }
0x39: {  	_ = 	snop;
	(pc) =	sbr.ind lr, $3  }
0x3a: {  	_ = 	snop  }
0x3b: {  	_ = 	snop  }
0x3c: {  	p2 =	seq.s32 s10, $0x1;
	s10 =	sld [smem:$0x3FA9]  }
0x3d: {  	_ =	shalt  }
0x3e: {  	_ =	shalt  }
0x3f: {  	_ =	shalt  }
0x40: {  	_ =	shalt  }
0x41: {  	_ =	shalt  }
0x42: {  	_ =	shalt  }
0x43: {  	_ =	shalt  }
0x44: {  	_ =	shalt  }
0x45: {  	_ =	shalt  }
0x46: {  	_ =	shalt  }
0x47: {  	_ =	shalt  }
0x48: {  	_ =	shalt  }
0x49: {  	_ =	shalt  }
0x4a: {  	_ =	shalt  }
0x4b: {  	_ =	shalt  }
0x4c: {  	_ =	shalt  }
0x4d: {  	_ =	shalt  }
0x4e: {  	_ =	shalt  }
0x4f: {  	_ =	shalt  }
0x50: {  	_ =	shalt  }
0x51: {  	_ =	shalt  }
0x52: {  	_ =	shalt  }
0x53: {  	_ =	shalt  }
0x54: {  	_ =	shalt  }
0x55: {  	_ =	shalt  }
0x56: {  	_ =	shalt  }
0x57: {  	_ =	shalt  }
0x58: {  	_ =	shalt  }
0x59: {  	_ =	shalt  }
0x5a: {  	_ =	shalt  }
0x5b: {  	_ =	shalt  }
0x5c: {  	_ =	shalt  }
0x5d: {  	_ =	shalt  }
0x5e: {  	_ =	shalt  }
0x5f: {  	_ =	shalt  }
0x60: {  	_ =	shalt  }
0x61: {  	_ =	shalt  }
0x62: {  	_ =	shalt  }
0x63: {  	_ =	shalt  }
0x64: {  	_ =	shalt  }
0x65: {  	_ =	shalt  }
0x66: {  	_ =	shalt  }
0x67: {  	_ =	shalt  }
0x68: {  	_ =	shalt  }
0x69: {  	_ =	shalt  }
0x6a: {  	_ =	shalt  }
0x6b: {  	_ =	shalt  }
0x6c: {  	_ =	shalt  }
0x6d: {  	_ =	shalt  }
0x6e: {  	_ =	shalt  }
0x6f: {  	_ =	shalt  }
0x70: {  	_ =	shalt  }
0x71: {  	_ =	shalt  }
0x72: {  	_ =	shalt  }
0x73: {  	_ =	shalt  }
0x74: {  	_ =	shalt  }
0x75: {  	_ =	shalt  }
0x76: {  	_ =	shalt  }
0x77: {  	_ =	shalt  }
0x78: {  	_ =	shalt  }
0x79: {  	_ =	shalt  }
0x7a: {  	_ =	shalt  }
0x7b: {  	_ =	shalt  }
0x7c: {  	_ =	shalt  }
0x7d: {  	_ =	shalt  }
0x7e: {  	_ =	shalt  }
0x7f: {  	_ =	shalt  }
0x80: {  	_ =	shalt  }
0x81: {  	_ =	shalt  }
0x82: {  	_ =	shalt  }
0x83: {  	_ =	shalt  }
0x84: {  	_ =	shalt  }
0x85: {  	_ =	shalt  }
0x86: {  	_ =	shalt  }
0x87: {  	_ =	shalt  }
.Lfunc_end0:
.L_simem_size_0:
called_computation.3_lowered:
.L_overlay_start_0:
0x88: {  	s2 =	sld [smem:$0x3FD9]  }
0x89: {  	s3 =	sld [smem:$0x3FFE];
	_ =	sdelay $0x1  }
0x8a: {  	s1 =	srdreg.scid  }
0x8b: {  	s0 =	sand.u32 $0x1, s1  }
0x8c: {  	s16 =	sshll.u32 s0, $0xA;
	s2 =	sadd.s32 s3, s2  }
0x8d: {  	s2 =	sadd.s32 s2, s16  }
0x8e: {  	[smem:$0x3FB5] =	sst s2  }
0x8f: {  	_ = 	snop  }
0x90: {  	(tm) =	ssettm $0x1  }
0x91: {  	s17 =	sld [smem:$0x3FFB];
	_ =	sdelay $0x3  }
0x92: {  	_ =	strace s17  }
0x93: {  	s2 =	sld [smem:$0x3FFC];
	_ =	sdelay $0x3  }
0x94: {  	_ =	strace s2  }
0x95: {  	s2 =	sld [smem:$0x3FFD];
	_ =	sdelay $0x3  }
0x96: {  	_ =	strace s2  }
0x97: {  	_ =	strace $0x8FFFFFFF  }
0x98: {  	s18 =	sld [smem:$0x3FDB];
	_ =	sdelay $0x1  }
0x99: {  	s19 =	simm.s32 $_scs_section_size  }
0x9a: {  	s4 =	simm.s32 $_size__tile_overlayer_lowered;
	s5 =	simm.s32 $_tile_overlayer_lowered  }
0x9b: {  	s22 =	simm.s32 $0x1BFF;
	s21 =	sshll.u32 s5, $0x1;
	s2 =	sadd.s32 s19, s18  }
0x9c: {  	s6 =	simm.s32 $0x0;
	s20 =	sshll.u32 s4, $0x1;
	s4 =	sadd.s32 s21, s2  }
0x9d: {  	[timem:s6], [sflag:s22] =	dma.local [hbm:s4], s20  }
0x9e: {  	_ =	swait.ge [sflag:s22], s20  }
0x9f: {  	s3 =	ssub.s32 $0x0, s20;
	[sflag:s22] =	ssyncset.done $0x0  }
0xa0: {  	[sflag:s22] =	ssyncadd.s32 s3;
	_ =	sdelay $0x1  }
0xa1: {  	s23 =	simm.s32 $0x1B8B  }
0xa2: {  	_ =	swait.ge [sflag:s23], $0x1  }
0xa3: {  	[sflag:s23] =	ssyncset.done $0x0  }
0xa4: {  	s25 =	simm.s32 $0x1B8E;
	s24 =	sld [smem:$0x3FFE];
	[sflag:s23] =	ssyncadd.s32 $0xFFFFFFFF  }
0xa5: {  	s26 =	simm.s32 $execute0_lowered;
	[smem:$0x3FD2] =	sst s25  }
0xa6: {  	s4 =	sshll.u32 s26, $0x1;
	_ =	strace $0x8000004F;
	[dreg:$0x1] =	wrdreg $0xFFFFFFFF  }
0xa7: {  	s28 =	simm.s32 $_size_execute0_lowered;
	s2 =	sadd.s32 s2, s4;
	[dreg:$0x0] =	wrdreg $0x0  }
0xa8: {  	s4 =	sshll.u32 s28, $0x1;
	[dreg:$0x2] =	wrdreg s2  }
0xa9: {  	[dreg:$0x3] =	wrdreg s4  }
0xaa: {  	[dreg:$0x4] =	wrdreg $0xC0  }
0xab: {  	_ =	task [dreg:s6], $0x5FFFF  }
0xac: {  	[dreg:$0x1] =	wrdreg $0xFFFFFFFF  }
0xad: {  	[dreg:$0x0] =	wrdreg $0x60  }
0xae: {  	[dreg:$0x2] =	wrdreg s24  }
0xaf: {  	[dreg:$0x3] =	wrdreg $0x0  }
0xb0: {  	[dreg:$0x4] =	wrdreg $0x9  }
0xb1: {  	_ =	task.clear_ibuf [dreg:s6], $0x5FFFF;
	_ =	strace $0x9000004F  }
0xb2: {  	s29 =	simm.s32 $0x9;
	_ =	strace $0x80000051  }
0xb3: {  	_ =	swait.ge [sflag:s29], $0x1  }
0xb4: {  	[sflag:s29] =	ssyncadd.s32 $0xFFFFFFFF  }
0xb5: {  	_ =	strace $0x90000051  }
0xb6: {  	_ =	sfence  }
0xb7: {  	s30 =	sld [smem:$0x0];
	_ =	sdelay $0x2  }
0xb8: {  	s31 =	sshll.u32 s1, $0xD;
	s1 =	sshrl.u32 s1, $0x2  }
0xb9: {  	s3 =	sand.u32 $0x4000, s31;
	s1 =	sadd.s32 s1, s30  }
0xba: {  	s0 =	sor.u32 s3, s0;
	s1 =	sshll.u32 s1, $0x11  }
0xbb: {  	s0 =	sor.u32 s1, s0  }
0xbc: {  	s0 =	sadd.s32 $0x8F2B, s0  }
0xbd: {  	[sflag:s0] =	ssyncadd.remote.s32 $0x1  }
0xbe: {  	_ =	sfence.sel $0xFFFF  }
0xbf: {  	[dreg:$0x0] =	wrdreg $0xFFFFFFFF;
	(pc) =	sbr.abs _section_cstart, $3  }
0xc0: {  	[dreg:$0x1] =	wrdreg $0xFFFFFFFF  }
0xc1: {  	_ =	task.clear_ibuf [dreg:s6], $0x2FFFF;
	_ =	strace $0x9FFFFFFF  }
0xc2: {  	(tm) =	ssettm $0x7FFFFFFF  }
0xc3: {  	_ =	shalt  }
tec
execute0_lowered:
.L_overlay_start_1:
0x0: {  	(tag) =	ssettag $0x1  }
0x1: {  	s0 =	stileid.u32;
	s6 =	rddreg [dreg:$0x0]  }
0x2: {  	s1 =	srdreg.scid;
	s2 =	rddreg [dreg:$0x1];
	s22 =	simm.s32 $0x13C00  }
0x3: {  	s23 =	simm.s32 $0x13C80;
	s24 =	simm.s32 $0x80;
	s3 =	smul.u32 $0x2E, s0  }
0x4: {  	s25 =	simm.s32 $0x1;
	s26 =	simm.s32 $0x0;
	s4 =	smul.u32 $0x70, s0  }
0x5: {  	s8 =	sand.u32 $0x1, s1;
	s1 =	rddreg [dreg:$0x2];
	s9 =	smul.u32 $0x4F000, s0  }
0x6: {  	s16 =	sadd.s32 $0x3AA00, s6;
	s11 =	smul.u32 $0x13C00, s0;
	p0 =	seq.s32 s8, $0x0  }
0x7: {  	s7 =	ssub.s32 $0x2, s8;
	s18 =	smul.u32 $0x13C000, s8;
	s5 =	sadd.s32 $0x700, s3  }
0x8: {  	s3 =	simm.s32 $0x0;
	s30 =	sshrl.u32 s7, $0x1;
	s31 =	sshrl.u32 s9, $0x2  }
0x9: {  	s12 =	sadd.s32 $0x4000, s11;
	s14 =	sadd.s32 $0x8000, s11;
	s15 =	sadd.s32 $0xC000, s11  }
0xa: {  	s20 =	sadd.s32 $0x10000, s11;
	s5 =	smov.u32 @p0 s4;
	[smem:$0x7FF] =	sst s3  }
0xb: {  	s4 =	sadd.s32 $0x13800, s6;
	s17 =	ssub.s32 s7, s30;
	s7 =	sadd.s32 s31, s2  }
0xc: {  	s8 =	sadd.s32 s12, s2;
	s9 =	sadd.s32 s14, s2;
	s10 =	sadd.s32 s15, s2  }
0xd: {  	s13 =	sadd.s32 s11, s18;
	s12 =	sadd.s32 s18, s12;
	s11 =	sadd.s32 s20, s2  }
0xe: {  	s14 =	sadd.s32 s18, s14;
	s15 =	sadd.s32 s18, s15;
	s18 =	sadd.s32 s18, s20  }
0xf: {  	s20 =	simm.s32 $0x13D00;
	s5 =	sshll.u32 s5, $0x4;
	_ =	strace $0x80000050  }
0x10: {  	s13 =	sshrl.u32 s13, $0x3;
	s21 =	sshrl.u32 s12, $0x3;
	s14 =	sshrl.u32 s14, $0x3  }
0x11: {  	s15 =	sshrl.u32 s15, $0x3;
	s18 =	sshrl.u32 s18, $0x3;
	s17 =	smax.u32 s17, $0x1  }
0x12: {  	s19 =	sadd.s32 s5, s6;
	s5 =	sadd.s32 $0x13000, s6;
	s6 =	simm.s32 $0x70  }
0x13: {  	s12 =	sadd.s32 s16, s13;
	s13 =	sadd.s32 s16, s21;
	s14 =	sadd.s32 s16, s14  }
0x14: {  	s15 =	sadd.s32 s16, s15;
	s16 =	sadd.s32 s16, s18;
	s21 =	simm.s32 $0x2  }
0x15: {  	s6 =	simm.s32 @!p0 $0x2E;
	s18 =	sadd.s32 $0x4200, s19;
	s19 =	sadd.s32 $0xB6800, s19  }
.LBB2_1:
0x16: {  	[tilespmem:s20], [sflag:$0x2] =	stream.linear.gather [hbm4b:s5+s3], $0x4000, $0x38;
	[tilespmem:$0x17D00] =	vst v63  }
0x17: {  	_ =	swait.ge [sflag:s21], $0x4000  }
0x18: {  	[sflag:s21] =	ssyncset.done $0x0  }
0x19: {  	[sflag:s21] =	ssyncadd.s32 $0xFFFFC000  }
0x1a: {  	[spmem:s7] =	stream.linear.scatter [tilespmem:s20], [sflag:$0x2], $0x4000, $0x38;
	[tilespmem:$0x17D00] =	vst v63  }
0x1b: {  	_ =	swait.ge [sflag:s21], $0x4000  }
0x1c: {  	[sflag:s21] =	ssyncset.done $0x0  }
0x1d: {  	[sflag:s21] =	ssyncadd.s32 $0xFFFFC000  }
0x1e: {  	[spmem:s8] =	stream.linear.scatter [tilespmem:s20], [sflag:$0x2], $0x4000, $0x38;
	[tilespmem:$0x17D00] =	vst v63  }
0x1f: {  	_ =	swait.ge [sflag:s21], $0x4000  }
0x20: {  	[sflag:s21] =	ssyncset.done $0x0  }
0x21: {  	[sflag:s21] =	ssyncadd.s32 $0xFFFFC000  }
0x22: {  	[spmem:s9] =	stream.linear.scatter [tilespmem:s20], [sflag:$0x2], $0x4000, $0x38;
	[tilespmem:$0x17D00] =	vst v63  }
0x23: {  	_ =	swait.ge [sflag:s21], $0x4000  }
0x24: {  	[sflag:s21] =	ssyncset.done $0x0  }
0x25: {  	[sflag:s21] =	ssyncadd.s32 $0xFFFFC000  }
0x26: {  	[spmem:s10] =	stream.linear.scatter [tilespmem:s20], [sflag:$0x2], $0x4000, $0x38;
	[tilespmem:$0x17D00] =	vst v63  }
0x27: {  	_ =	swait.ge [sflag:s21], $0x4000  }
0x28: {  	[sflag:s21] =	ssyncset.done $0x0  }
0x29: {  	[sflag:s21] =	ssyncadd.s32 $0xFFFFC000  }
0x2a: {  	[spmem:s11] =	stream.linear.scatter [tilespmem:s20], [sflag:$0x2], $0x3C00, $0x38;
	[tilespmem:$0x17D00] =	vst v63  }
0x2b: {  	_ =	swait.ge [sflag:s21], $0x3C00  }
0x2c: {  	[sflag:s21] =	ssyncset.done $0x0  }
0x2d: {  	[sflag:s21] =	ssyncadd.s32 $0xFFFFC400  }
0x2e: {  	[bflag:$0x0] =	sbarrier.arrive $0xFFFF  }
0x2f: {  	[tilespmem:s22], [sflag:$0x2] =	stream.linear.gather [hbm4b:s19+s3], $0x80, $0x38;
	[tilespmem:$0x17D00] =	vst v63  }
0x30: {  	_ =	swait.ge [sflag:s21], $0x80  }
0x31: {  	[sflag:s21] =	ssyncset.done $0x0  }
0x32: {  	[sflag:s21] =	ssyncadd.s32 $0xFFFFFF80  }
0x33: {  	[tilespmem:s23], [sflag:$0x2] =	stream.linear.gather [hbm4b:s18+s3], $0x80, $0x38;
	[tilespmem:$0x17D00] =	vst v63  }
0x34: {  	_ =	swait.ge [sflag:s21], $0x80  }
0x35: {  	[sflag:s21] =	ssyncset.done $0x0  }
0x36: {  	[sflag:s21] =	ssyncadd.s32 $0xFFFFFF80  }
0x37: {  	[tilespmem:s20], [sflag:$0x1] =	stream.indirect.gather [hbm4b:s4+s24], $0x80, s22, s24, $0xb8;
	[tilespmem:$0x17D00] =	vst v63  }
0x38: {  	p0 =	sne.s32 s6, $0x1;
	_ =	swait.ge [sflag:s25], $0x4000  }
.Ltmp0:
0x39: {  	[sflag:s25] =	ssyncset.done $0x0;
	(pc) =	sbr.rel @!p0 .LBB2_3-.Ltmp0, $4  }
0x3a: {  	[sflag:s25] =	ssyncadd.s32 $0xFFFFC000  }
0x3b: {  	[spmem:s2] =	stream.indirect.scatter.add.f32 [tilespmem:s20], [sflag:$0x2], $0x80, s23, s24, $0xb8;
	[tilespmem:$0x17D00] =	vst v63  }
0x3c: {  	s28 =	sadd.s32 $0xFFFFFFFF, s6;
	_ =	swait.ge [sflag:s21], $0x4000  }
0x3d: {  	s29 =	smov.u32 s18;
	s30 =	smov.u32 s19;
	[sflag:s21] =	ssyncset.done $0x0  }
.LBB2_2:
0x3e: {  	[sflag:s21] =	ssyncadd.s32 $0xFFFFC000;
	s29 =	sadd.s32 $0x10, s29;
	s30 =	sadd.s32 $0x10, s30  }
0x3f: {  	[tilespmem:s22], [sflag:$0x2] =	stream.linear.gather [hbm4b:s30+s3], $0x80, $0x38;
	[tilespmem:$0x17D00] =	vst v63  }
0x40: {  	p0 =	sne.s32 s28, $0x1;
	s28 =	sadd.s32 $0xFFFFFFFF, s28;
	_ =	swait.ge [sflag:s21], $0x80  }
0x41: {  	[sflag:s21] =	ssyncset.done $0x0  }
0x42: {  	[sflag:s21] =	ssyncadd.s32 $0xFFFFFF80  }
0x43: {  	[tilespmem:s23], [sflag:$0x2] =	stream.linear.gather [hbm4b:s29+s3], $0x80, $0x38;
	[tilespmem:$0x17D00] =	vst v63  }
0x44: {  	_ =	swait.ge [sflag:s21], $0x80  }
0x45: {  	[sflag:s21] =	ssyncset.done $0x0  }
0x46: {  	[sflag:s21] =	ssyncadd.s32 $0xFFFFFF80  }
0x47: {  	[tilespmem:s20], [sflag:$0x1] =	stream.indirect.gather [hbm4b:s4+s24], $0x80, s22, s24, $0xb8;
	[tilespmem:$0x17D00] =	vst v63  }
0x48: {  	_ =	swait.ge [sflag:s25], $0x4000  }
.Ltmp1:
0x49: {  	[sflag:s25] =	ssyncset.done $0x0;
	(pc) =	sbr.rel @p0 .LBB2_2-.Ltmp1, $4  }
0x4a: {  	[sflag:s25] =	ssyncadd.s32 $0xFFFFC000  }
0x4b: {  	[spmem:s2] =	stream.indirect.scatter.add.f32 [tilespmem:s20], [sflag:$0x2], $0x80, s23, s24, $0xb8;
	[tilespmem:$0x17D00] =	vst v63  }
0x4c: {  	_ =	swait.ge [sflag:s21], $0x4000  }
0x4d: {  	[sflag:s21] =	ssyncset.done $0x0  }
.LBB2_3:
0x4e: {  	[sflag:s21] =	ssyncadd.s32 $0xFFFFC000  }
0x4f: {  	[bflag:$0x0] =	sbarrier.arrive $0xFFFF  }
0x50: {  	[tilespmem:s20], [sflag:$0x2] =	stream.linear.gather [spmem:s7], $0x4000, $0x38;
	[tilespmem:$0x17D00] =	vst v63  }
0x51: {  	_ =	swait.ge [sflag:s21], $0x4000  }
0x52: {  	[sflag:s21] =	ssyncset.done $0x0  }
0x53: {  	[sflag:s21] =	ssyncadd.s32 $0xFFFFC000  }
0x54: {  	[hbm4b:s12+s3] =	stream.linear.scatter [tilespmem:s20], [sflag:$0x2], $0x4000, $0x38;
	[tilespmem:$0x17D00] =	vst v63  }
0x55: {  	_ =	swait.ge [sflag:s21], $0x4000  }
0x56: {  	[sflag:s21] =	ssyncset.done $0x0  }
0x57: {  	[sflag:s21] =	ssyncadd.s32 $0xFFFFC000  }
0x58: {  	[tilespmem:s20], [sflag:$0x2] =	stream.linear.gather [spmem:s8], $0x4000, $0x38;
	[tilespmem:$0x17D00] =	vst v63  }
0x59: {  	_ =	swait.ge [sflag:s21], $0x4000  }
0x5a: {  	[sflag:s21] =	ssyncset.done $0x0  }
0x5b: {  	[sflag:s21] =	ssyncadd.s32 $0xFFFFC000  }
0x5c: {  	[hbm4b:s13+s3] =	stream.linear.scatter [tilespmem:s20], [sflag:$0x2], $0x4000, $0x38;
	[tilespmem:$0x17D00] =	vst v63  }
0x5d: {  	_ =	swait.ge [sflag:s21], $0x4000  }
0x5e: {  	[sflag:s21] =	ssyncset.done $0x0  }
0x5f: {  	[sflag:s21] =	ssyncadd.s32 $0xFFFFC000  }
0x60: {  	[tilespmem:s20], [sflag:$0x2] =	stream.linear.gather [spmem:s9], $0x4000, $0x38;
	[tilespmem:$0x17D00] =	vst v63  }
0x61: {  	_ =	swait.ge [sflag:s21], $0x4000  }
0x62: {  	[sflag:s21] =	ssyncset.done $0x0  }
0x63: {  	[sflag:s21] =	ssyncadd.s32 $0xFFFFC000  }
0x64: {  	[hbm4b:s14+s3] =	stream.linear.scatter [tilespmem:s20], [sflag:$0x2], $0x4000, $0x38;
	[tilespmem:$0x17D00] =	vst v63  }
0x65: {  	_ =	swait.ge [sflag:s21], $0x4000  }
0x66: {  	[sflag:s21] =	ssyncset.done $0x0  }
0x67: {  	[sflag:s21] =	ssyncadd.s32 $0xFFFFC000  }
0x68: {  	[tilespmem:s20], [sflag:$0x2] =	stream.linear.gather [spmem:s10], $0x4000, $0x38;
	[tilespmem:$0x17D00] =	vst v63  }
0x69: {  	_ =	swait.ge [sflag:s21], $0x4000  }
0x6a: {  	[sflag:s21] =	ssyncset.done $0x0  }
0x6b: {  	[sflag:s21] =	ssyncadd.s32 $0xFFFFC000  }
0x6c: {  	[hbm4b:s15+s3] =	stream.linear.scatter [tilespmem:s20], [sflag:$0x2], $0x4000, $0x38;
	[tilespmem:$0x17D00] =	vst v63  }
0x6d: {  	_ =	swait.ge [sflag:s21], $0x4000  }
0x6e: {  	[sflag:s21] =	ssyncset.done $0x0  }
0x6f: {  	[sflag:s21] =	ssyncadd.s32 $0xFFFFC000  }
0x70: {  	[tilespmem:s20], [sflag:$0x2] =	stream.linear.gather [spmem:s11], $0x3C00, $0x38;
	[tilespmem:$0x17D00] =	vst v63  }
0x71: {  	s26 =	sadd.s32 $0x1, s26;
	_ =	swait.ge [sflag:s21], $0x3C00  }
0x72: {  	p0 =	sne.s32 s26, s17;
	[sflag:s21] =	ssyncset.done $0x0  }
.Ltmp2:
0x73: {  	[sflag:s21] =	ssyncadd.s32 $0xFFFFC400;
	(pc) =	sbr.rel @p0 .LBB2_1-.Ltmp2, $4  }
0x74: {  	[hbm4b:s16+s3] =	stream.linear.scatter [tilespmem:s20], [sflag:$0x2], $0x3C00, $0x38;
	[tilespmem:$0x17D00] =	vst v63  }
0x75: {  	_ =	swait.ge [sflag:s21], $0x3C00  }
0x76: {  	[sflag:s21] =	ssyncset.done $0x0  }
0x77: {  	[sflag:s21] =	ssyncadd.s32 $0xFFFFC400  }
0x78: {  	_ =	sfence.sel $0x180000  }
0x79: {  	[bflag:$0x0] =	sbarrier.arrive $0xFFFF  }
0x7a: {  	p0 =	sne.s32 s0, $0x0;
	_ =	strace $0x90000050  }
0x7b: {  	s0 =	sadd.s32 @!p0 $0x100000, s1;
	[bflag:$0x2] =	sbarrier.arrive $0xFFFF  }
0x7c: {  	[sflag:s0] =	ssyncadd.tile.s32 @!p0 $0x1;
	_ =	shalt  }
.Lfunc_end2:
_tile_overlayer_lowered:
.L_overlay_start_2:
0x7d: {  	(tag) =	ssettag $0x2  }
0x7e: {  	s0 =	rddreg [dreg:$0x0];
	s2 =	stileid.u32  }
0x7f: {  	s1 =	rddreg [dreg:$0x1];
	p0 =	sne.s32 s2, $0x0  }
0x80: {  	s3 =	rddreg [dreg:$0x2];
	[bflag:$0x3] =	sbarrier.arrive $0xFFFF;
	s2 =	simm.s32 @!p0 $0x1C02  }
0x81: {  	[timem:s3], [sflag:s2] =	dma.local @!p0 [hbm:s0], s1  }
0x82: {  	s0 =	simm.s32 @!p0 $0x2  }
0x83: {  	_ =	swait.ge @!p0 [sflag:s0], s1  }
0x84: {  	s1 =	ssub.s32 @!p0 $0x0, s1;
	[sflag:s0] =	ssyncset.done @!p0 $0x0  }
0x85: {  	[sflag:s0] =	ssyncadd.s32 @!p0 s1  }
0x86: {  	[bflag:$0x3] =	sbarrier.arrive $0xFFFF  }
0x87: {  	_ =	shalt  }

</sc_bundles>
